<compile_context>
chip_gen: v7x
topology: tpu7x:2x2x1
jax: 0.10.2.dev20260603
libtpu: 0.0.44.dev20260713+nightly
codegen_flags: <defaults>
</compile_context>

<pallas_src>
import functools

import jax
import jax.numpy as jnp
from jax import lax
from jax.experimental import pallas as pl
from jax.experimental.pallas import tpu as pltpu
from jax.experimental.pallas import tpu_sc as plsc

B = 16384
F = 26
V = 100000
D = 16
ND = 13

NC = 2
NS = 16
NW = NC * NS

B_PER_W = B // NW
CHUNK = 128
N_CHUNK = B_PER_W // CHUNK


def _gather_body(tbl_hbm, idx_hbm, out_hbm, idx_v, rows_v, sem):
    wid = lax.axis_index("s") * NC + lax.axis_index("c")
    b0 = wid * B_PER_W
    pltpu.sync_copy(idx_hbm.at[:, pl.ds(b0, B_PER_W)], idx_v)

    def field(f, carry):
        copies = []
        for j in range(N_CHUNK):
            copies.append(
                pltpu.async_copy(
                    tbl_hbm.at[f].at[idx_v.at[f, pl.ds(j * CHUNK, CHUNK)]],
                    rows_v.at[pl.ds(j * CHUNK, CHUNK)],
                    sem,
                )
            )
        for c in copies:
            c.wait()
        pltpu.sync_copy(rows_v, out_hbm.at[pl.ds(b0, B_PER_W), pl.ds(f * D, D)])
        return carry

    lax.fori_loop(0, F, field, 0)


def _sc_gather(tables, inputs_sparse):
    mesh = plsc.VectorSubcoreMesh(core_axis_name="c", subcore_axis_name="s")
    return pl.kernel(
        _gather_body,
        out_type=jax.ShapeDtypeStruct((B, F * D), jnp.float32),
        mesh=mesh,
        scratch_types=[
            pltpu.VMEM((F, B_PER_W), jnp.int32),
            pltpu.VMEM((B_PER_W, D), jnp.float32),
            pltpu.SemaphoreType.DMA,
        ],
        compiler_params=pltpu.CompilerParams(use_tc_tiling_on_sc=False),
    )(tables, inputs_sparse)


CP_LANES = 512
FULL_CP = V // CP_LANES
RPI = CP_LANES // 8
TAIL_LANES = V - FULL_CP * CP_LANES
N_FULL = F * FULL_CP
MAIN_ITEMS = (N_FULL // NW) // 2 * 2
DBL = MAIN_ITEMS // 2
IN_W = CP_LANES + 1
RPF = V // 8
RPF_PAD = 12504
VPAD = RPF_PAD * 8


def _tr_body(tbl_hbm, tail_hbm, out_hbm,
             in_a, in_b, out_a, out_b, sia, sib, soa, sob):
    wid = lax.axis_index("s") * NC + lax.axis_index("c")
    lanes = jax.lax.iota(jnp.int32, 16)
    zeros = jnp.full((16,), 0, jnp.int32)

    def in_src(t):
        return tbl_hbm.at[t // FULL_CP, :,
                          pl.ds((t % FULL_CP) * CP_LANES, CP_LANES)]

    def out_dst(t):
        return out_hbm.at[pl.ds((t // FULL_CP) * RPF_PAD
                                + (t % FULL_CP) * RPI, RPI)]

    def compute(in_v, out_v):
        def gath(r):
            return tuple(plsc.load_gather(in_v, [lanes, zeros + (8 * r + k)])
                         for k in range(8))

        def qloop(r, gs):
            gs_new = gath(r)
            for k in range(8):
                out_v[r - 1, pl.ds(16 * k, 16)] = gs[k]
            return gs_new

        gs = lax.fori_loop(1, RPI, qloop, gath(0))
        for k in range(8):
            out_v[RPI - 1, pl.ds(16 * k, 16)] = gs[k]

    pltpu.async_copy(in_src(wid), in_a.at[:, pl.ds(0, CP_LANES)], sia)

    def dbl(j, carry):
        t0 = (2 * j) * NW + wid
        t1 = t0 + NW
        pltpu.async_copy(in_src(t1), in_b.at[:, pl.ds(0, CP_LANES)], sib)
        pltpu.make_async_copy(in_src(t0),
                              in_a.at[:, pl.ds(0, CP_LANES)], sia).wait()
        @pl.when(j > 0)
        def _():
            pltpu.make_async_copy(out_a, out_dst(t0), soa).wait()
        compute(in_a, out_a)
        pltpu.async_copy(out_a, out_dst(t0), soa)
        @pl.when(j < DBL - 1)
        def _():
            pltpu.async_copy(in_src(t0 + 2 * NW),
                             in_a.at[:, pl.ds(0, CP_LANES)], sia)
        pltpu.make_async_copy(in_src(t1),
                              in_b.at[:, pl.ds(0, CP_LANES)], sib).wait()
        @pl.when(j > 0)
        def _():
            pltpu.make_async_copy(out_b, out_dst(t1), sob).wait()
        compute(in_b, out_b)
        pltpu.async_copy(out_b, out_dst(t1), sob)
        return carry

    lax.fori_loop(0, DBL, dbl, 0)
    pltpu.make_async_copy(out_a, out_dst(0), soa).wait()
    pltpu.make_async_copy(out_b, out_dst(0), sob).wait()

    t_last = MAIN_ITEMS * NW + wid
    @pl.when(t_last < N_FULL)
    def _():
        pltpu.sync_copy(in_src(t_last), in_a.at[:, pl.ds(0, CP_LANES)])
        compute(in_a, out_a)
        pltpu.sync_copy(out_a, out_dst(t_last))

    @pl.when(wid < F)
    def _():
        f = wid
        pltpu.sync_copy(
            tail_hbm.at[f],
            out_hbm.at[pl.ds(f * RPF_PAD + FULL_CP * RPI, 24)],
        )


def _transpose_tables(tablesT, tail):
    mesh = plsc.VectorSubcoreMesh(core_axis_name="c", subcore_axis_name="s")
    return pl.kernel(
        _tr_body,
        out_type=jax.ShapeDtypeStruct((F * RPF_PAD, 8 * D), jnp.float32),
        mesh=mesh,
        scratch_types=[
            pltpu.VMEM((D, IN_W), jnp.float32),
            pltpu.VMEM((D, IN_W), jnp.float32),
            pltpu.VMEM((RPI, 8 * D), jnp.float32),
            pltpu.VMEM((RPI, 8 * D), jnp.float32),
            pltpu.SemaphoreType.DMA,
            pltpu.SemaphoreType.DMA,
            pltpu.SemaphoreType.DMA,
            pltpu.SemaphoreType.DMA,
        ],
        compiler_params=pltpu.CompilerParams(
            use_tc_tiling_on_sc=True, needs_layout_passes=False),
    )(tablesT, tail)


def _mlp_body(emb_ref, dense_ref, wbot_ref, bbot_ref, w1a_ref, w1b_ref,
              b1_ref, w2_ref, b2_ref, w3_ref, b3_ref, w4_ref, b4_ref,
              out_ref):
    f32 = jnp.float32
    demb = jnp.dot(dense_ref[...], wbot_ref[...], preferred_element_type=f32)
    demb = demb + bbot_ref[...]
    h = jnp.dot(emb_ref[...], w1a_ref[...], preferred_element_type=f32)
    h = h + jnp.dot(demb, w1b_ref[...], preferred_element_type=f32)
    h = jnp.maximum(h + b1_ref[...], 0.0)
    h = jnp.maximum(jnp.dot(h, w2_ref[...], preferred_element_type=f32) + b2_ref[...], 0.0)
    h = jnp.maximum(jnp.dot(h, w3_ref[...], preferred_element_type=f32) + b3_ref[...], 0.0)
    o = jnp.dot(h, w4_ref[...], preferred_element_type=f32) + b4_ref[...]
    out_ref[...] = jax.nn.sigmoid(o)


_BB = 2048


def _mlp(emb, dense, wbot, bbot, w1a, w1b, b1, w2, b2, w3, b3, w4, b4):
    full = lambda shape: pl.BlockSpec(shape, lambda i: (0, 0))
    return pl.pallas_call(
        _mlp_body,
        grid=(B // _BB,),
        in_specs=[
            pl.BlockSpec((_BB, F * D), lambda i: (i, 0)),
            pl.BlockSpec((_BB, ND), lambda i: (i, 0)),
            full((ND, D)),
            full((1, D)),
            full((F * D, 256)),
            full((D, 256)),
            full((1, 256)),
            full((256, 128)),
            full((1, 128)),
            full((128, 64)),
            full((1, 64)),
            full((64, 1)),
            full((1, 1)),
        ],
        out_specs=pl.BlockSpec((_BB, 1), lambda i: (i, 0)),
        out_shape=jax.ShapeDtypeStruct((B, 1), jnp.float32),
    )(emb, dense, wbot, bbot, w1a, w1b, b1, w2, b2, w3, b3, w4, b4)


def kernel(inputs_sparse, inputs_dense, tables, W_bot, b_bot,
           W1, b1, W2, b2, W3, b3, W4, b4):
    tablesT = jnp.swapaxes(tables, 1, 2)
    tail = jnp.swapaxes(tablesT[:, :, FULL_CP * CP_LANES:], 1, 2)
    tail = jnp.pad(tail.reshape(F, TAIL_LANES // 8, 8 * D),
                   ((0, 0), (0, 4), (0, 0)))
    t3 = _transpose_tables(tablesT, tail).reshape(F, VPAD, D)
    emb = _sc_gather(t3, inputs_sparse.astype(jnp.int32))

    out = _mlp(
        emb, inputs_dense, W_bot, b_bot.reshape(1, D),
        W1[: F * D], W1[F * D:], b1.reshape(1, 256),
        W2, b2.reshape(1, 128), W3, b3.reshape(1, 64),
        W4, b4.reshape(1, 1),
    )
    return out.reshape(-1)

# --- scband reference (transcript-rebuilt; emitter-appended) ---
"""Pipeline reference for scband-dlrm-5437428597128 (READ-ONLY COPY).

The authoritative reference and input builder live on the scoring server;
editing this copy changes nothing except your own understanding.
"""

import jax, jax.numpy as jnp
import numpy as np

B = 16384
F = 26
V = 100000
D = 16
ND = 13


def setup_inputs(seed: int = 0) -> dict:
    key = jax.random.key(seed)
    ks = jax.random.split(key, 12)
    inputs_sparse = jax.random.randint(ks[0], (F, B), 0, V)
    inputs_dense = jax.random.normal(ks[1], (B, ND), dtype=jnp.float32)
    tables = jax.random.uniform(ks[2], (F, V, D), minval=-0.05, maxval=0.05, dtype=jnp.float32)
    W_bot = jax.random.normal(ks[3], (ND, D), dtype=jnp.float32) * 0.1
    b_bot = jnp.zeros((D,), dtype=jnp.float32)
    d_top = D * (F + 1)
    W1 = jax.random.normal(ks[4], (d_top, 256), dtype=jnp.float32) * 0.05
    b1 = jnp.zeros((256,), dtype=jnp.float32)
    W2 = jax.random.normal(ks[5], (256, 128), dtype=jnp.float32) * 0.05
    b2 = jnp.zeros((128,), dtype=jnp.float32)
    W3 = jax.random.normal(ks[6], (128, 64), dtype=jnp.float32) * 0.05
    b3 = jnp.zeros((64,), dtype=jnp.float32)
    W4 = jax.random.normal(ks[7], (64, 1), dtype=jnp.float32) * 0.05
    b4 = jnp.zeros((1,), dtype=jnp.float32)
    return {
        "inputs_sparse": inputs_sparse,
        "inputs_dense": inputs_dense,
        "tables": tables,
        "W_bot": W_bot, "b_bot": b_bot,
        "W1": W1, "b1": b1,
        "W2": W2, "b2": b2,
        "W3": W3, "b3": b3,
        "W4": W4, "b4": b4,
    }


def reference(inputs_sparse, inputs_dense, tables, W_bot, b_bot, W1, b1, W2, b2, W3, b3, W4, b4):
    # per-field embedding lookup: tables[i][indices[i]] -> [F, B, D]
    emb = jax.vmap(lambda t, idx: jnp.take(t, idx, axis=0))(tables, inputs_sparse)
    emb = jnp.transpose(emb, (1, 0, 2)).reshape(B, F * D)
    # bot_mlp_units == [] -> single Linear(num_dense, emb_dim), no ReLU
    dense_emb = inputs_dense @ W_bot + b_bot
    x = jnp.concatenate([emb, dense_emb], axis=1)  # [B, D*(F+1)]
    x = jax.nn.relu(x @ W1 + b1)
    x = jax.nn.relu(x @ W2 + b2)
    x = jax.nn.relu(x @ W3 + b3)
    x = jax.nn.sigmoid(x @ W4 + b4)
    return x.reshape(-1)

if __name__ == "__main__":
    import jax
    _d = setup_inputs()
    print(jax.jit(kernel)(*tuple(_d.values())))

</pallas_src>

<mosaic_0001>
#map = affine_map<(d0, d1) -> (0, 0, 0)>
#map1 = affine_map<(d0, d1) -> (0, 0)>
module attributes {stable_mosaic.version = 14 : i64} {
  func.func @_gather_body(%arg0: i32, %arg1: i32, %arg2: memref<26x100032x16xf32, #tpu.memory_space<hbm>>, %arg3: memref<26x16384xi32, #tpu.memory_space<hbm>>, %arg4: memref<16384x416xf32, #tpu.memory_space<hbm>>, %arg5: memref<26x512xi32, #tpu.memory_space<vmem>>, %arg6: memref<512x16xf32, #tpu.memory_space<vmem>>, %arg7: memref<!tpu.dma_semaphore, #tpu.memory_space<semaphore_mem>>) attributes {dimension_semantics = [#tpu.dimension_semantics<core_parallel>, #tpu.dimension_semantics<subcore_parallel>], iteration_bounds = array<i64: 2, 16>, scalar_prefetch = 0 : i64, scratch_operands = 3 : i64, tpu.core_type = #tpu.core_type<sc_vector_subcore>, window_params = [{transform_indices = #map}, {transform_indices = #map1}, {transform_indices = #map1}]} {
    %mul3A = arith.constant 2 : i32
    %mul3A_0 = arith.muli %arg1, %mul3A : i32
    %add3A = arith.addi %mul3A_0, %arg0 : i32
    %mul3A_1 = arith.constant 512 : i32
    %mul3A_2 = arith.muli %add3A, %mul3A_1 : i32
    "tpu.region"() ({
      %run_scoped3A = tpu.sem_alloc : memref<!tpu.dma_semaphore, #tpu.memory_space<semaphore_mem>>
      %dma_start3A = arith.constant 0 : i32
      %dma_start3A_8 = tpu.memref_slice %arg3[%dma_start3A, %mul3A_2] : memref<26x16384xi32, #tpu.memory_space<hbm>> -> memref<26x512xi32, #tpu.memory_space<hbm>>
      %dma_start3A_9 = arith.constant 0 : i32
      %dma_start3A_10 = tpu.memref_slice %arg3[%dma_start3A_9, %mul3A_2] : memref<26x16384xi32, #tpu.memory_space<hbm>> -> memref<26x512xi32, #tpu.memory_space<hbm>>
      tpu.enqueue_dma source(%dma_start3A_10 : memref<26x512xi32, #tpu.memory_space<hbm>>) target(%arg5 : memref<26x512xi32, #tpu.memory_space<vmem>>) target_semaphore(%run_scoped3A : memref<!tpu.dma_semaphore, #tpu.memory_space<semaphore_mem>>)
      %dma_wait3A = arith.constant 0 : i32
      %dma_wait3A_11 = tpu.memref_slice %arg3[%dma_wait3A, %mul3A_2] : memref<26x16384xi32, #tpu.memory_space<hbm>> -> memref<26x512xi32, #tpu.memory_space<hbm>>
      %dma_wait3A_12 = arith.constant 0 : i32
      %dma_wait3A_13 = tpu.memref_slice %arg3[%dma_wait3A_12, %mul3A_2] : memref<26x16384xi32, #tpu.memory_space<hbm>> -> memref<26x512xi32, #tpu.memory_space<hbm>>
      tpu.wait_dma2 semaphore(%run_scoped3A : memref<!tpu.dma_semaphore, #tpu.memory_space<semaphore_mem>>) src(%dma_wait3A_13 : memref<26x512xi32, #tpu.memory_space<hbm>>) dst(%arg5 : memref<26x512xi32, #tpu.memory_space<vmem>>)
      tpu.yield
    }) : () -> ()
    %scan3A = arith.constant 0 : i32
    %scan3A_3 = arith.constant 0 : i32
    %scan3A_4 = arith.constant 26 : i32
    %scan3A_5 = arith.addi %scan3A_3, %scan3A_4 : i32
    %scan3A_6 = arith.constant 1 : i32
    scf.for %scan3A_8 = %scan3A_3 to %scan3A_5 step %scan3A_6  : i32 {
      %dma_start3A = arith.constant 0 : i32
      %dma_start3A_9 = arith.constant 0 : i32
      %dma_start3A_10 = tpu.memref_slice %arg6[%dma_start3A, %dma_start3A_9] : memref<512x16xf32, #tpu.memory_space<vmem>> -> memref<128x16xf32, #tpu.memory_space<vmem>>
      %dma_start3A_11 = arith.constant 0 : i32
      %dma_start3A_12 = tpu.memref_slice %arg5[%scan3A_8, %dma_start3A_11] : memref<26x512xi32, #tpu.memory_space<vmem>> -> memref<1x128xi32, #tpu.memory_space<vmem>>
      %dma_start3A_13 = tpu.memref_squeeze %dma_start3A_12 : memref<1x128xi32, #tpu.memory_space<vmem>> -> memref<128xi32, #tpu.memory_space<vmem>>
      %dma_start3A_14 = arith.constant 0 : i32
      %dma_start3A_15 = arith.constant 0 : i32
      %dma_start3A_16 = tpu.memref_slice %arg2[%scan3A_8, %dma_start3A_14, %dma_start3A_15] : memref<26x100032x16xf32, #tpu.memory_space<hbm>> -> memref<1x100032x16xf32, #tpu.memory_space<hbm>>
      %dma_start3A_17 = tpu.memref_squeeze %dma_start3A_16 : memref<1x100032x16xf32, #tpu.memory_space<hbm>> -> memref<100032x16xf32, #tpu.memory_space<hbm>>
      %dma_start3A_18 = arith.constant 0 : i32
      %dma_start3A_19 = arith.constant 0 : i32
      %dma_start3A_20 = tpu.memref_slice %dma_start3A_17[%dma_start3A_18, %dma_start3A_19] : memref<100032x16xf32, #tpu.memory_space<hbm>> -> memref<100032x16xf32, #tpu.memory_space<hbm>>
      tpu.enqueue_indirect_dma source(%dma_start3A_20 : memref<100032x16xf32, #tpu.memory_space<hbm>>) target(%dma_start3A_10 : memref<128x16xf32, #tpu.memory_space<vmem>>) offsets(%dma_start3A_13 : memref<128xi32, #tpu.memory_space<vmem>>) semaphore(%arg7 : memref<!tpu.dma_semaphore, #tpu.memory_space<semaphore_mem>>)
      %dma_start3A_21 = arith.constant 128 : i32
      %dma_start3A_22 = arith.constant 0 : i32
      %dma_start3A_23 = tpu.memref_slice %arg6[%dma_start3A_21, %dma_start3A_22] : memref<512x16xf32, #tpu.memory_space<vmem>> -> memref<128x16xf32, #tpu.memory_space<vmem>>
      %dma_start3A_24 = arith.constant 128 : i32
      %dma_start3A_25 = tpu.memref_slice %arg5[%scan3A_8, %dma_start3A_24] : memref<26x512xi32, #tpu.memory_space<vmem>> -> memref<1x128xi32, #tpu.memory_space<vmem>>
      %dma_start3A_26 = tpu.memref_squeeze %dma_start3A_25 : memref<1x128xi32, #tpu.memory_space<vmem>> -> memref<128xi32, #tpu.memory_space<vmem>>
      %dma_start3A_27 = arith.constant 0 : i32
      %dma_start3A_28 = arith.constant 0 : i32
      %dma_start3A_29 = tpu.memref_slice %arg2[%scan3A_8, %dma_start3A_27, %dma_start3A_28] : memref<26x100032x16xf32, #tpu.memory_space<hbm>> -> memref<1x100032x16xf32, #tpu.memory_space<hbm>>
      %dma_start3A_30 = tpu.memref_squeeze %dma_start3A_29 : memref<1x100032x16xf32, #tpu.memory_space<hbm>> -> memref<100032x16xf32, #tpu.memory_space<hbm>>
      %dma_start3A_31 = arith.constant 0 : i32
      %dma_start3A_32 = arith.constant 0 : i32
      %dma_start3A_33 = tpu.memref_slice %dma_start3A_30[%dma_start3A_31, %dma_start3A_32] : memref<100032x16xf32, #tpu.memory_space<hbm>> -> memref<100032x16xf32, #tpu.memory_space<hbm>>
      tpu.enqueue_indirect_dma source(%dma_start3A_33 : memref<100032x16xf32, #tpu.memory_space<hbm>>) target(%dma_start3A_23 : memref<128x16xf32, #tpu.memory_space<vmem>>) offsets(%dma_start3A_26 : memref<128xi32, #tpu.memory_space<vmem>>) semaphore(%arg7 : memref<!tpu.dma_semaphore, #tpu.memory_space<semaphore_mem>>)
      %dma_start3A_34 = arith.constant 256 : i32
      %dma_start3A_35 = arith.constant 0 : i32
      %dma_start3A_36 = tpu.memref_slice %arg6[%dma_start3A_34, %dma_start3A_35] : memref<512x16xf32, #tpu.memory_space<vmem>> -> memref<128x16xf32, #tpu.memory_space<vmem>>
      %dma_start3A_37 = arith.constant 256 : i32
      %dma_start3A_38 = tpu.memref_slice %arg5[%scan3A_8, %dma_start3A_37] : memref<26x512xi32, #tpu.memory_space<vmem>> -> memref<1x128xi32, #tpu.memory_space<vmem>>
      %dma_start3A_39 = tpu.memref_squeeze %dma_start3A_38 : memref<1x128xi32, #tpu.memory_space<vmem>> -> memref<128xi32, #tpu.memory_space<vmem>>
      %dma_start3A_40 = arith.constant 0 : i32
      %dma_start3A_41 = arith.constant 0 : i32
      %dma_start3A_42 = tpu.memref_slice %arg2[%scan3A_8, %dma_start3A_40, %dma_start3A_41] : memref<26x100032x16xf32, #tpu.memory_space<hbm>> -> memref<1x100032x16xf32, #tpu.memory_space<hbm>>
      %dma_start3A_43 = tpu.memref_squeeze %dma_start3A_42 : memref<1x100032x16xf32, #tpu.memory_space<hbm>> -> memref<100032x16xf32, #tpu.memory_space<hbm>>
      %dma_start3A_44 = arith.constant 0 : i32
      %dma_start3A_45 = arith.constant 0 : i32
      %dma_start3A_46 = tpu.memref_slice %dma_start3A_43[%dma_start3A_44, %dma_start3A_45] : memref<100032x16xf32, #tpu.memory_space<hbm>> -> memref<100032x16xf32, #tpu.memory_space<hbm>>
      tpu.enqueue_indirect_dma source(%dma_start3A_46 : memref<100032x16xf32, #tpu.memory_space<hbm>>) target(%dma_start3A_36 : memref<128x16xf32, #tpu.memory_space<vmem>>) offsets(%dma_start3A_39 : memref<128xi32, #tpu.memory_space<vmem>>) semaphore(%arg7 : memref<!tpu.dma_semaphore, #tpu.memory_space<semaphore_mem>>)
      %dma_start3A_47 = arith.constant 384 : i32
      %dma_start3A_48 = arith.constant 0 : i32
      %dma_start3A_49 = tpu.memref_slice %arg6[%dma_start3A_47, %dma_start3A_48] : memref<512x16xf32, #tpu.memory_space<vmem>> -> memref<128x16xf32, #tpu.memory_space<vmem>>
      %dma_start3A_50 = arith.constant 384 : i32
      %dma_start3A_51 = tpu.memref_slice %arg5[%scan3A_8, %dma_start3A_50] : memref<26x512xi32, #tpu.memory_space<vmem>> -> memref<1x128xi32, #tpu.memory_space<vmem>>
      %dma_start3A_52 = tpu.memref_squeeze %dma_start3A_51 : memref<1x128xi32, #tpu.memory_space<vmem>> -> memref<128xi32, #tpu.memory_space<vmem>>
      %dma_start3A_53 = arith.constant 0 : i32
      %dma_start3A_54 = arith.constant 0 : i32
      %dma_start3A_55 = tpu.memref_slice %arg2[%scan3A_8, %dma_start3A_53, %dma_start3A_54] : memref<26x100032x16xf32, #tpu.memory_space<hbm>> -> memref<1x100032x16xf32, #tpu.memory_space<hbm>>
      %dma_start3A_56 = tpu.memref_squeeze %dma_start3A_55 : memref<1x100032x16xf32, #tpu.memory_space<hbm>> -> memref<100032x16xf32, #tpu.memory_space<hbm>>
      %dma_start3A_57 = arith.constant 0 : i32
      %dma_start3A_58 = arith.constant 0 : i32
      %dma_start3A_59 = tpu.memref_slice %dma_start3A_56[%dma_start3A_57, %dma_start3A_58] : memref<100032x16xf32, #tpu.memory_space<hbm>> -> memref<100032x16xf32, #tpu.memory_space<hbm>>
      tpu.enqueue_indirect_dma source(%dma_start3A_59 : memref<100032x16xf32, #tpu.memory_space<hbm>>) target(%dma_start3A_49 : memref<128x16xf32, #tpu.memory_space<vmem>>) offsets(%dma_start3A_52 : memref<128xi32, #tpu.memory_space<vmem>>) semaphore(%arg7 : memref<!tpu.dma_semaphore, #tpu.memory_space<semaphore_mem>>)
      %dma_wait3A = arith.constant 0 : i32
      %dma_wait3A_60 = arith.constant 0 : i32
      %dma_wait3A_61 = tpu.memref_slice %arg6[%dma_wait3A, %dma_wait3A_60] : memref<512x16xf32, #tpu.memory_space<vmem>> -> memref<128x16xf32, #tpu.memory_space<vmem>>
      %dma_wait3A_62 = arith.constant 0 : i32
      %dma_wait3A_63 = tpu.memref_slice %arg5[%scan3A_8, %dma_wait3A_62] : memref<26x512xi32, #tpu.memory_space<vmem>> -> memref<1x128xi32, #tpu.memory_space<vmem>>
      %dma_wait3A_64 = tpu.memref_squeeze %dma_wait3A_63 : memref<1x128xi32, #tpu.memory_space<vmem>> -> memref<128xi32, #tpu.memory_space<vmem>>
      %dma_wait3A_65 = arith.constant 0 : i32
      %dma_wait3A_66 = arith.constant 0 : i32
      %dma_wait3A_67 = tpu.memref_slice %arg2[%scan3A_8, %dma_wait3A_65, %dma_wait3A_66] : memref<26x100032x16xf32, #tpu.memory_space<hbm>> -> memref<1x100032x16xf32, #tpu.memory_space<hbm>>
      %dma_wait3A_68 = tpu.memref_squeeze %dma_wait3A_67 : memref<1x100032x16xf32, #tpu.memory_space<hbm>> -> memref<100032x16xf32, #tpu.memory_space<hbm>>
      %dma_wait3A_69 = arith.constant 0 : i32
      %dma_wait3A_70 = arith.constant 0 : i32
      %dma_wait3A_71 = tpu.memref_slice %dma_wait3A_68[%dma_wait3A_69, %dma_wait3A_70] : memref<100032x16xf32, #tpu.memory_space<hbm>> -> memref<100032x16xf32, #tpu.memory_space<hbm>>
      tpu.wait_indirect_dma semaphore(%arg7 : memref<!tpu.dma_semaphore, #tpu.memory_space<semaphore_mem>>) src(%dma_wait3A_71 : memref<100032x16xf32, #tpu.memory_space<hbm>>) dst(%dma_wait3A_61 : memref<128x16xf32, #tpu.memory_space<vmem>>)
      %dma_wait3A_72 = arith.constant 128 : i32
      %dma_wait3A_73 = arith.constant 0 : i32
      %dma_wait3A_74 = tpu.memref_slice %arg6[%dma_wait3A_72, %dma_wait3A_73] : memref<512x16xf32, #tpu.memory_space<vmem>> -> memref<128x16xf32, #tpu.memory_space<vmem>>
      %dma_wait3A_75 = arith.constant 128 : i32
      %dma_wait3A_76 = tpu.memref_slice %arg5[%scan3A_8, %dma_wait3A_75] : memref<26x512xi32, #tpu.memory_space<vmem>> -> memref<1x128xi32, #tpu.memory_space<vmem>>
      %dma_wait3A_77 = tpu.memref_squeeze %dma_wait3A_76 : memref<1x128xi32, #tpu.memory_space<vmem>> -> memref<128xi32, #tpu.memory_space<vmem>>
      %dma_wait3A_78 = arith.constant 0 : i32
      %dma_wait3A_79 = arith.constant 0 : i32
      %dma_wait3A_80 = tpu.memref_slice %arg2[%scan3A_8, %dma_wait3A_78, %dma_wait3A_79] : memref<26x100032x16xf32, #tpu.memory_space<hbm>> -> memref<1x100032x16xf32, #tpu.memory_space<hbm>>
      %dma_wait3A_81 = tpu.memref_squeeze %dma_wait3A_80 : memref<1x100032x16xf32, #tpu.memory_space<hbm>> -> memref<100032x16xf32, #tpu.memory_space<hbm>>
      %dma_wait3A_82 = arith.constant 0 : i32
      %dma_wait3A_83 = arith.constant 0 : i32
      %dma_wait3A_84 = tpu.memref_slice %dma_wait3A_81[%dma_wait3A_82, %dma_wait3A_83] : memref<100032x16xf32, #tpu.memory_space<hbm>> -> memref<100032x16xf32, #tpu.memory_space<hbm>>
      tpu.wait_indirect_dma semaphore(%arg7 : memref<!tpu.dma_semaphore, #tpu.memory_space<semaphore_mem>>) src(%dma_wait3A_84 : memref<100032x16xf32, #tpu.memory_space<hbm>>) dst(%dma_wait3A_74 : memref<128x16xf32, #tpu.memory_space<vmem>>)
      %dma_wait3A_85 = arith.constant 256 : i32
      %dma_wait3A_86 = arith.constant 0 : i32
      %dma_wait3A_87 = tpu.memref_slice %arg6[%dma_wait3A_85, %dma_wait3A_86] : memref<512x16xf32, #tpu.memory_space<vmem>> -> memref<128x16xf32, #tpu.memory_space<vmem>>
      %dma_wait3A_88 = arith.constant 256 : i32
      %dma_wait3A_89 = tpu.memref_slice %arg5[%scan3A_8, %dma_wait3A_88] : memref<26x512xi32, #tpu.memory_space<vmem>> -> memref<1x128xi32, #tpu.memory_space<vmem>>
      %dma_wait3A_90 = tpu.memref_squeeze %dma_wait3A_89 : memref<1x128xi32, #tpu.memory_space<vmem>> -> memref<128xi32, #tpu.memory_space<vmem>>
      %dma_wait3A_91 = arith.constant 0 : i32
      %dma_wait3A_92 = arith.constant 0 : i32
      %dma_wait3A_93 = tpu.memref_slice %arg2[%scan3A_8, %dma_wait3A_91, %dma_wait3A_92] : memref<26x100032x16xf32, #tpu.memory_space<hbm>> -> memref<1x100032x16xf32, #tpu.memory_space<hbm>>
      %dma_wait3A_94 = tpu.memref_squeeze %dma_wait3A_93 : memref<1x100032x16xf32, #tpu.memory_space<hbm>> -> memref<100032x16xf32, #tpu.memory_space<hbm>>
      %dma_wait3A_95 = arith.constant 0 : i32
      %dma_wait3A_96 = arith.constant 0 : i32
      %dma_wait3A_97 = tpu.memref_slice %dma_wait3A_94[%dma_wait3A_95, %dma_wait3A_96] : memref<100032x16xf32, #tpu.memory_space<hbm>> -> memref<100032x16xf32, #tpu.memory_space<hbm>>
      tpu.wait_indirect_dma semaphore(%arg7 : memref<!tpu.dma_semaphore, #tpu.memory_space<semaphore_mem>>) src(%dma_wait3A_97 : memref<100032x16xf32, #tpu.memory_space<hbm>>) dst(%dma_wait3A_87 : memref<128x16xf32, #tpu.memory_space<vmem>>)
      %dma_wait3A_98 = arith.constant 384 : i32
      %dma_wait3A_99 = arith.constant 0 : i32
      %dma_wait3A_100 = tpu.memref_slice %arg6[%dma_wait3A_98, %dma_wait3A_99] : memref<512x16xf32, #tpu.memory_space<vmem>> -> memref<128x16xf32, #tpu.memory_space<vmem>>
      %dma_wait3A_101 = arith.constant 384 : i32
      %dma_wait3A_102 = tpu.memref_slice %arg5[%scan3A_8, %dma_wait3A_101] : memref<26x512xi32, #tpu.memory_space<vmem>> -> memref<1x128xi32, #tpu.memory_space<vmem>>
      %dma_wait3A_103 = tpu.memref_squeeze %dma_wait3A_102 : memref<1x128xi32, #tpu.memory_space<vmem>> -> memref<128xi32, #tpu.memory_space<vmem>>
      %dma_wait3A_104 = arith.constant 0 : i32
      %dma_wait3A_105 = arith.constant 0 : i32
      %dma_wait3A_106 = tpu.memref_slice %arg2[%scan3A_8, %dma_wait3A_104, %dma_wait3A_105] : memref<26x100032x16xf32, #tpu.memory_space<hbm>> -> memref<1x100032x16xf32, #tpu.memory_space<hbm>>
      %dma_wait3A_107 = tpu.memref_squeeze %dma_wait3A_106 : memref<1x100032x16xf32, #tpu.memory_space<hbm>> -> memref<100032x16xf32, #tpu.memory_space<hbm>>
      %dma_wait3A_108 = arith.constant 0 : i32
      %dma_wait3A_109 = arith.constant 0 : i32
      %dma_wait3A_110 = tpu.memref_slice %dma_wait3A_107[%dma_wait3A_108, %dma_wait3A_109] : memref<100032x16xf32, #tpu.memory_space<hbm>> -> memref<100032x16xf32, #tpu.memory_space<hbm>>
      tpu.wait_indirect_dma semaphore(%arg7 : memref<!tpu.dma_semaphore, #tpu.memory_space<semaphore_mem>>) src(%dma_wait3A_110 : memref<100032x16xf32, #tpu.memory_space<hbm>>) dst(%dma_wait3A_100 : memref<128x16xf32, #tpu.memory_space<vmem>>)
      %mul3A_111 = arith.constant 16 : i32
      %mul3A_112 = arith.muli %scan3A_8, %mul3A_111 : i32
      "tpu.region"() ({
        %run_scoped3A = tpu.sem_alloc : memref<!tpu.dma_semaphore, #tpu.memory_space<semaphore_mem>>
        %dma_start3A_113 = tpu.memref_slice %arg4[%mul3A_2, %mul3A_112] : memref<16384x416xf32, #tpu.memory_space<hbm>> -> memref<512x16xf32, #tpu.memory_space<hbm>>
        %dma_start3A_114 = tpu.memref_slice %arg4[%mul3A_2, %mul3A_112] : memref<16384x416xf32, #tpu.memory_space<hbm>> -> memref<512x16xf32, #tpu.memory_space<hbm>>
        tpu.enqueue_dma source(%arg6 : memref<512x16xf32, #tpu.memory_space<vmem>>) target(%dma_start3A_114 : memref<512x16xf32, #tpu.memory_space<hbm>>) target_semaphore(%run_scoped3A : memref<!tpu.dma_semaphore, #tpu.memory_space<semaphore_mem>>)
        %dma_wait3A_115 = tpu.memref_slice %arg4[%mul3A_2, %mul3A_112] : memref<16384x416xf32, #tpu.memory_space<hbm>> -> memref<512x16xf32, #tpu.memory_space<hbm>>
        %dma_wait3A_116 = tpu.memref_slice %arg4[%mul3A_2, %mul3A_112] : memref<16384x416xf32, #tpu.memory_space<hbm>> -> memref<512x16xf32, #tpu.memory_space<hbm>>
        tpu.wait_dma2 semaphore(%run_scoped3A : memref<!tpu.dma_semaphore, #tpu.memory_space<semaphore_mem>>) src(%arg6 : memref<512x16xf32, #tpu.memory_space<vmem>>) dst(%dma_wait3A_116 : memref<512x16xf32, #tpu.memory_space<hbm>>)
        tpu.yield
      }) : () -> ()
    }
    %scan3A_7 = arith.constant 26 : i32
    return
  }
}

#map = affine_map<(d0, d1) -> (0, 0, 0)>
#map1 = affine_map<(d0, d1) -> (0, 0)>
module attributes {stable_mosaic.version = 14 : i64} {
  func.func @_tr_body(%arg0: i32, %arg1: i32, %arg2: memref<26x16x100000xf32, #tpu.memory_space<hbm>>, %arg3: memref<26x24x128xf32, #tpu.memory_space<hbm>>, %arg4: memref<325104x128xf32, #tpu.memory_space<hbm>>, %arg5: memref<16x513xf32, #tpu.memory_space<vmem>>, %arg6: memref<16x513xf32, #tpu.memory_space<vmem>>, %arg7: memref<64x128xf32, #tpu.memory_space<vmem>>, %arg8: memref<64x128xf32, #tpu.memory_space<vmem>>, %arg9: memref<!tpu.dma_semaphore, #tpu.memory_space<semaphore_mem>>, %arg10: memref<!tpu.dma_semaphore, #tpu.memory_space<semaphore_mem>>, %arg11: memref<!tpu.dma_semaphore, #tpu.memory_space<semaphore_mem>>, %arg12: memref<!tpu.dma_semaphore, #tpu.memory_space<semaphore_mem>>) attributes {dimension_semantics = [#tpu.dimension_semantics<core_parallel>, #tpu.dimension_semantics<subcore_parallel>], iteration_bounds = array<i64: 2, 16>, scalar_prefetch = 0 : i64, scratch_operands = 8 : i64, tpu.core_type = #tpu.core_type<sc_vector_subcore>, window_params = [{transform_indices = #map}, {transform_indices = #map}, {transform_indices = #map1}]} {
    %mul3A = arith.constant 2 : i32
    %mul3A_0 = arith.muli %arg1, %mul3A : i32
    %add3A = arith.addi %mul3A_0, %arg0 : i32
    %iota3A = tpu.iota {dimensions = array<i32: 0>} : vector<16xi32>
    %broadcast_in_dim3A = arith.constant 0 : i32
    %broadcast_in_dim3A_1 = vector.broadcast %broadcast_in_dim3A : i32 to vector<16xi32>
    %jit3A = arith.constant 195 : i32
    %div3A = arith.divsi %add3A, %jit3A : i32
    %sign3A = arith.constant 0 : i32
    %sign3A_2 = arith.cmpi sgt, %add3A, %sign3A : i32
    %sign3A_3 = arith.extui %sign3A_2 : i1 to i32
    %sign3A_4 = arith.constant 0 : i32
    %sign3A_5 = arith.cmpi slt, %add3A, %sign3A_4 : i32
    %sign3A_6 = arith.extui %sign3A_5 : i1 to i32
    %sign3A_7 = arith.subi %sign3A_3, %sign3A_6 : i32
    %sign3A_8 = arith.constant 0 : i32
    %sign3A_9 = arith.cmpi sgt, %jit3A, %sign3A_8 : i32
    %sign3A_10 = arith.extui %sign3A_9 : i1 to i32
    %sign3A_11 = arith.constant 0 : i32
    %sign3A_12 = arith.cmpi slt, %jit3A, %sign3A_11 : i32
    %sign3A_13 = arith.extui %sign3A_12 : i1 to i32
    %sign3A_14 = arith.subi %sign3A_10, %sign3A_13 : i32
    %ne3A = arith.cmpi ne, %sign3A_7, %sign3A_14 : i32
    %rem3A = arith.remsi %add3A, %jit3A : i32
    %ne3A_15 = arith.constant 0 : i32
    %ne3A_16 = arith.cmpi ne, %rem3A, %ne3A_15 : i32
    %and3A = arith.andi %ne3A, %ne3A_16 : i1
    %sub3A = arith.constant 1 : i32
    %sub3A_17 = arith.subi %div3A, %sub3A : i32
    %select_n3A = arith.select %and3A, %sub3A_17, %div3A : i32
    %jit3A_18 = arith.constant 195 : i32
    %eq3A = arith.constant 0 : i32
    %eq3A_19 = arith.cmpi eq, %jit3A_18, %eq3A : i32
    %jit3A_20 = arith.constant 1 : i32
    %select_n3A_21 = arith.select %eq3A_19, %jit3A_20, %jit3A_18 : i32
    %rem3A_22 = arith.remsi %add3A, %select_n3A_21 : i32
    %ne3A_23 = arith.constant 0 : i32
    %ne3A_24 = arith.cmpi ne, %rem3A_22, %ne3A_23 : i32
    %lt3A = arith.constant 0 : i32
    %lt3A_25 = arith.cmpi slt, %rem3A_22, %lt3A : i32
    %lt3A_26 = arith.constant 0 : i32
    %lt3A_27 = arith.cmpi slt, %select_n3A_21, %lt3A_26 : i32
    %ne3A_28 = arith.xori %lt3A_25, %lt3A_27 : i1
    %and3A_29 = arith.andi %ne3A_28, %ne3A_24 : i1
    %add3A_30 = arith.addi %rem3A_22, %select_n3A_21 : i32
    %select_n3A_31 = arith.select %and3A_29, %add3A_30, %rem3A_22 : i32
    %mul3A_32 = arith.constant 512 : i32
    %mul3A_33 = arith.muli %select_n3A_31, %mul3A_32 : i32
    %dma_start3A = arith.constant 0 : i32
    %dma_start3A_34 = arith.constant 0 : i32
    %dma_start3A_35 = tpu.memref_slice %arg5[%dma_start3A, %dma_start3A_34] : memref<16x513xf32, #tpu.memory_space<vmem>> -> memref<16x512xf32, #tpu.memory_space<vmem>>
    %dma_start3A_36 = arith.constant 0 : i32
    %dma_start3A_37 = tpu.memref_slice %arg2[%select_n3A, %dma_start3A_36, %mul3A_33] : memref<26x16x100000xf32, #tpu.memory_space<hbm>> -> memref<1x16x512xf32, #tpu.memory_space<hbm>>
    %dma_start3A_38 = tpu.memref_squeeze %dma_start3A_37 : memref<1x16x512xf32, #tpu.memory_space<hbm>> -> memref<16x512xf32, #tpu.memory_space<hbm>>
    %dma_start3A_39 = arith.constant 0 : i32
    %dma_start3A_40 = arith.constant 0 : i32
    %dma_start3A_41 = tpu.memref_slice %arg5[%dma_start3A_39, %dma_start3A_40] : memref<16x513xf32, #tpu.memory_space<vmem>> -> memref<16x512xf32, #tpu.memory_space<vmem>>
    %dma_start3A_42 = arith.constant 0 : i32
    %dma_start3A_43 = tpu.memref_slice %arg2[%select_n3A, %dma_start3A_42, %mul3A_33] : memref<26x16x100000xf32, #tpu.memory_space<hbm>> -> memref<1x16x512xf32, #tpu.memory_space<hbm>>
    %dma_start3A_44 = tpu.memref_squeeze %dma_start3A_43 : memref<1x16x512xf32, #tpu.memory_space<hbm>> -> memref<16x512xf32, #tpu.memory_space<hbm>>
    tpu.enqueue_dma source(%dma_start3A_44 : memref<16x512xf32, #tpu.memory_space<hbm>>) target(%dma_start3A_41 : memref<16x512xf32, #tpu.memory_space<vmem>>) target_semaphore(%arg9 : memref<!tpu.dma_semaphore, #tpu.memory_space<semaphore_mem>>)
    %scan3A = arith.constant 0 : i32
    %scan3A_45 = arith.constant 0 : i32
    %scan3A_46 = arith.constant 79 : i32
    %scan3A_47 = arith.addi %scan3A_45, %scan3A_46 : i32
    %scan3A_48 = arith.constant 1 : i32
    scf.for %scan3A_71 = %scan3A_45 to %scan3A_47 step %scan3A_48  : i32 {
      %mul3A_72 = arith.constant 2 : i32
      %mul3A_73 = arith.muli %mul3A_72, %scan3A_71 : i32
      %mul3A_74 = arith.constant 32 : i32
      %mul3A_75 = arith.muli %mul3A_73, %mul3A_74 : i32
      %add3A_76 = arith.addi %mul3A_75, %add3A : i32
      %add3A_77 = arith.constant 32 : i32
      %add3A_78 = arith.addi %add3A_76, %add3A_77 : i32
      %jit3A_79 = arith.constant 195 : i32
      %div3A_80 = arith.divsi %add3A_78, %jit3A_79 : i32
      %sign3A_81 = arith.constant 0 : i32
      %sign3A_82 = arith.cmpi sgt, %add3A_78, %sign3A_81 : i32
      %sign3A_83 = arith.extui %sign3A_82 : i1 to i32
      %sign3A_84 = arith.constant 0 : i32
      %sign3A_85 = arith.cmpi slt, %add3A_78, %sign3A_84 : i32
      %sign3A_86 = arith.extui %sign3A_85 : i1 to i32
      %sign3A_87 = arith.subi %sign3A_83, %sign3A_86 : i32
      %sign3A_88 = arith.constant 0 : i32
      %sign3A_89 = arith.cmpi sgt, %jit3A_79, %sign3A_88 : i32
      %sign3A_90 = arith.extui %sign3A_89 : i1 to i32
      %sign3A_91 = arith.constant 0 : i32
      %sign3A_92 = arith.cmpi slt, %jit3A_79, %sign3A_91 : i32
      %sign3A_93 = arith.extui %sign3A_92 : i1 to i32
      %sign3A_94 = arith.subi %sign3A_90, %sign3A_93 : i32
      %ne3A_95 = arith.cmpi ne, %sign3A_87, %sign3A_94 : i32
      %rem3A_96 = arith.remsi %add3A_78, %jit3A_79 : i32
      %ne3A_97 = arith.constant 0 : i32
      %ne3A_98 = arith.cmpi ne, %rem3A_96, %ne3A_97 : i32
      %and3A_99 = arith.andi %ne3A_95, %ne3A_98 : i1
      %sub3A_100 = arith.constant 1 : i32
      %sub3A_101 = arith.subi %div3A_80, %sub3A_100 : i32
      %select_n3A_102 = arith.select %and3A_99, %sub3A_101, %div3A_80 : i32
      %jit3A_103 = arith.constant 195 : i32
      %eq3A_104 = arith.constant 0 : i32
      %eq3A_105 = arith.cmpi eq, %jit3A_103, %eq3A_104 : i32
      %jit3A_106 = arith.constant 1 : i32
      %select_n3A_107 = arith.select %eq3A_105, %jit3A_106, %jit3A_103 : i32
      %rem3A_108 = arith.remsi %add3A_78, %select_n3A_107 : i32
      %ne3A_109 = arith.constant 0 : i32
      %ne3A_110 = arith.cmpi ne, %rem3A_108, %ne3A_109 : i32
      %lt3A_111 = arith.constant 0 : i32
      %lt3A_112 = arith.cmpi slt, %rem3A_108, %lt3A_111 : i32
      %lt3A_113 = arith.constant 0 : i32
      %lt3A_114 = arith.cmpi slt, %select_n3A_107, %lt3A_113 : i32
      %ne3A_115 = arith.xori %lt3A_112, %lt3A_114 : i1
      %and3A_116 = arith.andi %ne3A_115, %ne3A_110 : i1
      %add3A_117 = arith.addi %rem3A_108, %select_n3A_107 : i32
      %select_n3A_118 = arith.select %and3A_116, %add3A_117, %rem3A_108 : i32
      %mul3A_119 = arith.constant 512 : i32
      %mul3A_120 = arith.muli %select_n3A_118, %mul3A_119 : i32
      %dma_start3A_121 = arith.constant 0 : i32
      %dma_start3A_122 = arith.constant 0 : i32
      %dma_start3A_123 = tpu.memref_slice %arg6[%dma_start3A_121, %dma_start3A_122] : memref<16x513xf32, #tpu.memory_space<vmem>> -> memref<16x512xf32, #tpu.memory_space<vmem>>
      %dma_start3A_124 = arith.constant 0 : i32
      %dma_start3A_125 = tpu.memref_slice %arg2[%select_n3A_102, %dma_start3A_124, %mul3A_120] : memref<26x16x100000xf32, #tpu.memory_space<hbm>> -> memref<1x16x512xf32, #tpu.memory_space<hbm>>
      %dma_start3A_126 = tpu.memref_squeeze %dma_start3A_125 : memref<1x16x512xf32, #tpu.memory_space<hbm>> -> memref<16x512xf32, #tpu.memory_space<hbm>>
      %dma_start3A_127 = arith.constant 0 : i32
      %dma_start3A_128 = arith.constant 0 : i32
      %dma_start3A_129 = tpu.memref_slice %arg6[%dma_start3A_127, %dma_start3A_128] : memref<16x513xf32, #tpu.memory_space<vmem>> -> memref<16x512xf32, #tpu.memory_space<vmem>>
      %dma_start3A_130 = arith.constant 0 : i32
      %dma_start3A_131 = tpu.memref_slice %arg2[%select_n3A_102, %dma_start3A_130, %mul3A_120] : memref<26x16x100000xf32, #tpu.memory_space<hbm>> -> memref<1x16x512xf32, #tpu.memory_space<hbm>>
      %dma_start3A_132 = tpu.memref_squeeze %dma_start3A_131 : memref<1x16x512xf32, #tpu.memory_space<hbm>> -> memref<16x512xf32, #tpu.memory_space<hbm>>
      tpu.enqueue_dma source(%dma_start3A_132 : memref<16x512xf32, #tpu.memory_space<hbm>>) target(%dma_start3A_129 : memref<16x512xf32, #tpu.memory_space<vmem>>) target_semaphore(%arg10 : memref<!tpu.dma_semaphore, #tpu.memory_space<semaphore_mem>>)
      %jit3A_133 = arith.constant 195 : i32
      %div3A_134 = arith.divsi %add3A_76, %jit3A_133 : i32
      %sign3A_135 = arith.constant 0 : i32
      %sign3A_136 = arith.cmpi sgt, %add3A_76, %sign3A_135 : i32
      %sign3A_137 = arith.extui %sign3A_136 : i1 to i32
      %sign3A_138 = arith.constant 0 : i32
      %sign3A_139 = arith.cmpi slt, %add3A_76, %sign3A_138 : i32
      %sign3A_140 = arith.extui %sign3A_139 : i1 to i32
      %sign3A_141 = arith.subi %sign3A_137, %sign3A_140 : i32
      %sign3A_142 = arith.constant 0 : i32
      %sign3A_143 = arith.cmpi sgt, %jit3A_133, %sign3A_142 : i32
      %sign3A_144 = arith.extui %sign3A_143 : i1 to i32
      %sign3A_145 = arith.constant 0 : i32
      %sign3A_146 = arith.cmpi slt, %jit3A_133, %sign3A_145 : i32
      %sign3A_147 = arith.extui %sign3A_146 : i1 to i32
      %sign3A_148 = arith.subi %sign3A_144, %sign3A_147 : i32
      %ne3A_149 = arith.cmpi ne, %sign3A_141, %sign3A_148 : i32
      %rem3A_150 = arith.remsi %add3A_76, %jit3A_133 : i32
      %ne3A_151 = arith.constant 0 : i32
      %ne3A_152 = arith.cmpi ne, %rem3A_150, %ne3A_151 : i32
      %and3A_153 = arith.andi %ne3A_149, %ne3A_152 : i1
      %sub3A_154 = arith.constant 1 : i32
      %sub3A_155 = arith.subi %div3A_134, %sub3A_154 : i32
      %select_n3A_156 = arith.select %and3A_153, %sub3A_155, %div3A_134 : i32
      %jit3A_157 = arith.constant 195 : i32
      %eq3A_158 = arith.constant 0 : i32
      %eq3A_159 = arith.cmpi eq, %jit3A_157, %eq3A_158 : i32
      %jit3A_160 = arith.constant 1 : i32
      %select_n3A_161 = arith.select %eq3A_159, %jit3A_160, %jit3A_157 : i32
      %rem3A_162 = arith.remsi %add3A_76, %select_n3A_161 : i32
      %ne3A_163 = arith.constant 0 : i32
      %ne3A_164 = arith.cmpi ne, %rem3A_162, %ne3A_163 : i32
      %lt3A_165 = arith.constant 0 : i32
      %lt3A_166 = arith.cmpi slt, %rem3A_162, %lt3A_165 : i32
      %lt3A_167 = arith.constant 0 : i32
      %lt3A_168 = arith.cmpi slt, %select_n3A_161, %lt3A_167 : i32
      %ne3A_169 = arith.xori %lt3A_166, %lt3A_168 : i1
      %and3A_170 = arith.andi %ne3A_169, %ne3A_164 : i1
      %add3A_171 = arith.addi %rem3A_162, %select_n3A_161 : i32
      %select_n3A_172 = arith.select %and3A_170, %add3A_171, %rem3A_162 : i32
      %mul3A_173 = arith.constant 512 : i32
      %mul3A_174 = arith.muli %select_n3A_172, %mul3A_173 : i32
      %dma_wait3A_175 = arith.constant 0 : i32
      %dma_wait3A_176 = arith.constant 0 : i32
      %dma_wait3A_177 = tpu.memref_slice %arg5[%dma_wait3A_175, %dma_wait3A_176] : memref<16x513xf32, #tpu.memory_space<vmem>> -> memref<16x512xf32, #tpu.memory_space<vmem>>
      %dma_wait3A_178 = arith.constant 0 : i32
      %dma_wait3A_179 = tpu.memref_slice %arg2[%select_n3A_156, %dma_wait3A_178, %mul3A_174] : memref<26x16x100000xf32, #tpu.memory_space<hbm>> -> memref<1x16x512xf32, #tpu.memory_space<hbm>>
      %dma_wait3A_180 = tpu.memref_squeeze %dma_wait3A_179 : memref<1x16x512xf32, #tpu.memory_space<hbm>> -> memref<16x512xf32, #tpu.memory_space<hbm>>
      %dma_wait3A_181 = arith.constant 0 : i32
      %dma_wait3A_182 = arith.constant 0 : i32
      %dma_wait3A_183 = tpu.memref_slice %arg5[%dma_wait3A_181, %dma_wait3A_182] : memref<16x513xf32, #tpu.memory_space<vmem>> -> memref<16x512xf32, #tpu.memory_space<vmem>>
      %dma_wait3A_184 = arith.constant 0 : i32
      %dma_wait3A_185 = tpu.memref_slice %arg2[%select_n3A_156, %dma_wait3A_184, %mul3A_174] : memref<26x16x100000xf32, #tpu.memory_space<hbm>> -> memref<1x16x512xf32, #tpu.memory_space<hbm>>
      %dma_wait3A_186 = tpu.memref_squeeze %dma_wait3A_185 : memref<1x16x512xf32, #tpu.memory_space<hbm>> -> memref<16x512xf32, #tpu.memory_space<hbm>>
      tpu.wait_dma2 semaphore(%arg9 : memref<!tpu.dma_semaphore, #tpu.memory_space<semaphore_mem>>) src(%dma_wait3A_186 : memref<16x512xf32, #tpu.memory_space<hbm>>) dst(%dma_wait3A_183 : memref<16x512xf32, #tpu.memory_space<vmem>>)
      %gt3A = arith.constant 0 : i32
      %gt3A_187 = arith.cmpi sgt, %scan3A_71, %gt3A : i32
      %convert_element_type3A_188 = arith.extui %gt3A_187 : i1 to i32
      %cond3A_189 = arith.constant 0 : i32
      %cond3A_190 = arith.cmpi ne, %convert_element_type3A_188, %cond3A_189 : i32
      scf.if %cond3A_190 {
        %jit3A_491 = arith.constant 195 : i32
        %div3A_492 = arith.divsi %add3A_76, %jit3A_491 : i32
        %sign3A_493 = arith.constant 0 : i32
        %sign3A_494 = arith.cmpi sgt, %add3A_76, %sign3A_493 : i32
        %sign3A_495 = arith.extui %sign3A_494 : i1 to i32
        %sign3A_496 = arith.constant 0 : i32
        %sign3A_497 = arith.cmpi slt, %add3A_76, %sign3A_496 : i32
        %sign3A_498 = arith.extui %sign3A_497 : i1 to i32
        %sign3A_499 = arith.subi %sign3A_495, %sign3A_498 : i32
        %sign3A_500 = arith.constant 0 : i32
        %sign3A_501 = arith.cmpi sgt, %jit3A_491, %sign3A_500 : i32
        %sign3A_502 = arith.extui %sign3A_501 : i1 to i32
        %sign3A_503 = arith.constant 0 : i32
        %sign3A_504 = arith.cmpi slt, %jit3A_491, %sign3A_503 : i32
        %sign3A_505 = arith.extui %sign3A_504 : i1 to i32
        %sign3A_506 = arith.subi %sign3A_502, %sign3A_505 : i32
        %ne3A_507 = arith.cmpi ne, %sign3A_499, %sign3A_506 : i32
        %rem3A_508 = arith.remsi %add3A_76, %jit3A_491 : i32
        %ne3A_509 = arith.constant 0 : i32
        %ne3A_510 = arith.cmpi ne, %rem3A_508, %ne3A_509 : i32
        %and3A_511 = arith.andi %ne3A_507, %ne3A_510 : i1
        %sub3A_512 = arith.constant 1 : i32
        %sub3A_513 = arith.subi %div3A_492, %sub3A_512 : i32
        %select_n3A_514 = arith.select %and3A_511, %sub3A_513, %div3A_492 : i32
        %mul3A_515 = arith.constant 12504 : i32
        %mul3A_516 = arith.muli %select_n3A_514, %mul3A_515 : i32
        %jit3A_517 = arith.constant 195 : i32
        %eq3A_518 = arith.constant 0 : i32
        %eq3A_519 = arith.cmpi eq, %jit3A_517, %eq3A_518 : i32
        %jit3A_520 = arith.constant 1 : i32
        %select_n3A_521 = arith.select %eq3A_519, %jit3A_520, %jit3A_517 : i32
        %rem3A_522 = arith.remsi %add3A_76, %select_n3A_521 : i32
        %ne3A_523 = arith.constant 0 : i32
        %ne3A_524 = arith.cmpi ne, %rem3A_522, %ne3A_523 : i32
        %lt3A_525 = arith.constant 0 : i32
        %lt3A_526 = arith.cmpi slt, %rem3A_522, %lt3A_525 : i32
        %lt3A_527 = arith.constant 0 : i32
        %lt3A_528 = arith.cmpi slt, %select_n3A_521, %lt3A_527 : i32
        %ne3A_529 = arith.xori %lt3A_526, %lt3A_528 : i1
        %and3A_530 = arith.andi %ne3A_529, %ne3A_524 : i1
        %add3A_531 = arith.addi %rem3A_522, %select_n3A_521 : i32
        %select_n3A_532 = arith.select %and3A_530, %add3A_531, %rem3A_522 : i32
        %mul3A_533 = arith.constant 64 : i32
        %mul3A_534 = arith.muli %select_n3A_532, %mul3A_533 : i32
        %add3A_535 = arith.addi %mul3A_516, %mul3A_534 : i32
        %dma_wait3A_536 = arith.constant 0 : i32
        %dma_wait3A_537 = tpu.memref_slice %arg4[%add3A_535, %dma_wait3A_536] : memref<325104x128xf32, #tpu.memory_space<hbm>> -> memref<64x128xf32, #tpu.memory_space<hbm>>
        %dma_wait3A_538 = arith.constant 0 : i32
        %dma_wait3A_539 = tpu.memref_slice %arg4[%add3A_535, %dma_wait3A_538] : memref<325104x128xf32, #tpu.memory_space<hbm>> -> memref<64x128xf32, #tpu.memory_space<hbm>>
        tpu.wait_dma2 semaphore(%arg11 : memref<!tpu.dma_semaphore, #tpu.memory_space<semaphore_mem>>) src(%arg7 : memref<64x128xf32, #tpu.memory_space<vmem>>) dst(%dma_wait3A_539 : memref<64x128xf32, #tpu.memory_space<hbm>>)
      } else {
      }
      %add3A_191 = arith.constant 0 : i32
      %add3A_192 = vector.broadcast %add3A_191 : i32 to vector<16xi32>
      %add3A_193 = arith.addi %broadcast_in_dim3A_1, %add3A_192 : vector<16xi32>
      %gather3A = tpu.vector_load_idx %arg5[%iota3A, %add3A_193] : memref<16x513xf32, #tpu.memory_space<vmem>>[vector<16xi32>, vector<16xi32>], vector<16xf32>,
      %add3A_194 = arith.constant 1 : i32
      %add3A_195 = vector.broadcast %add3A_194 : i32 to vector<16xi32>
      %add3A_196 = arith.addi %broadcast_in_dim3A_1, %add3A_195 : vector<16xi32>
      %gather3A_197 = tpu.vector_load_idx %arg5[%iota3A, %add3A_196] : memref<16x513xf32, #tpu.memory_space<vmem>>[vector<16xi32>, vector<16xi32>], vector<16xf32>,
      %add3A_198 = arith.constant 2 : i32
      %add3A_199 = vector.broadcast %add3A_198 : i32 to vector<16xi32>
      %add3A_200 = arith.addi %broadcast_in_dim3A_1, %add3A_199 : vector<16xi32>
      %gather3A_201 = tpu.vector_load_idx %arg5[%iota3A, %add3A_200] : memref<16x513xf32, #tpu.memory_space<vmem>>[vector<16xi32>, vector<16xi32>], vector<16xf32>,
      %add3A_202 = arith.constant 3 : i32
      %add3A_203 = vector.broadcast %add3A_202 : i32 to vector<16xi32>
      %add3A_204 = arith.addi %broadcast_in_dim3A_1, %add3A_203 : vector<16xi32>
      %gather3A_205 = tpu.vector_load_idx %arg5[%iota3A, %add3A_204] : memref<16x513xf32, #tpu.memory_space<vmem>>[vector<16xi32>, vector<16xi32>], vector<16xf32>,
      %add3A_206 = arith.constant 4 : i32
      %add3A_207 = vector.broadcast %add3A_206 : i32 to vector<16xi32>
      %add3A_208 = arith.addi %broadcast_in_dim3A_1, %add3A_207 : vector<16xi32>
      %gather3A_209 = tpu.vector_load_idx %arg5[%iota3A, %add3A_208] : memref<16x513xf32, #tpu.memory_space<vmem>>[vector<16xi32>, vector<16xi32>], vector<16xf32>,
      %add3A_210 = arith.constant 5 : i32
      %add3A_211 = vector.broadcast %add3A_210 : i32 to vector<16xi32>
      %add3A_212 = arith.addi %broadcast_in_dim3A_1, %add3A_211 : vector<16xi32>
      %gather3A_213 = tpu.vector_load_idx %arg5[%iota3A, %add3A_212] : memref<16x513xf32, #tpu.memory_space<vmem>>[vector<16xi32>, vector<16xi32>], vector<16xf32>,
      %add3A_214 = arith.constant 6 : i32
      %add3A_215 = vector.broadcast %add3A_214 : i32 to vector<16xi32>
      %add3A_216 = arith.addi %broadcast_in_dim3A_1, %add3A_215 : vector<16xi32>
      %gather3A_217 = tpu.vector_load_idx %arg5[%iota3A, %add3A_216] : memref<16x513xf32, #tpu.memory_space<vmem>>[vector<16xi32>, vector<16xi32>], vector<16xf32>,
      %add3A_218 = arith.constant 7 : i32
      %add3A_219 = vector.broadcast %add3A_218 : i32 to vector<16xi32>
      %add3A_220 = arith.addi %broadcast_in_dim3A_1, %add3A_219 : vector<16xi32>
      %gather3A_221 = tpu.vector_load_idx %arg5[%iota3A, %add3A_220] : memref<16x513xf32, #tpu.memory_space<vmem>>[vector<16xi32>, vector<16xi32>], vector<16xf32>,
      %scan3A_222 = arith.constant 1 : i32
      %scan3A_223 = arith.constant 63 : i32
      %scan3A_224 = arith.addi %scan3A_222, %scan3A_223 : i32
      %scan3A_225 = arith.constant 1 : i32
      %scan3A_226:8 = scf.for %scan3A_491 = %scan3A_222 to %scan3A_224 step %scan3A_225 iter_args(%scan3A_492 = %gather3A, %scan3A_493 = %gather3A_197, %scan3A_494 = %gather3A_201, %scan3A_495 = %gather3A_205, %scan3A_496 = %gather3A_209, %scan3A_497 = %gather3A_213, %scan3A_498 = %gather3A_217, %scan3A_499 = %gather3A_221) -> (vector<16xf32>, vector<16xf32>, vector<16xf32>, vector<16xf32>, vector<16xf32>, vector<16xf32>, vector<16xf32>, vector<16xf32>)  : i32 {
        %mul3A_500 = arith.constant 8 : i32
        %mul3A_501 = arith.muli %mul3A_500, %scan3A_491 : i32
        %add3A_502 = arith.constant 0 : i32
        %add3A_503 = arith.addi %mul3A_501, %add3A_502 : i32
        %add3A_504 = vector.broadcast %add3A_503 : i32 to vector<16xi32>
        %add3A_505 = arith.addi %broadcast_in_dim3A_1, %add3A_504 : vector<16xi32>
        %gather3A_506 = tpu.vector_load_idx %arg5[%iota3A, %add3A_505] : memref<16x513xf32, #tpu.memory_space<vmem>>[vector<16xi32>, vector<16xi32>], vector<16xf32>,
        %mul3A_507 = arith.constant 8 : i32
        %mul3A_508 = arith.muli %mul3A_507, %scan3A_491 : i32
        %add3A_509 = arith.constant 1 : i32
        %add3A_510 = arith.addi %mul3A_508, %add3A_509 : i32
        %add3A_511 = vector.broadcast %add3A_510 : i32 to vector<16xi32>
        %add3A_512 = arith.addi %broadcast_in_dim3A_1, %add3A_511 : vector<16xi32>
        %gather3A_513 = tpu.vector_load_idx %arg5[%iota3A, %add3A_512] : memref<16x513xf32, #tpu.memory_space<vmem>>[vector<16xi32>, vector<16xi32>], vector<16xf32>,
        %mul3A_514 = arith.constant 8 : i32
        %mul3A_515 = arith.muli %mul3A_514, %scan3A_491 : i32
        %add3A_516 = arith.constant 2 : i32
        %add3A_517 = arith.addi %mul3A_515, %add3A_516 : i32
        %add3A_518 = vector.broadcast %add3A_517 : i32 to vector<16xi32>
        %add3A_519 = arith.addi %broadcast_in_dim3A_1, %add3A_518 : vector<16xi32>
        %gather3A_520 = tpu.vector_load_idx %arg5[%iota3A, %add3A_519] : memref<16x513xf32, #tpu.memory_space<vmem>>[vector<16xi32>, vector<16xi32>], vector<16xf32>,
        %mul3A_521 = arith.constant 8 : i32
        %mul3A_522 = arith.muli %mul3A_521, %scan3A_491 : i32
        %add3A_523 = arith.constant 3 : i32
        %add3A_524 = arith.addi %mul3A_522, %add3A_523 : i32
        %add3A_525 = vector.broadcast %add3A_524 : i32 to vector<16xi32>
        %add3A_526 = arith.addi %broadcast_in_dim3A_1, %add3A_525 : vector<16xi32>
        %gather3A_527 = tpu.vector_load_idx %arg5[%iota3A, %add3A_526] : memref<16x513xf32, #tpu.memory_space<vmem>>[vector<16xi32>, vector<16xi32>], vector<16xf32>,
        %mul3A_528 = arith.constant 8 : i32
        %mul3A_529 = arith.muli %mul3A_528, %scan3A_491 : i32
        %add3A_530 = arith.constant 4 : i32
        %add3A_531 = arith.addi %mul3A_529, %add3A_530 : i32
        %add3A_532 = vector.broadcast %add3A_531 : i32 to vector<16xi32>
        %add3A_533 = arith.addi %broadcast_in_dim3A_1, %add3A_532 : vector<16xi32>
        %gather3A_534 = tpu.vector_load_idx %arg5[%iota3A, %add3A_533] : memref<16x513xf32, #tpu.memory_space<vmem>>[vector<16xi32>, vector<16xi32>], vector<16xf32>,
        %mul3A_535 = arith.constant 8 : i32
        %mul3A_536 = arith.muli %mul3A_535, %scan3A_491 : i32
        %add3A_537 = arith.constant 5 : i32
        %add3A_538 = arith.addi %mul3A_536, %add3A_537 : i32
        %add3A_539 = vector.broadcast %add3A_538 : i32 to vector<16xi32>
        %add3A_540 = arith.addi %broadcast_in_dim3A_1, %add3A_539 : vector<16xi32>
        %gather3A_541 = tpu.vector_load_idx %arg5[%iota3A, %add3A_540] : memref<16x513xf32, #tpu.memory_space<vmem>>[vector<16xi32>, vector<16xi32>], vector<16xf32>,
        %mul3A_542 = arith.constant 8 : i32
        %mul3A_543 = arith.muli %mul3A_542, %scan3A_491 : i32
        %add3A_544 = arith.constant 6 : i32
        %add3A_545 = arith.addi %mul3A_543, %add3A_544 : i32
        %add3A_546 = vector.broadcast %add3A_545 : i32 to vector<16xi32>
        %add3A_547 = arith.addi %broadcast_in_dim3A_1, %add3A_546 : vector<16xi32>
        %gather3A_548 = tpu.vector_load_idx %arg5[%iota3A, %add3A_547] : memref<16x513xf32, #tpu.memory_space<vmem>>[vector<16xi32>, vector<16xi32>], vector<16xf32>,
        %mul3A_549 = arith.constant 8 : i32
        %mul3A_550 = arith.muli %mul3A_549, %scan3A_491 : i32
        %add3A_551 = arith.constant 7 : i32
        %add3A_552 = arith.addi %mul3A_550, %add3A_551 : i32
        %add3A_553 = vector.broadcast %add3A_552 : i32 to vector<16xi32>
        %add3A_554 = arith.addi %broadcast_in_dim3A_1, %add3A_553 : vector<16xi32>
        %gather3A_555 = tpu.vector_load_idx %arg5[%iota3A, %add3A_554] : memref<16x513xf32, #tpu.memory_space<vmem>>[vector<16xi32>, vector<16xi32>], vector<16xf32>,
        %sub3A_556 = arith.constant 1 : i32
        %sub3A_557 = arith.subi %scan3A_491, %sub3A_556 : i32
        %swap3A_558 = arith.index_cast %sub3A_557 : i32 to index
        %swap3A_559 = arith.constant 0 : index
        %swap3A_560 = tpu.vector_load %arg7[%swap3A_558, %swap3A_559] {strides = array<i32>} : memref<64x128xf32, #tpu.memory_space<vmem>>, vector<16xf32>,
        tpu.vector_store %arg7[%swap3A_558, %swap3A_559], %scan3A_492 {strides = array<i32>} : memref<64x128xf32, #tpu.memory_space<vmem>>, vector<16xf32>,
        %sub3A_561 = arith.constant 1 : i32
        %sub3A_562 = arith.subi %scan3A_491, %sub3A_561 : i32
        %swap3A_563 = arith.index_cast %sub3A_562 : i32 to index
        %swap3A_564 = arith.constant 16 : index
        %swap3A_565 = tpu.vector_load %arg7[%swap3A_563, %swap3A_564] {strides = array<i32>} : memref<64x128xf32, #tpu.memory_space<vmem>>, vector<16xf32>,
        tpu.vector_store %arg7[%swap3A_563, %swap3A_564], %scan3A_493 {strides = array<i32>} : memref<64x128xf32, #tpu.memory_space<vmem>>, vector<16xf32>,
        %sub3A_566 = arith.constant 1 : i32
        %sub3A_567 = arith.subi %scan3A_491, %sub3A_566 : i32
        %swap3A_568 = arith.index_cast %sub3A_567 : i32 to index
        %swap3A_569 = arith.constant 32 : index
        %swap3A_570 = tpu.vector_load %arg7[%swap3A_568, %swap3A_569] {strides = array<i32>} : memref<64x128xf32, #tpu.memory_space<vmem>>, vector<16xf32>,
        tpu.vector_store %arg7[%swap3A_568, %swap3A_569], %scan3A_494 {strides = array<i32>} : memref<64x128xf32, #tpu.memory_space<vmem>>, vector<16xf32>,
        %sub3A_571 = arith.constant 1 : i32
        %sub3A_572 = arith.subi %scan3A_491, %sub3A_571 : i32
        %swap3A_573 = arith.index_cast %sub3A_572 : i32 to index
        %swap3A_574 = arith.constant 48 : index
        %swap3A_575 = tpu.vector_load %arg7[%swap3A_573, %swap3A_574] {strides = array<i32>} : memref<64x128xf32, #tpu.memory_space<vmem>>, vector<16xf32>,
        tpu.vector_store %arg7[%swap3A_573, %swap3A_574], %scan3A_495 {strides = array<i32>} : memref<64x128xf32, #tpu.memory_space<vmem>>, vector<16xf32>,
        %sub3A_576 = arith.constant 1 : i32
        %sub3A_577 = arith.subi %scan3A_491, %sub3A_576 : i32
        %swap3A_578 = arith.index_cast %sub3A_577 : i32 to index
        %swap3A_579 = arith.constant 64 : index
        %swap3A_580 = tpu.vector_load %arg7[%swap3A_578, %swap3A_579] {strides = array<i32>} : memref<64x128xf32, #tpu.memory_space<vmem>>, vector<16xf32>,
        tpu.vector_store %arg7[%swap3A_578, %swap3A_579], %scan3A_496 {strides = array<i32>} : memref<64x128xf32, #tpu.memory_space<vmem>>, vector<16xf32>,
        %sub3A_581 = arith.constant 1 : i32
        %sub3A_582 = arith.subi %scan3A_491, %sub3A_581 : i32
        %swap3A_583 = arith.index_cast %sub3A_582 : i32 to index
        %swap3A_584 = arith.constant 80 : index
        %swap3A_585 = tpu.vector_load %arg7[%swap3A_583, %swap3A_584] {strides = array<i32>} : memref<64x128xf32, #tpu.memory_space<vmem>>, vector<16xf32>,
        tpu.vector_store %arg7[%swap3A_583, %swap3A_584], %scan3A_497 {strides = array<i32>} : memref<64x128xf32, #tpu.memory_space<vmem>>, vector<16xf32>,
        %sub3A_586 = arith.constant 1 : i32
        %sub3A_587 = arith.subi %scan3A_491, %sub3A_586 : i32
        %swap3A_588 = arith.index_cast %sub3A_587 : i32 to index
        %swap3A_589 = arith.constant 96 : index
        %swap3A_590 = tpu.vector_load %arg7[%swap3A_588, %swap3A_589] {strides = array<i32>} : memref<64x128xf32, #tpu.memory_space<vmem>>, vector<16xf32>,
        tpu.vector_store %arg7[%swap3A_588, %swap3A_589], %scan3A_498 {strides = array<i32>} : memref<64x128xf32, #tpu.memory_space<vmem>>, vector<16xf32>,
        %sub3A_591 = arith.constant 1 : i32
        %sub3A_592 = arith.subi %scan3A_491, %sub3A_591 : i32
        %swap3A_593 = arith.index_cast %sub3A_592 : i32 to index
        %swap3A_594 = arith.constant 112 : index
        %swap3A_595 = tpu.vector_load %arg7[%swap3A_593, %swap3A_594] {strides = array<i32>} : memref<64x128xf32, #tpu.memory_space<vmem>>, vector<16xf32>,
        tpu.vector_store %arg7[%swap3A_593, %swap3A_594], %scan3A_499 {strides = array<i32>} : memref<64x128xf32, #tpu.memory_space<vmem>>, vector<16xf32>,
        scf.yield %gather3A_506, %gather3A_513, %gather3A_520, %gather3A_527, %gather3A_534, %gather3A_541, %gather3A_548, %gather3A_555 : vector<16xf32>, vector<16xf32>, vector<16xf32>, vector<16xf32>, vector<16xf32>, vector<16xf32>, vector<16xf32>, vector<16xf32>
      }
      %scan3A_227 = arith.constant 63 : i32
      %swap3A = arith.constant 63 : i32
      %swap3A_228 = arith.index_cast %swap3A : i32 to index
      %swap3A_229 = arith.constant 0 : index
      %swap3A_230 = tpu.vector_load %arg7[%swap3A_228, %swap3A_229] {strides = array<i32>} : memref<64x128xf32, #tpu.memory_space<vmem>>, vector<16xf32>,
      tpu.vector_store %arg7[%swap3A_228, %swap3A_229], %scan3A_226#0 {strides = array<i32>} : memref<64x128xf32, #tpu.memory_space<vmem>>, vector<16xf32>,
      %swap3A_231 = arith.constant 63 : i32
      %swap3A_232 = arith.index_cast %swap3A_231 : i32 to index
      %swap3A_233 = arith.constant 16 : index
      %swap3A_234 = tpu.vector_load %arg7[%swap3A_232, %swap3A_233] {strides = array<i32>} : memref<64x128xf32, #tpu.memory_space<vmem>>, vector<16xf32>,
      tpu.vector_store %arg7[%swap3A_232, %swap3A_233], %scan3A_226#1 {strides = array<i32>} : memref<64x128xf32, #tpu.memory_space<vmem>>, vector<16xf32>,
      %swap3A_235 = arith.constant 63 : i32
      %swap3A_236 = arith.index_cast %swap3A_235 : i32 to index
      %swap3A_237 = arith.constant 32 : index
      %swap3A_238 = tpu.vector_load %arg7[%swap3A_236, %swap3A_237] {strides = array<i32>} : memref<64x128xf32, #tpu.memory_space<vmem>>, vector<16xf32>,
      tpu.vector_store %arg7[%swap3A_236, %swap3A_237], %scan3A_226#2 {strides = array<i32>} : memref<64x128xf32, #tpu.memory_space<vmem>>, vector<16xf32>,
      %swap3A_239 = arith.constant 63 : i32
      %swap3A_240 = arith.index_cast %swap3A_239 : i32 to index
      %swap3A_241 = arith.constant 48 : index
      %swap3A_242 = tpu.vector_load %arg7[%swap3A_240, %swap3A_241] {strides = array<i32>} : memref<64x128xf32, #tpu.memory_space<vmem>>, vector<16xf32>,
      tpu.vector_store %arg7[%swap3A_240, %swap3A_241], %scan3A_226#3 {strides = array<i32>} : memref<64x128xf32, #tpu.memory_space<vmem>>, vector<16xf32>,
      %swap3A_243 = arith.constant 63 : i32
      %swap3A_244 = arith.index_cast %swap3A_243 : i32 to index
      %swap3A_245 = arith.constant 64 : index
      %swap3A_246 = tpu.vector_load %arg7[%swap3A_244, %swap3A_245] {strides = array<i32>} : memref<64x128xf32, #tpu.memory_space<vmem>>, vector<16xf32>,
      tpu.vector_store %arg7[%swap3A_244, %swap3A_245], %scan3A_226#4 {strides = array<i32>} : memref<64x128xf32, #tpu.memory_space<vmem>>, vector<16xf32>,
      %swap3A_247 = arith.constant 63 : i32
      %swap3A_248 = arith.index_cast %swap3A_247 : i32 to index
      %swap3A_249 = arith.constant 80 : index
      %swap3A_250 = tpu.vector_load %arg7[%swap3A_248, %swap3A_249] {strides = array<i32>} : memref<64x128xf32, #tpu.memory_space<vmem>>, vector<16xf32>,
      tpu.vector_store %arg7[%swap3A_248, %swap3A_249], %scan3A_226#5 {strides = array<i32>} : memref<64x128xf32, #tpu.memory_space<vmem>>, vector<16xf32>,
      %swap3A_251 = arith.constant 63 : i32
      %swap3A_252 = arith.index_cast %swap3A_251 : i32 to index
      %swap3A_253 = arith.constant 96 : index
      %swap3A_254 = tpu.vector_load %arg7[%swap3A_252, %swap3A_253] {strides = array<i32>} : memref<64x128xf32, #tpu.memory_space<vmem>>, vector<16xf32>,
      tpu.vector_store %arg7[%swap3A_252, %swap3A_253], %scan3A_226#6 {strides = array<i32>} : memref<64x128xf32, #tpu.memory_space<vmem>>, vector<16xf32>,
      %swap3A_255 = arith.constant 63 : i32
      %swap3A_256 = arith.index_cast %swap3A_255 : i32 to index
      %swap3A_257 = arith.constant 112 : index
      %swap3A_258 = tpu.vector_load %arg7[%swap3A_256, %swap3A_257] {strides = array<i32>} : memref<64x128xf32, #tpu.memory_space<vmem>>, vector<16xf32>,
      tpu.vector_store %arg7[%swap3A_256, %swap3A_257], %scan3A_226#7 {strides = array<i32>} : memref<64x128xf32, #tpu.memory_space<vmem>>, vector<16xf32>,
      %jit3A_259 = arith.constant 195 : i32
      %div3A_260 = arith.divsi %add3A_76, %jit3A_259 : i32
      %sign3A_261 = arith.constant 0 : i32
      %sign3A_262 = arith.cmpi sgt, %add3A_76, %sign3A_261 : i32
      %sign3A_263 = arith.extui %sign3A_262 : i1 to i32
      %sign3A_264 = arith.constant 0 : i32
      %sign3A_265 = arith.cmpi slt, %add3A_76, %sign3A_264 : i32
      %sign3A_266 = arith.extui %sign3A_265 : i1 to i32
      %sign3A_267 = arith.subi %sign3A_263, %sign3A_266 : i32
      %sign3A_268 = arith.constant 0 : i32
      %sign3A_269 = arith.cmpi sgt, %jit3A_259, %sign3A_268 : i32
      %sign3A_270 = arith.extui %sign3A_269 : i1 to i32
      %sign3A_271 = arith.constant 0 : i32
      %sign3A_272 = arith.cmpi slt, %jit3A_259, %sign3A_271 : i32
      %sign3A_273 = arith.extui %sign3A_272 : i1 to i32
      %sign3A_274 = arith.subi %sign3A_270, %sign3A_273 : i32
      %ne3A_275 = arith.cmpi ne, %sign3A_267, %sign3A_274 : i32
      %rem3A_276 = arith.remsi %add3A_76, %jit3A_259 : i32
      %ne3A_277 = arith.constant 0 : i32
      %ne3A_278 = arith.cmpi ne, %rem3A_276, %ne3A_277 : i32
      %and3A_279 = arith.andi %ne3A_275, %ne3A_278 : i1
      %sub3A_280 = arith.constant 1 : i32
      %sub3A_281 = arith.subi %div3A_260, %sub3A_280 : i32
      %select_n3A_282 = arith.select %and3A_279, %sub3A_281, %div3A_260 : i32
      %mul3A_283 = arith.constant 12504 : i32
      %mul3A_284 = arith.muli %select_n3A_282, %mul3A_283 : i32
      %jit3A_285 = arith.constant 195 : i32
      %eq3A_286 = arith.constant 0 : i32
      %eq3A_287 = arith.cmpi eq, %jit3A_285, %eq3A_286 : i32
      %jit3A_288 = arith.constant 1 : i32
      %select_n3A_289 = arith.select %eq3A_287, %jit3A_288, %jit3A_285 : i32
      %rem3A_290 = arith.remsi %add3A_76, %select_n3A_289 : i32
      %ne3A_291 = arith.constant 0 : i32
      %ne3A_292 = arith.cmpi ne, %rem3A_290, %ne3A_291 : i32
      %lt3A_293 = arith.constant 0 : i32
      %lt3A_294 = arith.cmpi slt, %rem3A_290, %lt3A_293 : i32
      %lt3A_295 = arith.constant 0 : i32
      %lt3A_296 = arith.cmpi slt, %select_n3A_289, %lt3A_295 : i32
      %ne3A_297 = arith.xori %lt3A_294, %lt3A_296 : i1
      %and3A_298 = arith.andi %ne3A_297, %ne3A_292 : i1
      %add3A_299 = arith.addi %rem3A_290, %select_n3A_289 : i32
      %select_n3A_300 = arith.select %and3A_298, %add3A_299, %rem3A_290 : i32
      %mul3A_301 = arith.constant 64 : i32
      %mul3A_302 = arith.muli %select_n3A_300, %mul3A_301 : i32
      %add3A_303 = arith.addi %mul3A_284, %mul3A_302 : i32
      %dma_start3A_304 = arith.constant 0 : i32
      %dma_start3A_305 = tpu.memref_slice %arg4[%add3A_303, %dma_start3A_304] : memref<325104x128xf32, #tpu.memory_space<hbm>> -> memref<64x128xf32, #tpu.memory_space<hbm>>
      %dma_start3A_306 = arith.constant 0 : i32
      %dma_start3A_307 = tpu.memref_slice %arg4[%add3A_303, %dma_start3A_306] : memref<325104x128xf32, #tpu.memory_space<hbm>> -> memref<64x128xf32, #tpu.memory_space<hbm>>
      tpu.enqueue_dma source(%arg7 : memref<64x128xf32, #tpu.memory_space<vmem>>) target(%dma_start3A_307 : memref<64x128xf32, #tpu.memory_space<hbm>>) target_semaphore(%arg11 : memref<!tpu.dma_semaphore, #tpu.memory_space<semaphore_mem>>)
      %lt3A_308 = arith.constant 78 : i32
      %lt3A_309 = arith.cmpi slt, %scan3A_71, %lt3A_308 : i32
      %convert_element_type3A_310 = arith.extui %lt3A_309 : i1 to i32
      %cond3A_311 = arith.constant 0 : i32
      %cond3A_312 = arith.cmpi ne, %convert_element_type3A_310, %cond3A_311 : i32
      scf.if %cond3A_312 {
        %add3A_491 = arith.constant 64 : i32
        %add3A_492 = arith.addi %add3A_76, %add3A_491 : i32
        %jit3A_493 = arith.constant 195 : i32
        %div3A_494 = arith.divsi %add3A_492, %jit3A_493 : i32
        %sign3A_495 = arith.constant 0 : i32
        %sign3A_496 = arith.cmpi sgt, %add3A_492, %sign3A_495 : i32
        %sign3A_497 = arith.extui %sign3A_496 : i1 to i32
        %sign3A_498 = arith.constant 0 : i32
        %sign3A_499 = arith.cmpi slt, %add3A_492, %sign3A_498 : i32
        %sign3A_500 = arith.extui %sign3A_499 : i1 to i32
        %sign3A_501 = arith.subi %sign3A_497, %sign3A_500 : i32
        %sign3A_502 = arith.constant 0 : i32
        %sign3A_503 = arith.cmpi sgt, %jit3A_493, %sign3A_502 : i32
        %sign3A_504 = arith.extui %sign3A_503 : i1 to i32
        %sign3A_505 = arith.constant 0 : i32
        %sign3A_506 = arith.cmpi slt, %jit3A_493, %sign3A_505 : i32
        %sign3A_507 = arith.extui %sign3A_506 : i1 to i32
        %sign3A_508 = arith.subi %sign3A_504, %sign3A_507 : i32
        %ne3A_509 = arith.cmpi ne, %sign3A_501, %sign3A_508 : i32
        %rem3A_510 = arith.remsi %add3A_492, %jit3A_493 : i32
        %ne3A_511 = arith.constant 0 : i32
        %ne3A_512 = arith.cmpi ne, %rem3A_510, %ne3A_511 : i32
        %and3A_513 = arith.andi %ne3A_509, %ne3A_512 : i1
        %sub3A_514 = arith.constant 1 : i32
        %sub3A_515 = arith.subi %div3A_494, %sub3A_514 : i32
        %select_n3A_516 = arith.select %and3A_513, %sub3A_515, %div3A_494 : i32
        %jit3A_517 = arith.constant 195 : i32
        %eq3A_518 = arith.constant 0 : i32
        %eq3A_519 = arith.cmpi eq, %jit3A_517, %eq3A_518 : i32
        %jit3A_520 = arith.constant 1 : i32
        %select_n3A_521 = arith.select %eq3A_519, %jit3A_520, %jit3A_517 : i32
        %rem3A_522 = arith.remsi %add3A_492, %select_n3A_521 : i32
        %ne3A_523 = arith.constant 0 : i32
        %ne3A_524 = arith.cmpi ne, %rem3A_522, %ne3A_523 : i32
        %lt3A_525 = arith.constant 0 : i32
        %lt3A_526 = arith.cmpi slt, %rem3A_522, %lt3A_525 : i32
        %lt3A_527 = arith.constant 0 : i32
        %lt3A_528 = arith.cmpi slt, %select_n3A_521, %lt3A_527 : i32
        %ne3A_529 = arith.xori %lt3A_526, %lt3A_528 : i1
        %and3A_530 = arith.andi %ne3A_529, %ne3A_524 : i1
        %add3A_531 = arith.addi %rem3A_522, %select_n3A_521 : i32
        %select_n3A_532 = arith.select %and3A_530, %add3A_531, %rem3A_522 : i32
        %mul3A_533 = arith.constant 512 : i32
        %mul3A_534 = arith.muli %select_n3A_532, %mul3A_533 : i32
        %dma_start3A_535 = arith.constant 0 : i32
        %dma_start3A_536 = arith.constant 0 : i32
        %dma_start3A_537 = tpu.memref_slice %arg5[%dma_start3A_535, %dma_start3A_536] : memref<16x513xf32, #tpu.memory_space<vmem>> -> memref<16x512xf32, #tpu.memory_space<vmem>>
        %dma_start3A_538 = arith.constant 0 : i32
        %dma_start3A_539 = tpu.memref_slice %arg2[%select_n3A_516, %dma_start3A_538, %mul3A_534] : memref<26x16x100000xf32, #tpu.memory_space<hbm>> -> memref<1x16x512xf32, #tpu.memory_space<hbm>>
        %dma_start3A_540 = tpu.memref_squeeze %dma_start3A_539 : memref<1x16x512xf32, #tpu.memory_space<hbm>> -> memref<16x512xf32, #tpu.memory_space<hbm>>
        %dma_start3A_541 = arith.constant 0 : i32
        %dma_start3A_542 = arith.constant 0 : i32
        %dma_start3A_543 = tpu.memref_slice %arg5[%dma_start3A_541, %dma_start3A_542] : memref<16x513xf32, #tpu.memory_space<vmem>> -> memref<16x512xf32, #tpu.memory_space<vmem>>
        %dma_start3A_544 = arith.constant 0 : i32
        %dma_start3A_545 = tpu.memref_slice %arg2[%select_n3A_516, %dma_start3A_544, %mul3A_534] : memref<26x16x100000xf32, #tpu.memory_space<hbm>> -> memref<1x16x512xf32, #tpu.memory_space<hbm>>
        %dma_start3A_546 = tpu.memref_squeeze %dma_start3A_545 : memref<1x16x512xf32, #tpu.memory_space<hbm>> -> memref<16x512xf32, #tpu.memory_space<hbm>>
        tpu.enqueue_dma source(%dma_start3A_546 : memref<16x512xf32, #tpu.memory_space<hbm>>) target(%dma_start3A_543 : memref<16x512xf32, #tpu.memory_space<vmem>>) target_semaphore(%arg9 : memref<!tpu.dma_semaphore, #tpu.memory_space<semaphore_mem>>)
      } else {
      }
      %jit3A_313 = arith.constant 195 : i32
      %div3A_314 = arith.divsi %add3A_78, %jit3A_313 : i32
      %sign3A_315 = arith.constant 0 : i32
      %sign3A_316 = arith.cmpi sgt, %add3A_78, %sign3A_315 : i32
      %sign3A_317 = arith.extui %sign3A_316 : i1 to i32
      %sign3A_318 = arith.constant 0 : i32
      %sign3A_319 = arith.cmpi slt, %add3A_78, %sign3A_318 : i32
      %sign3A_320 = arith.extui %sign3A_319 : i1 to i32
      %sign3A_321 = arith.subi %sign3A_317, %sign3A_320 : i32
      %sign3A_322 = arith.constant 0 : i32
      %sign3A_323 = arith.cmpi sgt, %jit3A_313, %sign3A_322 : i32
      %sign3A_324 = arith.extui %sign3A_323 : i1 to i32
      %sign3A_325 = arith.constant 0 : i32
      %sign3A_326 = arith.cmpi slt, %jit3A_313, %sign3A_325 : i32
      %sign3A_327 = arith.extui %sign3A_326 : i1 to i32
      %sign3A_328 = arith.subi %sign3A_324, %sign3A_327 : i32
      %ne3A_329 = arith.cmpi ne, %sign3A_321, %sign3A_328 : i32
      %rem3A_330 = arith.remsi %add3A_78, %jit3A_313 : i32
      %ne3A_331 = arith.constant 0 : i32
      %ne3A_332 = arith.cmpi ne, %rem3A_330, %ne3A_331 : i32
      %and3A_333 = arith.andi %ne3A_329, %ne3A_332 : i1
      %sub3A_334 = arith.constant 1 : i32
      %sub3A_335 = arith.subi %div3A_314, %sub3A_334 : i32
      %select_n3A_336 = arith.select %and3A_333, %sub3A_335, %div3A_314 : i32
      %jit3A_337 = arith.constant 195 : i32
      %eq3A_338 = arith.constant 0 : i32
      %eq3A_339 = arith.cmpi eq, %jit3A_337, %eq3A_338 : i32
      %jit3A_340 = arith.constant 1 : i32
      %select_n3A_341 = arith.select %eq3A_339, %jit3A_340, %jit3A_337 : i32
      %rem3A_342 = arith.remsi %add3A_78, %select_n3A_341 : i32
      %ne3A_343 = arith.constant 0 : i32
      %ne3A_344 = arith.cmpi ne, %rem3A_342, %ne3A_343 : i32
      %lt3A_345 = arith.constant 0 : i32
      %lt3A_346 = arith.cmpi slt, %rem3A_342, %lt3A_345 : i32
      %lt3A_347 = arith.constant 0 : i32
      %lt3A_348 = arith.cmpi slt, %select_n3A_341, %lt3A_347 : i32
      %ne3A_349 = arith.xori %lt3A_346, %lt3A_348 : i1
      %and3A_350 = arith.andi %ne3A_349, %ne3A_344 : i1
      %add3A_351 = arith.addi %rem3A_342, %select_n3A_341 : i32
      %select_n3A_352 = arith.select %and3A_350, %add3A_351, %rem3A_342 : i32
      %mul3A_353 = arith.constant 512 : i32
      %mul3A_354 = arith.muli %select_n3A_352, %mul3A_353 : i32
      %dma_wait3A_355 = arith.constant 0 : i32
      %dma_wait3A_356 = arith.constant 0 : i32
      %dma_wait3A_357 = tpu.memref_slice %arg6[%dma_wait3A_355, %dma_wait3A_356] : memref<16x513xf32, #tpu.memory_space<vmem>> -> memref<16x512xf32, #tpu.memory_space<vmem>>
      %dma_wait3A_358 = arith.constant 0 : i32
      %dma_wait3A_359 = tpu.memref_slice %arg2[%select_n3A_336, %dma_wait3A_358, %mul3A_354] : memref<26x16x100000xf32, #tpu.memory_space<hbm>> -> memref<1x16x512xf32, #tpu.memory_space<hbm>>
      %dma_wait3A_360 = tpu.memref_squeeze %dma_wait3A_359 : memref<1x16x512xf32, #tpu.memory_space<hbm>> -> memref<16x512xf32, #tpu.memory_space<hbm>>
      %dma_wait3A_361 = arith.constant 0 : i32
      %dma_wait3A_362 = arith.constant 0 : i32
      %dma_wait3A_363 = tpu.memref_slice %arg6[%dma_wait3A_361, %dma_wait3A_362] : memref<16x513xf32, #tpu.memory_space<vmem>> -> memref<16x512xf32, #tpu.memory_space<vmem>>
      %dma_wait3A_364 = arith.constant 0 : i32
      %dma_wait3A_365 = tpu.memref_slice %arg2[%select_n3A_336, %dma_wait3A_364, %mul3A_354] : memref<26x16x100000xf32, #tpu.memory_space<hbm>> -> memref<1x16x512xf32, #tpu.memory_space<hbm>>
      %dma_wait3A_366 = tpu.memref_squeeze %dma_wait3A_365 : memref<1x16x512xf32, #tpu.memory_space<hbm>> -> memref<16x512xf32, #tpu.memory_space<hbm>>
      tpu.wait_dma2 semaphore(%arg10 : memref<!tpu.dma_semaphore, #tpu.memory_space<semaphore_mem>>) src(%dma_wait3A_366 : memref<16x512xf32, #tpu.memory_space<hbm>>) dst(%dma_wait3A_363 : memref<16x512xf32, #tpu.memory_space<vmem>>)
      %gt3A_367 = arith.constant 0 : i32
      %gt3A_368 = arith.cmpi sgt, %scan3A_71, %gt3A_367 : i32
      %convert_element_type3A_369 = arith.extui %gt3A_368 : i1 to i32
      %cond3A_370 = arith.constant 0 : i32
      %cond3A_371 = arith.cmpi ne, %convert_element_type3A_369, %cond3A_370 : i32
      scf.if %cond3A_371 {
        %jit3A_491 = arith.constant 195 : i32
        %div3A_492 = arith.divsi %add3A_78, %jit3A_491 : i32
        %sign3A_493 = arith.constant 0 : i32
        %sign3A_494 = arith.cmpi sgt, %add3A_78, %sign3A_493 : i32
        %sign3A_495 = arith.extui %sign3A_494 : i1 to i32
        %sign3A_496 = arith.constant 0 : i32
        %sign3A_497 = arith.cmpi slt, %add3A_78, %sign3A_496 : i32
        %sign3A_498 = arith.extui %sign3A_497 : i1 to i32
        %sign3A_499 = arith.subi %sign3A_495, %sign3A_498 : i32
        %sign3A_500 = arith.constant 0 : i32
        %sign3A_501 = arith.cmpi sgt, %jit3A_491, %sign3A_500 : i32
        %sign3A_502 = arith.extui %sign3A_501 : i1 to i32
        %sign3A_503 = arith.constant 0 : i32
        %sign3A_504 = arith.cmpi slt, %jit3A_491, %sign3A_503 : i32
        %sign3A_505 = arith.extui %sign3A_504 : i1 to i32
        %sign3A_506 = arith.subi %sign3A_502, %sign3A_505 : i32
        %ne3A_507 = arith.cmpi ne, %sign3A_499, %sign3A_506 : i32
        %rem3A_508 = arith.remsi %add3A_78, %jit3A_491 : i32
        %ne3A_509 = arith.constant 0 : i32
        %ne3A_510 = arith.cmpi ne, %rem3A_508, %ne3A_509 : i32
        %and3A_511 = arith.andi %ne3A_507, %ne3A_510 : i1
        %sub3A_512 = arith.constant 1 : i32
        %sub3A_513 = arith.subi %div3A_492, %sub3A_512 : i32
        %select_n3A_514 = arith.select %and3A_511, %sub3A_513, %div3A_492 : i32
        %mul3A_515 = arith.constant 12504 : i32
        %mul3A_516 = arith.muli %select_n3A_514, %mul3A_515 : i32
        %jit3A_517 = arith.constant 195 : i32
        %eq3A_518 = arith.constant 0 : i32
        %eq3A_519 = arith.cmpi eq, %jit3A_517, %eq3A_518 : i32
        %jit3A_520 = arith.constant 1 : i32
        %select_n3A_521 = arith.select %eq3A_519, %jit3A_520, %jit3A_517 : i32
        %rem3A_522 = arith.remsi %add3A_78, %select_n3A_521 : i32
        %ne3A_523 = arith.constant 0 : i32
        %ne3A_524 = arith.cmpi ne, %rem3A_522, %ne3A_523 : i32
        %lt3A_525 = arith.constant 0 : i32
        %lt3A_526 = arith.cmpi slt, %rem3A_522, %lt3A_525 : i32
        %lt3A_527 = arith.constant 0 : i32
        %lt3A_528 = arith.cmpi slt, %select_n3A_521, %lt3A_527 : i32
        %ne3A_529 = arith.xori %lt3A_526, %lt3A_528 : i1
        %and3A_530 = arith.andi %ne3A_529, %ne3A_524 : i1
        %add3A_531 = arith.addi %rem3A_522, %select_n3A_521 : i32
        %select_n3A_532 = arith.select %and3A_530, %add3A_531, %rem3A_522 : i32
        %mul3A_533 = arith.constant 64 : i32
        %mul3A_534 = arith.muli %select_n3A_532, %mul3A_533 : i32
        %add3A_535 = arith.addi %mul3A_516, %mul3A_534 : i32
        %dma_wait3A_536 = arith.constant 0 : i32
        %dma_wait3A_537 = tpu.memref_slice %arg4[%add3A_535, %dma_wait3A_536] : memref<325104x128xf32, #tpu.memory_space<hbm>> -> memref<64x128xf32, #tpu.memory_space<hbm>>
        %dma_wait3A_538 = arith.constant 0 : i32
        %dma_wait3A_539 = tpu.memref_slice %arg4[%add3A_535, %dma_wait3A_538] : memref<325104x128xf32, #tpu.memory_space<hbm>> -> memref<64x128xf32, #tpu.memory_space<hbm>>
        tpu.wait_dma2 semaphore(%arg12 : memref<!tpu.dma_semaphore, #tpu.memory_space<semaphore_mem>>) src(%arg8 : memref<64x128xf32, #tpu.memory_space<vmem>>) dst(%dma_wait3A_539 : memref<64x128xf32, #tpu.memory_space<hbm>>)
      } else {
      }
      %add3A_372 = arith.constant 0 : i32
      %add3A_373 = vector.broadcast %add3A_372 : i32 to vector<16xi32>
      %add3A_374 = arith.addi %broadcast_in_dim3A_1, %add3A_373 : vector<16xi32>
      %gather3A_375 = tpu.vector_load_idx %arg6[%iota3A, %add3A_374] : memref<16x513xf32, #tpu.memory_space<vmem>>[vector<16xi32>, vector<16xi32>], vector<16xf32>,
      %add3A_376 = arith.constant 1 : i32
      %add3A_377 = vector.broadcast %add3A_376 : i32 to vector<16xi32>
      %add3A_378 = arith.addi %broadcast_in_dim3A_1, %add3A_377 : vector<16xi32>
      %gather3A_379 = tpu.vector_load_idx %arg6[%iota3A, %add3A_378] : memref<16x513xf32, #tpu.memory_space<vmem>>[vector<16xi32>, vector<16xi32>], vector<16xf32>,
      %add3A_380 = arith.constant 2 : i32
      %add3A_381 = vector.broadcast %add3A_380 : i32 to vector<16xi32>
      %add3A_382 = arith.addi %broadcast_in_dim3A_1, %add3A_381 : vector<16xi32>
      %gather3A_383 = tpu.vector_load_idx %arg6[%iota3A, %add3A_382] : memref<16x513xf32, #tpu.memory_space<vmem>>[vector<16xi32>, vector<16xi32>], vector<16xf32>,
      %add3A_384 = arith.constant 3 : i32
      %add3A_385 = vector.broadcast %add3A_384 : i32 to vector<16xi32>
      %add3A_386 = arith.addi %broadcast_in_dim3A_1, %add3A_385 : vector<16xi32>
      %gather3A_387 = tpu.vector_load_idx %arg6[%iota3A, %add3A_386] : memref<16x513xf32, #tpu.memory_space<vmem>>[vector<16xi32>, vector<16xi32>], vector<16xf32>,
      %add3A_388 = arith.constant 4 : i32
      %add3A_389 = vector.broadcast %add3A_388 : i32 to vector<16xi32>
      %add3A_390 = arith.addi %broadcast_in_dim3A_1, %add3A_389 : vector<16xi32>
      %gather3A_391 = tpu.vector_load_idx %arg6[%iota3A, %add3A_390] : memref<16x513xf32, #tpu.memory_space<vmem>>[vector<16xi32>, vector<16xi32>], vector<16xf32>,
      %add3A_392 = arith.constant 5 : i32
      %add3A_393 = vector.broadcast %add3A_392 : i32 to vector<16xi32>
      %add3A_394 = arith.addi %broadcast_in_dim3A_1, %add3A_393 : vector<16xi32>
      %gather3A_395 = tpu.vector_load_idx %arg6[%iota3A, %add3A_394] : memref<16x513xf32, #tpu.memory_space<vmem>>[vector<16xi32>, vector<16xi32>], vector<16xf32>,
      %add3A_396 = arith.constant 6 : i32
      %add3A_397 = vector.broadcast %add3A_396 : i32 to vector<16xi32>
      %add3A_398 = arith.addi %broadcast_in_dim3A_1, %add3A_397 : vector<16xi32>
      %gather3A_399 = tpu.vector_load_idx %arg6[%iota3A, %add3A_398] : memref<16x513xf32, #tpu.memory_space<vmem>>[vector<16xi32>, vector<16xi32>], vector<16xf32>,
      %add3A_400 = arith.constant 7 : i32
      %add3A_401 = vector.broadcast %add3A_400 : i32 to vector<16xi32>
      %add3A_402 = arith.addi %broadcast_in_dim3A_1, %add3A_401 : vector<16xi32>
      %gather3A_403 = tpu.vector_load_idx %arg6[%iota3A, %add3A_402] : memref<16x513xf32, #tpu.memory_space<vmem>>[vector<16xi32>, vector<16xi32>], vector<16xf32>,
      %scan3A_404 = arith.constant 1 : i32
      %scan3A_405 = arith.constant 63 : i32
      %scan3A_406 = arith.addi %scan3A_404, %scan3A_405 : i32
      %scan3A_407 = arith.constant 1 : i32
      %scan3A_408:8 = scf.for %scan3A_491 = %scan3A_404 to %scan3A_406 step %scan3A_407 iter_args(%scan3A_492 = %gather3A_375, %scan3A_493 = %gather3A_379, %scan3A_494 = %gather3A_383, %scan3A_495 = %gather3A_387, %scan3A_496 = %gather3A_391, %scan3A_497 = %gather3A_395, %scan3A_498 = %gather3A_399, %scan3A_499 = %gather3A_403) -> (vector<16xf32>, vector<16xf32>, vector<16xf32>, vector<16xf32>, vector<16xf32>, vector<16xf32>, vector<16xf32>, vector<16xf32>)  : i32 {
        %mul3A_500 = arith.constant 8 : i32
        %mul3A_501 = arith.muli %mul3A_500, %scan3A_491 : i32
        %add3A_502 = arith.constant 0 : i32
        %add3A_503 = arith.addi %mul3A_501, %add3A_502 : i32
        %add3A_504 = vector.broadcast %add3A_503 : i32 to vector<16xi32>
        %add3A_505 = arith.addi %broadcast_in_dim3A_1, %add3A_504 : vector<16xi32>
        %gather3A_506 = tpu.vector_load_idx %arg6[%iota3A, %add3A_505] : memref<16x513xf32, #tpu.memory_space<vmem>>[vector<16xi32>, vector<16xi32>], vector<16xf32>,
        %mul3A_507 = arith.constant 8 : i32
        %mul3A_508 = arith.muli %mul3A_507, %scan3A_491 : i32
        %add3A_509 = arith.constant 1 : i32
        %add3A_510 = arith.addi %mul3A_508, %add3A_509 : i32
        %add3A_511 = vector.broadcast %add3A_510 : i32 to vector<16xi32>
        %add3A_512 = arith.addi %broadcast_in_dim3A_1, %add3A_511 : vector<16xi32>
        %gather3A_513 = tpu.vector_load_idx %arg6[%iota3A, %add3A_512] : memref<16x513xf32, #tpu.memory_space<vmem>>[vector<16xi32>, vector<16xi32>], vector<16xf32>,
        %mul3A_514 = arith.constant 8 : i32
        %mul3A_515 = arith.muli %mul3A_514, %scan3A_491 : i32
        %add3A_516 = arith.constant 2 : i32
        %add3A_517 = arith.addi %mul3A_515, %add3A_516 : i32
        %add3A_518 = vector.broadcast %add3A_517 : i32 to vector<16xi32>
        %add3A_519 = arith.addi %broadcast_in_dim3A_1, %add3A_518 : vector<16xi32>
        %gather3A_520 = tpu.vector_load_idx %arg6[%iota3A, %add3A_519] : memref<16x513xf32, #tpu.memory_space<vmem>>[vector<16xi32>, vector<16xi32>], vector<16xf32>,
        %mul3A_521 = arith.constant 8 : i32
        %mul3A_522 = arith.muli %mul3A_521, %scan3A_491 : i32
        %add3A_523 = arith.constant 3 : i32
        %add3A_524 = arith.addi %mul3A_522, %add3A_523 : i32
        %add3A_525 = vector.broadcast %add3A_524 : i32 to vector<16xi32>
        %add3A_526 = arith.addi %broadcast_in_dim3A_1, %add3A_525 : vector<16xi32>
        %gather3A_527 = tpu.vector_load_idx %arg6[%iota3A, %add3A_526] : memref<16x513xf32, #tpu.memory_space<vmem>>[vector<16xi32>, vector<16xi32>], vector<16xf32>,
        %mul3A_528 = arith.constant 8 : i32
        %mul3A_529 = arith.muli %mul3A_528, %scan3A_491 : i32
        %add3A_530 = arith.constant 4 : i32
        %add3A_531 = arith.addi %mul3A_529, %add3A_530 : i32
        %add3A_532 = vector.broadcast %add3A_531 : i32 to vector<16xi32>
        %add3A_533 = arith.addi %broadcast_in_dim3A_1, %add3A_532 : vector<16xi32>
        %gather3A_534 = tpu.vector_load_idx %arg6[%iota3A, %add3A_533] : memref<16x513xf32, #tpu.memory_space<vmem>>[vector<16xi32>, vector<16xi32>], vector<16xf32>,
        %mul3A_535 = arith.constant 8 : i32
        %mul3A_536 = arith.muli %mul3A_535, %scan3A_491 : i32
        %add3A_537 = arith.constant 5 : i32
        %add3A_538 = arith.addi %mul3A_536, %add3A_537 : i32
        %add3A_539 = vector.broadcast %add3A_538 : i32 to vector<16xi32>
        %add3A_540 = arith.addi %broadcast_in_dim3A_1, %add3A_539 : vector<16xi32>
        %gather3A_541 = tpu.vector_load_idx %arg6[%iota3A, %add3A_540] : memref<16x513xf32, #tpu.memory_space<vmem>>[vector<16xi32>, vector<16xi32>], vector<16xf32>,
        %mul3A_542 = arith.constant 8 : i32
        %mul3A_543 = arith.muli %mul3A_542, %scan3A_491 : i32
        %add3A_544 = arith.constant 6 : i32
        %add3A_545 = arith.addi %mul3A_543, %add3A_544 : i32
        %add3A_546 = vector.broadcast %add3A_545 : i32 to vector<16xi32>
        %add3A_547 = arith.addi %broadcast_in_dim3A_1, %add3A_546 : vector<16xi32>
        %gather3A_548 = tpu.vector_load_idx %arg6[%iota3A, %add3A_547] : memref<16x513xf32, #tpu.memory_space<vmem>>[vector<16xi32>, vector<16xi32>], vector<16xf32>,
        %mul3A_549 = arith.constant 8 : i32
        %mul3A_550 = arith.muli %mul3A_549, %scan3A_491 : i32
        %add3A_551 = arith.constant 7 : i32
        %add3A_552 = arith.addi %mul3A_550, %add3A_551 : i32
        %add3A_553 = vector.broadcast %add3A_552 : i32 to vector<16xi32>
        %add3A_554 = arith.addi %broadcast_in_dim3A_1, %add3A_553 : vector<16xi32>
        %gather3A_555 = tpu.vector_load_idx %arg6[%iota3A, %add3A_554] : memref<16x513xf32, #tpu.memory_space<vmem>>[vector<16xi32>, vector<16xi32>], vector<16xf32>,
        %sub3A_556 = arith.constant 1 : i32
        %sub3A_557 = arith.subi %scan3A_491, %sub3A_556 : i32
        %swap3A_558 = arith.index_cast %sub3A_557 : i32 to index
        %swap3A_559 = arith.constant 0 : index
        %swap3A_560 = tpu.vector_load %arg8[%swap3A_558, %swap3A_559] {strides = array<i32>} : memref<64x128xf32, #tpu.memory_space<vmem>>, vector<16xf32>,
        tpu.vector_store %arg8[%swap3A_558, %swap3A_559], %scan3A_492 {strides = array<i32>} : memref<64x128xf32, #tpu.memory_space<vmem>>, vector<16xf32>,
        %sub3A_561 = arith.constant 1 : i32
        %sub3A_562 = arith.subi %scan3A_491, %sub3A_561 : i32
        %swap3A_563 = arith.index_cast %sub3A_562 : i32 to index
        %swap3A_564 = arith.constant 16 : index
        %swap3A_565 = tpu.vector_load %arg8[%swap3A_563, %swap3A_564] {strides = array<i32>} : memref<64x128xf32, #tpu.memory_space<vmem>>, vector<16xf32>,
        tpu.vector_store %arg8[%swap3A_563, %swap3A_564], %scan3A_493 {strides = array<i32>} : memref<64x128xf32, #tpu.memory_space<vmem>>, vector<16xf32>,
        %sub3A_566 = arith.constant 1 : i32
        %sub3A_567 = arith.subi %scan3A_491, %sub3A_566 : i32
        %swap3A_568 = arith.index_cast %sub3A_567 : i32 to index
        %swap3A_569 = arith.constant 32 : index
        %swap3A_570 = tpu.vector_load %arg8[%swap3A_568, %swap3A_569] {strides = array<i32>} : memref<64x128xf32, #tpu.memory_space<vmem>>, vector<16xf32>,
        tpu.vector_store %arg8[%swap3A_568, %swap3A_569], %scan3A_494 {strides = array<i32>} : memref<64x128xf32, #tpu.memory_space<vmem>>, vector<16xf32>,
        %sub3A_571 = arith.constant 1 : i32
        %sub3A_572 = arith.subi %scan3A_491, %sub3A_571 : i32
        %swap3A_573 = arith.index_cast %sub3A_572 : i32 to index
        %swap3A_574 = arith.constant 48 : index
        %swap3A_575 = tpu.vector_load %arg8[%swap3A_573, %swap3A_574] {strides = array<i32>} : memref<64x128xf32, #tpu.memory_space<vmem>>, vector<16xf32>,
        tpu.vector_store %arg8[%swap3A_573, %swap3A_574], %scan3A_495 {strides = array<i32>} : memref<64x128xf32, #tpu.memory_space<vmem>>, vector<16xf32>,
        %sub3A_576 = arith.constant 1 : i32
        %sub3A_577 = arith.subi %scan3A_491, %sub3A_576 : i32
        %swap3A_578 = arith.index_cast %sub3A_577 : i32 to index
        %swap3A_579 = arith.constant 64 : index
        %swap3A_580 = tpu.vector_load %arg8[%swap3A_578, %swap3A_579] {strides = array<i32>} : memref<64x128xf32, #tpu.memory_space<vmem>>, vector<16xf32>,
        tpu.vector_store %arg8[%swap3A_578, %swap3A_579], %scan3A_496 {strides = array<i32>} : memref<64x128xf32, #tpu.memory_space<vmem>>, vector<16xf32>,
        %sub3A_581 = arith.constant 1 : i32
        %sub3A_582 = arith.subi %scan3A_491, %sub3A_581 : i32
        %swap3A_583 = arith.index_cast %sub3A_582 : i32 to index
        %swap3A_584 = arith.constant 80 : index
        %swap3A_585 = tpu.vector_load %arg8[%swap3A_583, %swap3A_584] {strides = array<i32>} : memref<64x128xf32, #tpu.memory_space<vmem>>, vector<16xf32>,
        tpu.vector_store %arg8[%swap3A_583, %swap3A_584], %scan3A_497 {strides = array<i32>} : memref<64x128xf32, #tpu.memory_space<vmem>>, vector<16xf32>,
        %sub3A_586 = arith.constant 1 : i32
        %sub3A_587 = arith.subi %scan3A_491, %sub3A_586 : i32
        %swap3A_588 = arith.index_cast %sub3A_587 : i32 to index
        %swap3A_589 = arith.constant 96 : index
        %swap3A_590 = tpu.vector_load %arg8[%swap3A_588, %swap3A_589] {strides = array<i32>} : memref<64x128xf32, #tpu.memory_space<vmem>>, vector<16xf32>,
        tpu.vector_store %arg8[%swap3A_588, %swap3A_589], %scan3A_498 {strides = array<i32>} : memref<64x128xf32, #tpu.memory_space<vmem>>, vector<16xf32>,
        %sub3A_591 = arith.constant 1 : i32
        %sub3A_592 = arith.subi %scan3A_491, %sub3A_591 : i32
        %swap3A_593 = arith.index_cast %sub3A_592 : i32 to index
        %swap3A_594 = arith.constant 112 : index
        %swap3A_595 = tpu.vector_load %arg8[%swap3A_593, %swap3A_594] {strides = array<i32>} : memref<64x128xf32, #tpu.memory_space<vmem>>, vector<16xf32>,
        tpu.vector_store %arg8[%swap3A_593, %swap3A_594], %scan3A_499 {strides = array<i32>} : memref<64x128xf32, #tpu.memory_space<vmem>>, vector<16xf32>,
        scf.yield %gather3A_506, %gather3A_513, %gather3A_520, %gather3A_527, %gather3A_534, %gather3A_541, %gather3A_548, %gather3A_555 : vector<16xf32>, vector<16xf32>, vector<16xf32>, vector<16xf32>, vector<16xf32>, vector<16xf32>, vector<16xf32>, vector<16xf32>
      }
      %scan3A_409 = arith.constant 63 : i32
      %swap3A_410 = arith.constant 63 : i32
      %swap3A_411 = arith.index_cast %swap3A_410 : i32 to index
      %swap3A_412 = arith.constant 0 : index
      %swap3A_413 = tpu.vector_load %arg8[%swap3A_411, %swap3A_412] {strides = array<i32>} : memref<64x128xf32, #tpu.memory_space<vmem>>, vector<16xf32>,
      tpu.vector_store %arg8[%swap3A_411, %swap3A_412], %scan3A_408#0 {strides = array<i32>} : memref<64x128xf32, #tpu.memory_space<vmem>>, vector<16xf32>,
      %swap3A_414 = arith.constant 63 : i32
      %swap3A_415 = arith.index_cast %swap3A_414 : i32 to index
      %swap3A_416 = arith.constant 16 : index
      %swap3A_417 = tpu.vector_load %arg8[%swap3A_415, %swap3A_416] {strides = array<i32>} : memref<64x128xf32, #tpu.memory_space<vmem>>, vector<16xf32>,
      tpu.vector_store %arg8[%swap3A_415, %swap3A_416], %scan3A_408#1 {strides = array<i32>} : memref<64x128xf32, #tpu.memory_space<vmem>>, vector<16xf32>,
      %swap3A_418 = arith.constant 63 : i32
      %swap3A_419 = arith.index_cast %swap3A_418 : i32 to index
      %swap3A_420 = arith.constant 32 : index
      %swap3A_421 = tpu.vector_load %arg8[%swap3A_419, %swap3A_420] {strides = array<i32>} : memref<64x128xf32, #tpu.memory_space<vmem>>, vector<16xf32>,
      tpu.vector_store %arg8[%swap3A_419, %swap3A_420], %scan3A_408#2 {strides = array<i32>} : memref<64x128xf32, #tpu.memory_space<vmem>>, vector<16xf32>,
      %swap3A_422 = arith.constant 63 : i32
      %swap3A_423 = arith.index_cast %swap3A_422 : i32 to index
      %swap3A_424 = arith.constant 48 : index
      %swap3A_425 = tpu.vector_load %arg8[%swap3A_423, %swap3A_424] {strides = array<i32>} : memref<64x128xf32, #tpu.memory_space<vmem>>, vector<16xf32>,
      tpu.vector_store %arg8[%swap3A_423, %swap3A_424], %scan3A_408#3 {strides = array<i32>} : memref<64x128xf32, #tpu.memory_space<vmem>>, vector<16xf32>,
      %swap3A_426 = arith.constant 63 : i32
      %swap3A_427 = arith.index_cast %swap3A_426 : i32 to index
      %swap3A_428 = arith.constant 64 : index
      %swap3A_429 = tpu.vector_load %arg8[%swap3A_427, %swap3A_428] {strides = array<i32>} : memref<64x128xf32, #tpu.memory_space<vmem>>, vector<16xf32>,
      tpu.vector_store %arg8[%swap3A_427, %swap3A_428], %scan3A_408#4 {strides = array<i32>} : memref<64x128xf32, #tpu.memory_space<vmem>>, vector<16xf32>,
      %swap3A_430 = arith.constant 63 : i32
      %swap3A_431 = arith.index_cast %swap3A_430 : i32 to index
      %swap3A_432 = arith.constant 80 : index
      %swap3A_433 = tpu.vector_load %arg8[%swap3A_431, %swap3A_432] {strides = array<i32>} : memref<64x128xf32, #tpu.memory_space<vmem>>, vector<16xf32>,
      tpu.vector_store %arg8[%swap3A_431, %swap3A_432], %scan3A_408#5 {strides = array<i32>} : memref<64x128xf32, #tpu.memory_space<vmem>>, vector<16xf32>,
      %swap3A_434 = arith.constant 63 : i32
      %swap3A_435 = arith.index_cast %swap3A_434 : i32 to index
      %swap3A_436 = arith.constant 96 : index
      %swap3A_437 = tpu.vector_load %arg8[%swap3A_435, %swap3A_436] {strides = array<i32>} : memref<64x128xf32, #tpu.memory_space<vmem>>, vector<16xf32>,
      tpu.vector_store %arg8[%swap3A_435, %swap3A_436], %scan3A_408#6 {strides = array<i32>} : memref<64x128xf32, #tpu.memory_space<vmem>>, vector<16xf32>,
      %swap3A_438 = arith.constant 63 : i32
      %swap3A_439 = arith.index_cast %swap3A_438 : i32 to index
      %swap3A_440 = arith.constant 112 : index
      %swap3A_441 = tpu.vector_load %arg8[%swap3A_439, %swap3A_440] {strides = array<i32>} : memref<64x128xf32, #tpu.memory_space<vmem>>, vector<16xf32>,
      tpu.vector_store %arg8[%swap3A_439, %swap3A_440], %scan3A_408#7 {strides = array<i32>} : memref<64x128xf32, #tpu.memory_space<vmem>>, vector<16xf32>,
      %jit3A_442 = arith.constant 195 : i32
      %div3A_443 = arith.divsi %add3A_78, %jit3A_442 : i32
      %sign3A_444 = arith.constant 0 : i32
      %sign3A_445 = arith.cmpi sgt, %add3A_78, %sign3A_444 : i32
      %sign3A_446 = arith.extui %sign3A_445 : i1 to i32
      %sign3A_447 = arith.constant 0 : i32
      %sign3A_448 = arith.cmpi slt, %add3A_78, %sign3A_447 : i32
      %sign3A_449 = arith.extui %sign3A_448 : i1 to i32
      %sign3A_450 = arith.subi %sign3A_446, %sign3A_449 : i32
      %sign3A_451 = arith.constant 0 : i32
      %sign3A_452 = arith.cmpi sgt, %jit3A_442, %sign3A_451 : i32
      %sign3A_453 = arith.extui %sign3A_452 : i1 to i32
      %sign3A_454 = arith.constant 0 : i32
      %sign3A_455 = arith.cmpi slt, %jit3A_442, %sign3A_454 : i32
      %sign3A_456 = arith.extui %sign3A_455 : i1 to i32
      %sign3A_457 = arith.subi %sign3A_453, %sign3A_456 : i32
      %ne3A_458 = arith.cmpi ne, %sign3A_450, %sign3A_457 : i32
      %rem3A_459 = arith.remsi %add3A_78, %jit3A_442 : i32
      %ne3A_460 = arith.constant 0 : i32
      %ne3A_461 = arith.cmpi ne, %rem3A_459, %ne3A_460 : i32
      %and3A_462 = arith.andi %ne3A_458, %ne3A_461 : i1
      %sub3A_463 = arith.constant 1 : i32
      %sub3A_464 = arith.subi %div3A_443, %sub3A_463 : i32
      %select_n3A_465 = arith.select %and3A_462, %sub3A_464, %div3A_443 : i32
      %mul3A_466 = arith.constant 12504 : i32
      %mul3A_467 = arith.muli %select_n3A_465, %mul3A_466 : i32
      %jit3A_468 = arith.constant 195 : i32
      %eq3A_469 = arith.constant 0 : i32
      %eq3A_470 = arith.cmpi eq, %jit3A_468, %eq3A_469 : i32
      %jit3A_471 = arith.constant 1 : i32
      %select_n3A_472 = arith.select %eq3A_470, %jit3A_471, %jit3A_468 : i32
      %rem3A_473 = arith.remsi %add3A_78, %select_n3A_472 : i32
      %ne3A_474 = arith.constant 0 : i32
      %ne3A_475 = arith.cmpi ne, %rem3A_473, %ne3A_474 : i32
      %lt3A_476 = arith.constant 0 : i32
      %lt3A_477 = arith.cmpi slt, %rem3A_473, %lt3A_476 : i32
      %lt3A_478 = arith.constant 0 : i32
      %lt3A_479 = arith.cmpi slt, %select_n3A_472, %lt3A_478 : i32
      %ne3A_480 = arith.xori %lt3A_477, %lt3A_479 : i1
      %and3A_481 = arith.andi %ne3A_480, %ne3A_475 : i1
      %add3A_482 = arith.addi %rem3A_473, %select_n3A_472 : i32
      %select_n3A_483 = arith.select %and3A_481, %add3A_482, %rem3A_473 : i32
      %mul3A_484 = arith.constant 64 : i32
      %mul3A_485 = arith.muli %select_n3A_483, %mul3A_484 : i32
      %add3A_486 = arith.addi %mul3A_467, %mul3A_485 : i32
      %dma_start3A_487 = arith.constant 0 : i32
      %dma_start3A_488 = tpu.memref_slice %arg4[%add3A_486, %dma_start3A_487] : memref<325104x128xf32, #tpu.memory_space<hbm>> -> memref<64x128xf32, #tpu.memory_space<hbm>>
      %dma_start3A_489 = arith.constant 0 : i32
      %dma_start3A_490 = tpu.memref_slice %arg4[%add3A_486, %dma_start3A_489] : memref<325104x128xf32, #tpu.memory_space<hbm>> -> memref<64x128xf32, #tpu.memory_space<hbm>>
      tpu.enqueue_dma source(%arg8 : memref<64x128xf32, #tpu.memory_space<vmem>>) target(%dma_start3A_490 : memref<64x128xf32, #tpu.memory_space<hbm>>) target_semaphore(%arg12 : memref<!tpu.dma_semaphore, #tpu.memory_space<semaphore_mem>>)
    }
    %scan3A_49 = arith.constant 79 : i32
    %dma_wait3A = arith.constant 0 : i32
    %dma_wait3A_50 = arith.constant 0 : i32
    %dma_wait3A_51 = tpu.memref_slice %arg4[%dma_wait3A, %dma_wait3A_50] : memref<325104x128xf32, #tpu.memory_space<hbm>> -> memref<64x128xf32, #tpu.memory_space<hbm>>
    %dma_wait3A_52 = arith.constant 0 : i32
    %dma_wait3A_53 = arith.constant 0 : i32
    %dma_wait3A_54 = tpu.memref_slice %arg4[%dma_wait3A_52, %dma_wait3A_53] : memref<325104x128xf32, #tpu.memory_space<hbm>> -> memref<64x128xf32, #tpu.memory_space<hbm>>
    tpu.wait_dma2 semaphore(%arg11 : memref<!tpu.dma_semaphore, #tpu.memory_space<semaphore_mem>>) src(%arg7 : memref<64x128xf32, #tpu.memory_space<vmem>>) dst(%dma_wait3A_54 : memref<64x128xf32, #tpu.memory_space<hbm>>)
    %dma_wait3A_55 = arith.constant 0 : i32
    %dma_wait3A_56 = arith.constant 0 : i32
    %dma_wait3A_57 = tpu.memref_slice %arg4[%dma_wait3A_55, %dma_wait3A_56] : memref<325104x128xf32, #tpu.memory_space<hbm>> -> memref<64x128xf32, #tpu.memory_space<hbm>>
    %dma_wait3A_58 = arith.constant 0 : i32
    %dma_wait3A_59 = arith.constant 0 : i32
    %dma_wait3A_60 = tpu.memref_slice %arg4[%dma_wait3A_58, %dma_wait3A_59] : memref<325104x128xf32, #tpu.memory_space<hbm>> -> memref<64x128xf32, #tpu.memory_space<hbm>>
    tpu.wait_dma2 semaphore(%arg12 : memref<!tpu.dma_semaphore, #tpu.memory_space<semaphore_mem>>) src(%arg8 : memref<64x128xf32, #tpu.memory_space<vmem>>) dst(%dma_wait3A_60 : memref<64x128xf32, #tpu.memory_space<hbm>>)
    %add3A_61 = arith.constant 5056 : i32
    %add3A_62 = arith.addi %add3A_61, %add3A : i32
    %lt3A_63 = arith.constant 5070 : i32
    %lt3A_64 = arith.cmpi slt, %add3A_62, %lt3A_63 : i32
    %convert_element_type3A = arith.extui %lt3A_64 : i1 to i32
    %cond3A = arith.constant 0 : i32
    %cond3A_65 = arith.cmpi ne, %convert_element_type3A, %cond3A : i32
    scf.if %cond3A_65 {
      %jit3A_71 = arith.constant 195 : i32
      %div3A_72 = arith.divsi %add3A_62, %jit3A_71 : i32
      %sign3A_73 = arith.constant 0 : i32
      %sign3A_74 = arith.cmpi sgt, %add3A_62, %sign3A_73 : i32
      %sign3A_75 = arith.extui %sign3A_74 : i1 to i32
      %sign3A_76 = arith.constant 0 : i32
      %sign3A_77 = arith.cmpi slt, %add3A_62, %sign3A_76 : i32
      %sign3A_78 = arith.extui %sign3A_77 : i1 to i32
      %sign3A_79 = arith.subi %sign3A_75, %sign3A_78 : i32
      %sign3A_80 = arith.constant 0 : i32
      %sign3A_81 = arith.cmpi sgt, %jit3A_71, %sign3A_80 : i32
      %sign3A_82 = arith.extui %sign3A_81 : i1 to i32
      %sign3A_83 = arith.constant 0 : i32
      %sign3A_84 = arith.cmpi slt, %jit3A_71, %sign3A_83 : i32
      %sign3A_85 = arith.extui %sign3A_84 : i1 to i32
      %sign3A_86 = arith.subi %sign3A_82, %sign3A_85 : i32
      %ne3A_87 = arith.cmpi ne, %sign3A_79, %sign3A_86 : i32
      %rem3A_88 = arith.remsi %add3A_62, %jit3A_71 : i32
      %ne3A_89 = arith.constant 0 : i32
      %ne3A_90 = arith.cmpi ne, %rem3A_88, %ne3A_89 : i32
      %and3A_91 = arith.andi %ne3A_87, %ne3A_90 : i1
      %sub3A_92 = arith.constant 1 : i32
      %sub3A_93 = arith.subi %div3A_72, %sub3A_92 : i32
      %select_n3A_94 = arith.select %and3A_91, %sub3A_93, %div3A_72 : i32
      %jit3A_95 = arith.constant 195 : i32
      %eq3A_96 = arith.constant 0 : i32
      %eq3A_97 = arith.cmpi eq, %jit3A_95, %eq3A_96 : i32
      %jit3A_98 = arith.constant 1 : i32
      %select_n3A_99 = arith.select %eq3A_97, %jit3A_98, %jit3A_95 : i32
      %rem3A_100 = arith.remsi %add3A_62, %select_n3A_99 : i32
      %ne3A_101 = arith.constant 0 : i32
      %ne3A_102 = arith.cmpi ne, %rem3A_100, %ne3A_101 : i32
      %lt3A_103 = arith.constant 0 : i32
      %lt3A_104 = arith.cmpi slt, %rem3A_100, %lt3A_103 : i32
      %lt3A_105 = arith.constant 0 : i32
      %lt3A_106 = arith.cmpi slt, %select_n3A_99, %lt3A_105 : i32
      %ne3A_107 = arith.xori %lt3A_104, %lt3A_106 : i1
      %and3A_108 = arith.andi %ne3A_107, %ne3A_102 : i1
      %add3A_109 = arith.addi %rem3A_100, %select_n3A_99 : i32
      %select_n3A_110 = arith.select %and3A_108, %add3A_109, %rem3A_100 : i32
      %mul3A_111 = arith.constant 512 : i32
      %mul3A_112 = arith.muli %select_n3A_110, %mul3A_111 : i32
      "tpu.region"() ({
        %run_scoped3A = tpu.sem_alloc : memref<!tpu.dma_semaphore, #tpu.memory_space<semaphore_mem>>
        %dma_start3A_226 = arith.constant 0 : i32
        %dma_start3A_227 = arith.constant 0 : i32
        %dma_start3A_228 = tpu.memref_slice %arg5[%dma_start3A_226, %dma_start3A_227] : memref<16x513xf32, #tpu.memory_space<vmem>> -> memref<16x512xf32, #tpu.memory_space<vmem>>
        %dma_start3A_229 = arith.constant 0 : i32
        %dma_start3A_230 = tpu.memref_slice %arg2[%select_n3A_94, %dma_start3A_229, %mul3A_112] : memref<26x16x100000xf32, #tpu.memory_space<hbm>> -> memref<1x16x512xf32, #tpu.memory_space<hbm>>
        %dma_start3A_231 = tpu.memref_squeeze %dma_start3A_230 : memref<1x16x512xf32, #tpu.memory_space<hbm>> -> memref<16x512xf32, #tpu.memory_space<hbm>>
        %dma_start3A_232 = arith.constant 0 : i32
        %dma_start3A_233 = arith.constant 0 : i32
        %dma_start3A_234 = tpu.memref_slice %arg5[%dma_start3A_232, %dma_start3A_233] : memref<16x513xf32, #tpu.memory_space<vmem>> -> memref<16x512xf32, #tpu.memory_space<vmem>>
        %dma_start3A_235 = arith.constant 0 : i32
        %dma_start3A_236 = tpu.memref_slice %arg2[%select_n3A_94, %dma_start3A_235, %mul3A_112] : memref<26x16x100000xf32, #tpu.memory_space<hbm>> -> memref<1x16x512xf32, #tpu.memory_space<hbm>>
        %dma_start3A_237 = tpu.memref_squeeze %dma_start3A_236 : memref<1x16x512xf32, #tpu.memory_space<hbm>> -> memref<16x512xf32, #tpu.memory_space<hbm>>
        tpu.enqueue_dma source(%dma_start3A_237 : memref<16x512xf32, #tpu.memory_space<hbm>>) target(%dma_start3A_234 : memref<16x512xf32, #tpu.memory_space<vmem>>) target_semaphore(%run_scoped3A : memref<!tpu.dma_semaphore, #tpu.memory_space<semaphore_mem>>)
        %dma_wait3A_238 = arith.constant 0 : i32
        %dma_wait3A_239 = arith.constant 0 : i32
        %dma_wait3A_240 = tpu.memref_slice %arg5[%dma_wait3A_238, %dma_wait3A_239] : memref<16x513xf32, #tpu.memory_space<vmem>> -> memref<16x512xf32, #tpu.memory_space<vmem>>
        %dma_wait3A_241 = arith.constant 0 : i32
        %dma_wait3A_242 = tpu.memref_slice %arg2[%select_n3A_94, %dma_wait3A_241, %mul3A_112] : memref<26x16x100000xf32, #tpu.memory_space<hbm>> -> memref<1x16x512xf32, #tpu.memory_space<hbm>>
        %dma_wait3A_243 = tpu.memref_squeeze %dma_wait3A_242 : memref<1x16x512xf32, #tpu.memory_space<hbm>> -> memref<16x512xf32, #tpu.memory_space<hbm>>
        %dma_wait3A_244 = arith.constant 0 : i32
        %dma_wait3A_245 = arith.constant 0 : i32
        %dma_wait3A_246 = tpu.memref_slice %arg5[%dma_wait3A_244, %dma_wait3A_245] : memref<16x513xf32, #tpu.memory_space<vmem>> -> memref<16x512xf32, #tpu.memory_space<vmem>>
        %dma_wait3A_247 = arith.constant 0 : i32
        %dma_wait3A_248 = tpu.memref_slice %arg2[%select_n3A_94, %dma_wait3A_247, %mul3A_112] : memref<26x16x100000xf32, #tpu.memory_space<hbm>> -> memref<1x16x512xf32, #tpu.memory_space<hbm>>
        %dma_wait3A_249 = tpu.memref_squeeze %dma_wait3A_248 : memref<1x16x512xf32, #tpu.memory_space<hbm>> -> memref<16x512xf32, #tpu.memory_space<hbm>>
        tpu.wait_dma2 semaphore(%run_scoped3A : memref<!tpu.dma_semaphore, #tpu.memory_space<semaphore_mem>>) src(%dma_wait3A_249 : memref<16x512xf32, #tpu.memory_space<hbm>>) dst(%dma_wait3A_246 : memref<16x512xf32, #tpu.memory_space<vmem>>)
        tpu.yield
      }) : () -> ()
      %add3A_113 = arith.constant 0 : i32
      %add3A_114 = vector.broadcast %add3A_113 : i32 to vector<16xi32>
      %add3A_115 = arith.addi %broadcast_in_dim3A_1, %add3A_114 : vector<16xi32>
      %gather3A = tpu.vector_load_idx %arg5[%iota3A, %add3A_115] : memref<16x513xf32, #tpu.memory_space<vmem>>[vector<16xi32>, vector<16xi32>], vector<16xf32>,
      %add3A_116 = arith.constant 1 : i32
      %add3A_117 = vector.broadcast %add3A_116 : i32 to vector<16xi32>
      %add3A_118 = arith.addi %broadcast_in_dim3A_1, %add3A_117 : vector<16xi32>
      %gather3A_119 = tpu.vector_load_idx %arg5[%iota3A, %add3A_118] : memref<16x513xf32, #tpu.memory_space<vmem>>[vector<16xi32>, vector<16xi32>], vector<16xf32>,
      %add3A_120 = arith.constant 2 : i32
      %add3A_121 = vector.broadcast %add3A_120 : i32 to vector<16xi32>
      %add3A_122 = arith.addi %broadcast_in_dim3A_1, %add3A_121 : vector<16xi32>
      %gather3A_123 = tpu.vector_load_idx %arg5[%iota3A, %add3A_122] : memref<16x513xf32, #tpu.memory_space<vmem>>[vector<16xi32>, vector<16xi32>], vector<16xf32>,
      %add3A_124 = arith.constant 3 : i32
      %add3A_125 = vector.broadcast %add3A_124 : i32 to vector<16xi32>
      %add3A_126 = arith.addi %broadcast_in_dim3A_1, %add3A_125 : vector<16xi32>
      %gather3A_127 = tpu.vector_load_idx %arg5[%iota3A, %add3A_126] : memref<16x513xf32, #tpu.memory_space<vmem>>[vector<16xi32>, vector<16xi32>], vector<16xf32>,
      %add3A_128 = arith.constant 4 : i32
      %add3A_129 = vector.broadcast %add3A_128 : i32 to vector<16xi32>
      %add3A_130 = arith.addi %broadcast_in_dim3A_1, %add3A_129 : vector<16xi32>
      %gather3A_131 = tpu.vector_load_idx %arg5[%iota3A, %add3A_130] : memref<16x513xf32, #tpu.memory_space<vmem>>[vector<16xi32>, vector<16xi32>], vector<16xf32>,
      %add3A_132 = arith.constant 5 : i32
      %add3A_133 = vector.broadcast %add3A_132 : i32 to vector<16xi32>
      %add3A_134 = arith.addi %broadcast_in_dim3A_1, %add3A_133 : vector<16xi32>
      %gather3A_135 = tpu.vector_load_idx %arg5[%iota3A, %add3A_134] : memref<16x513xf32, #tpu.memory_space<vmem>>[vector<16xi32>, vector<16xi32>], vector<16xf32>,
      %add3A_136 = arith.constant 6 : i32
      %add3A_137 = vector.broadcast %add3A_136 : i32 to vector<16xi32>
      %add3A_138 = arith.addi %broadcast_in_dim3A_1, %add3A_137 : vector<16xi32>
      %gather3A_139 = tpu.vector_load_idx %arg5[%iota3A, %add3A_138] : memref<16x513xf32, #tpu.memory_space<vmem>>[vector<16xi32>, vector<16xi32>], vector<16xf32>,
      %add3A_140 = arith.constant 7 : i32
      %add3A_141 = vector.broadcast %add3A_140 : i32 to vector<16xi32>
      %add3A_142 = arith.addi %broadcast_in_dim3A_1, %add3A_141 : vector<16xi32>
      %gather3A_143 = tpu.vector_load_idx %arg5[%iota3A, %add3A_142] : memref<16x513xf32, #tpu.memory_space<vmem>>[vector<16xi32>, vector<16xi32>], vector<16xf32>,
      %scan3A_144 = arith.constant 1 : i32
      %scan3A_145 = arith.constant 63 : i32
      %scan3A_146 = arith.addi %scan3A_144, %scan3A_145 : i32
      %scan3A_147 = arith.constant 1 : i32
      %scan3A_148:8 = scf.for %scan3A_226 = %scan3A_144 to %scan3A_146 step %scan3A_147 iter_args(%scan3A_227 = %gather3A, %scan3A_228 = %gather3A_119, %scan3A_229 = %gather3A_123, %scan3A_230 = %gather3A_127, %scan3A_231 = %gather3A_131, %scan3A_232 = %gather3A_135, %scan3A_233 = %gather3A_139, %scan3A_234 = %gather3A_143) -> (vector<16xf32>, vector<16xf32>, vector<16xf32>, vector<16xf32>, vector<16xf32>, vector<16xf32>, vector<16xf32>, vector<16xf32>)  : i32 {
        %mul3A_235 = arith.constant 8 : i32
        %mul3A_236 = arith.muli %mul3A_235, %scan3A_226 : i32
        %add3A_237 = arith.constant 0 : i32
        %add3A_238 = arith.addi %mul3A_236, %add3A_237 : i32
        %add3A_239 = vector.broadcast %add3A_238 : i32 to vector<16xi32>
        %add3A_240 = arith.addi %broadcast_in_dim3A_1, %add3A_239 : vector<16xi32>
        %gather3A_241 = tpu.vector_load_idx %arg5[%iota3A, %add3A_240] : memref<16x513xf32, #tpu.memory_space<vmem>>[vector<16xi32>, vector<16xi32>], vector<16xf32>,
        %mul3A_242 = arith.constant 8 : i32
        %mul3A_243 = arith.muli %mul3A_242, %scan3A_226 : i32
        %add3A_244 = arith.constant 1 : i32
        %add3A_245 = arith.addi %mul3A_243, %add3A_244 : i32
        %add3A_246 = vector.broadcast %add3A_245 : i32 to vector<16xi32>
        %add3A_247 = arith.addi %broadcast_in_dim3A_1, %add3A_246 : vector<16xi32>
        %gather3A_248 = tpu.vector_load_idx %arg5[%iota3A, %add3A_247] : memref<16x513xf32, #tpu.memory_space<vmem>>[vector<16xi32>, vector<16xi32>], vector<16xf32>,
        %mul3A_249 = arith.constant 8 : i32
        %mul3A_250 = arith.muli %mul3A_249, %scan3A_226 : i32
        %add3A_251 = arith.constant 2 : i32
        %add3A_252 = arith.addi %mul3A_250, %add3A_251 : i32
        %add3A_253 = vector.broadcast %add3A_252 : i32 to vector<16xi32>
        %add3A_254 = arith.addi %broadcast_in_dim3A_1, %add3A_253 : vector<16xi32>
        %gather3A_255 = tpu.vector_load_idx %arg5[%iota3A, %add3A_254] : memref<16x513xf32, #tpu.memory_space<vmem>>[vector<16xi32>, vector<16xi32>], vector<16xf32>,
        %mul3A_256 = arith.constant 8 : i32
        %mul3A_257 = arith.muli %mul3A_256, %scan3A_226 : i32
        %add3A_258 = arith.constant 3 : i32
        %add3A_259 = arith.addi %mul3A_257, %add3A_258 : i32
        %add3A_260 = vector.broadcast %add3A_259 : i32 to vector<16xi32>
        %add3A_261 = arith.addi %broadcast_in_dim3A_1, %add3A_260 : vector<16xi32>
        %gather3A_262 = tpu.vector_load_idx %arg5[%iota3A, %add3A_261] : memref<16x513xf32, #tpu.memory_space<vmem>>[vector<16xi32>, vector<16xi32>], vector<16xf32>,
        %mul3A_263 = arith.constant 8 : i32
        %mul3A_264 = arith.muli %mul3A_263, %scan3A_226 : i32
        %add3A_265 = arith.constant 4 : i32
        %add3A_266 = arith.addi %mul3A_264, %add3A_265 : i32
        %add3A_267 = vector.broadcast %add3A_266 : i32 to vector<16xi32>
        %add3A_268 = arith.addi %broadcast_in_dim3A_1, %add3A_267 : vector<16xi32>
        %gather3A_269 = tpu.vector_load_idx %arg5[%iota3A, %add3A_268] : memref<16x513xf32, #tpu.memory_space<vmem>>[vector<16xi32>, vector<16xi32>], vector<16xf32>,
        %mul3A_270 = arith.constant 8 : i32
        %mul3A_271 = arith.muli %mul3A_270, %scan3A_226 : i32
        %add3A_272 = arith.constant 5 : i32
        %add3A_273 = arith.addi %mul3A_271, %add3A_272 : i32
        %add3A_274 = vector.broadcast %add3A_273 : i32 to vector<16xi32>
        %add3A_275 = arith.addi %broadcast_in_dim3A_1, %add3A_274 : vector<16xi32>
        %gather3A_276 = tpu.vector_load_idx %arg5[%iota3A, %add3A_275] : memref<16x513xf32, #tpu.memory_space<vmem>>[vector<16xi32>, vector<16xi32>], vector<16xf32>,
        %mul3A_277 = arith.constant 8 : i32
        %mul3A_278 = arith.muli %mul3A_277, %scan3A_226 : i32
        %add3A_279 = arith.constant 6 : i32
        %add3A_280 = arith.addi %mul3A_278, %add3A_279 : i32
        %add3A_281 = vector.broadcast %add3A_280 : i32 to vector<16xi32>
        %add3A_282 = arith.addi %broadcast_in_dim3A_1, %add3A_281 : vector<16xi32>
        %gather3A_283 = tpu.vector_load_idx %arg5[%iota3A, %add3A_282] : memref<16x513xf32, #tpu.memory_space<vmem>>[vector<16xi32>, vector<16xi32>], vector<16xf32>,
        %mul3A_284 = arith.constant 8 : i32
        %mul3A_285 = arith.muli %mul3A_284, %scan3A_226 : i32
        %add3A_286 = arith.constant 7 : i32
        %add3A_287 = arith.addi %mul3A_285, %add3A_286 : i32
        %add3A_288 = vector.broadcast %add3A_287 : i32 to vector<16xi32>
        %add3A_289 = arith.addi %broadcast_in_dim3A_1, %add3A_288 : vector<16xi32>
        %gather3A_290 = tpu.vector_load_idx %arg5[%iota3A, %add3A_289] : memref<16x513xf32, #tpu.memory_space<vmem>>[vector<16xi32>, vector<16xi32>], vector<16xf32>,
        %sub3A_291 = arith.constant 1 : i32
        %sub3A_292 = arith.subi %scan3A_226, %sub3A_291 : i32
        %swap3A_293 = arith.index_cast %sub3A_292 : i32 to index
        %swap3A_294 = arith.constant 0 : index
        %swap3A_295 = tpu.vector_load %arg7[%swap3A_293, %swap3A_294] {strides = array<i32>} : memref<64x128xf32, #tpu.memory_space<vmem>>, vector<16xf32>,
        tpu.vector_store %arg7[%swap3A_293, %swap3A_294], %scan3A_227 {strides = array<i32>} : memref<64x128xf32, #tpu.memory_space<vmem>>, vector<16xf32>,
        %sub3A_296 = arith.constant 1 : i32
        %sub3A_297 = arith.subi %scan3A_226, %sub3A_296 : i32
        %swap3A_298 = arith.index_cast %sub3A_297 : i32 to index
        %swap3A_299 = arith.constant 16 : index
        %swap3A_300 = tpu.vector_load %arg7[%swap3A_298, %swap3A_299] {strides = array<i32>} : memref<64x128xf32, #tpu.memory_space<vmem>>, vector<16xf32>,
        tpu.vector_store %arg7[%swap3A_298, %swap3A_299], %scan3A_228 {strides = array<i32>} : memref<64x128xf32, #tpu.memory_space<vmem>>, vector<16xf32>,
        %sub3A_301 = arith.constant 1 : i32
        %sub3A_302 = arith.subi %scan3A_226, %sub3A_301 : i32
        %swap3A_303 = arith.index_cast %sub3A_302 : i32 to index
        %swap3A_304 = arith.constant 32 : index
        %swap3A_305 = tpu.vector_load %arg7[%swap3A_303, %swap3A_304] {strides = array<i32>} : memref<64x128xf32, #tpu.memory_space<vmem>>, vector<16xf32>,
        tpu.vector_store %arg7[%swap3A_303, %swap3A_304], %scan3A_229 {strides = array<i32>} : memref<64x128xf32, #tpu.memory_space<vmem>>, vector<16xf32>,
        %sub3A_306 = arith.constant 1 : i32
        %sub3A_307 = arith.subi %scan3A_226, %sub3A_306 : i32
        %swap3A_308 = arith.index_cast %sub3A_307 : i32 to index
        %swap3A_309 = arith.constant 48 : index
        %swap3A_310 = tpu.vector_load %arg7[%swap3A_308, %swap3A_309] {strides = array<i32>} : memref<64x128xf32, #tpu.memory_space<vmem>>, vector<16xf32>,
        tpu.vector_store %arg7[%swap3A_308, %swap3A_309], %scan3A_230 {strides = array<i32>} : memref<64x128xf32, #tpu.memory_space<vmem>>, vector<16xf32>,
        %sub3A_311 = arith.constant 1 : i32
        %sub3A_312 = arith.subi %scan3A_226, %sub3A_311 : i32
        %swap3A_313 = arith.index_cast %sub3A_312 : i32 to index
        %swap3A_314 = arith.constant 64 : index
        %swap3A_315 = tpu.vector_load %arg7[%swap3A_313, %swap3A_314] {strides = array<i32>} : memref<64x128xf32, #tpu.memory_space<vmem>>, vector<16xf32>,
        tpu.vector_store %arg7[%swap3A_313, %swap3A_314], %scan3A_231 {strides = array<i32>} : memref<64x128xf32, #tpu.memory_space<vmem>>, vector<16xf32>,
        %sub3A_316 = arith.constant 1 : i32
        %sub3A_317 = arith.subi %scan3A_226, %sub3A_316 : i32
        %swap3A_318 = arith.index_cast %sub3A_317 : i32 to index
        %swap3A_319 = arith.constant 80 : index
        %swap3A_320 = tpu.vector_load %arg7[%swap3A_318, %swap3A_319] {strides = array<i32>} : memref<64x128xf32, #tpu.memory_space<vmem>>, vector<16xf32>,
        tpu.vector_store %arg7[%swap3A_318, %swap3A_319], %scan3A_232 {strides = array<i32>} : memref<64x128xf32, #tpu.memory_space<vmem>>, vector<16xf32>,
        %sub3A_321 = arith.constant 1 : i32
        %sub3A_322 = arith.subi %scan3A_226, %sub3A_321 : i32
        %swap3A_323 = arith.index_cast %sub3A_322 : i32 to index
        %swap3A_324 = arith.constant 96 : index
        %swap3A_325 = tpu.vector_load %arg7[%swap3A_323, %swap3A_324] {strides = array<i32>} : memref<64x128xf32, #tpu.memory_space<vmem>>, vector<16xf32>,
        tpu.vector_store %arg7[%swap3A_323, %swap3A_324], %scan3A_233 {strides = array<i32>} : memref<64x128xf32, #tpu.memory_space<vmem>>, vector<16xf32>,
        %sub3A_326 = arith.constant 1 : i32
        %sub3A_327 = arith.subi %scan3A_226, %sub3A_326 : i32
        %swap3A_328 = arith.index_cast %sub3A_327 : i32 to index
        %swap3A_329 = arith.constant 112 : index
        %swap3A_330 = tpu.vector_load %arg7[%swap3A_328, %swap3A_329] {strides = array<i32>} : memref<64x128xf32, #tpu.memory_space<vmem>>, vector<16xf32>,
        tpu.vector_store %arg7[%swap3A_328, %swap3A_329], %scan3A_234 {strides = array<i32>} : memref<64x128xf32, #tpu.memory_space<vmem>>, vector<16xf32>,
        scf.yield %gather3A_241, %gather3A_248, %gather3A_255, %gather3A_262, %gather3A_269, %gather3A_276, %gather3A_283, %gather3A_290 : vector<16xf32>, vector<16xf32>, vector<16xf32>, vector<16xf32>, vector<16xf32>, vector<16xf32>, vector<16xf32>, vector<16xf32>
      }
      %scan3A_149 = arith.constant 63 : i32
      %swap3A = arith.constant 63 : i32
      %swap3A_150 = arith.index_cast %swap3A : i32 to index
      %swap3A_151 = arith.constant 0 : index
      %swap3A_152 = tpu.vector_load %arg7[%swap3A_150, %swap3A_151] {strides = array<i32>} : memref<64x128xf32, #tpu.memory_space<vmem>>, vector<16xf32>,
      tpu.vector_store %arg7[%swap3A_150, %swap3A_151], %scan3A_148#0 {strides = array<i32>} : memref<64x128xf32, #tpu.memory_space<vmem>>, vector<16xf32>,
      %swap3A_153 = arith.constant 63 : i32
      %swap3A_154 = arith.index_cast %swap3A_153 : i32 to index
      %swap3A_155 = arith.constant 16 : index
      %swap3A_156 = tpu.vector_load %arg7[%swap3A_154, %swap3A_155] {strides = array<i32>} : memref<64x128xf32, #tpu.memory_space<vmem>>, vector<16xf32>,
      tpu.vector_store %arg7[%swap3A_154, %swap3A_155], %scan3A_148#1 {strides = array<i32>} : memref<64x128xf32, #tpu.memory_space<vmem>>, vector<16xf32>,
      %swap3A_157 = arith.constant 63 : i32
      %swap3A_158 = arith.index_cast %swap3A_157 : i32 to index
      %swap3A_159 = arith.constant 32 : index
      %swap3A_160 = tpu.vector_load %arg7[%swap3A_158, %swap3A_159] {strides = array<i32>} : memref<64x128xf32, #tpu.memory_space<vmem>>, vector<16xf32>,
      tpu.vector_store %arg7[%swap3A_158, %swap3A_159], %scan3A_148#2 {strides = array<i32>} : memref<64x128xf32, #tpu.memory_space<vmem>>, vector<16xf32>,
      %swap3A_161 = arith.constant 63 : i32
      %swap3A_162 = arith.index_cast %swap3A_161 : i32 to index
      %swap3A_163 = arith.constant 48 : index
      %swap3A_164 = tpu.vector_load %arg7[%swap3A_162, %swap3A_163] {strides = array<i32>} : memref<64x128xf32, #tpu.memory_space<vmem>>, vector<16xf32>,
      tpu.vector_store %arg7[%swap3A_162, %swap3A_163], %scan3A_148#3 {strides = array<i32>} : memref<64x128xf32, #tpu.memory_space<vmem>>, vector<16xf32>,
      %swap3A_165 = arith.constant 63 : i32
      %swap3A_166 = arith.index_cast %swap3A_165 : i32 to index
      %swap3A_167 = arith.constant 64 : index
      %swap3A_168 = tpu.vector_load %arg7[%swap3A_166, %swap3A_167] {strides = array<i32>} : memref<64x128xf32, #tpu.memory_space<vmem>>, vector<16xf32>,
      tpu.vector_store %arg7[%swap3A_166, %swap3A_167], %scan3A_148#4 {strides = array<i32>} : memref<64x128xf32, #tpu.memory_space<vmem>>, vector<16xf32>,
      %swap3A_169 = arith.constant 63 : i32
      %swap3A_170 = arith.index_cast %swap3A_169 : i32 to index
      %swap3A_171 = arith.constant 80 : index
      %swap3A_172 = tpu.vector_load %arg7[%swap3A_170, %swap3A_171] {strides = array<i32>} : memref<64x128xf32, #tpu.memory_space<vmem>>, vector<16xf32>,
      tpu.vector_store %arg7[%swap3A_170, %swap3A_171], %scan3A_148#5 {strides = array<i32>} : memref<64x128xf32, #tpu.memory_space<vmem>>, vector<16xf32>,
      %swap3A_173 = arith.constant 63 : i32
      %swap3A_174 = arith.index_cast %swap3A_173 : i32 to index
      %swap3A_175 = arith.constant 96 : index
      %swap3A_176 = tpu.vector_load %arg7[%swap3A_174, %swap3A_175] {strides = array<i32>} : memref<64x128xf32, #tpu.memory_space<vmem>>, vector<16xf32>,
      tpu.vector_store %arg7[%swap3A_174, %swap3A_175], %scan3A_148#6 {strides = array<i32>} : memref<64x128xf32, #tpu.memory_space<vmem>>, vector<16xf32>,
      %swap3A_177 = arith.constant 63 : i32
      %swap3A_178 = arith.index_cast %swap3A_177 : i32 to index
      %swap3A_179 = arith.constant 112 : index
      %swap3A_180 = tpu.vector_load %arg7[%swap3A_178, %swap3A_179] {strides = array<i32>} : memref<64x128xf32, #tpu.memory_space<vmem>>, vector<16xf32>,
      tpu.vector_store %arg7[%swap3A_178, %swap3A_179], %scan3A_148#7 {strides = array<i32>} : memref<64x128xf32, #tpu.memory_space<vmem>>, vector<16xf32>,
      %jit3A_181 = arith.constant 195 : i32
      %div3A_182 = arith.divsi %add3A_62, %jit3A_181 : i32
      %sign3A_183 = arith.constant 0 : i32
      %sign3A_184 = arith.cmpi sgt, %add3A_62, %sign3A_183 : i32
      %sign3A_185 = arith.extui %sign3A_184 : i1 to i32
      %sign3A_186 = arith.constant 0 : i32
      %sign3A_187 = arith.cmpi slt, %add3A_62, %sign3A_186 : i32
      %sign3A_188 = arith.extui %sign3A_187 : i1 to i32
      %sign3A_189 = arith.subi %sign3A_185, %sign3A_188 : i32
      %sign3A_190 = arith.constant 0 : i32
      %sign3A_191 = arith.cmpi sgt, %jit3A_181, %sign3A_190 : i32
      %sign3A_192 = arith.extui %sign3A_191 : i1 to i32
      %sign3A_193 = arith.constant 0 : i32
      %sign3A_194 = arith.cmpi slt, %jit3A_181, %sign3A_193 : i32
      %sign3A_195 = arith.extui %sign3A_194 : i1 to i32
      %sign3A_196 = arith.subi %sign3A_192, %sign3A_195 : i32
      %ne3A_197 = arith.cmpi ne, %sign3A_189, %sign3A_196 : i32
      %rem3A_198 = arith.remsi %add3A_62, %jit3A_181 : i32
      %ne3A_199 = arith.constant 0 : i32
      %ne3A_200 = arith.cmpi ne, %rem3A_198, %ne3A_199 : i32
      %and3A_201 = arith.andi %ne3A_197, %ne3A_200 : i1
      %sub3A_202 = arith.constant 1 : i32
      %sub3A_203 = arith.subi %div3A_182, %sub3A_202 : i32
      %select_n3A_204 = arith.select %and3A_201, %sub3A_203, %div3A_182 : i32
      %mul3A_205 = arith.constant 12504 : i32
      %mul3A_206 = arith.muli %select_n3A_204, %mul3A_205 : i32
      %jit3A_207 = arith.constant 195 : i32
      %eq3A_208 = arith.constant 0 : i32
      %eq3A_209 = arith.cmpi eq, %jit3A_207, %eq3A_208 : i32
      %jit3A_210 = arith.constant 1 : i32
      %select_n3A_211 = arith.select %eq3A_209, %jit3A_210, %jit3A_207 : i32
      %rem3A_212 = arith.remsi %add3A_62, %select_n3A_211 : i32
      %ne3A_213 = arith.constant 0 : i32
      %ne3A_214 = arith.cmpi ne, %rem3A_212, %ne3A_213 : i32
      %lt3A_215 = arith.constant 0 : i32
      %lt3A_216 = arith.cmpi slt, %rem3A_212, %lt3A_215 : i32
      %lt3A_217 = arith.constant 0 : i32
      %lt3A_218 = arith.cmpi slt, %select_n3A_211, %lt3A_217 : i32
      %ne3A_219 = arith.xori %lt3A_216, %lt3A_218 : i1
      %and3A_220 = arith.andi %ne3A_219, %ne3A_214 : i1
      %add3A_221 = arith.addi %rem3A_212, %select_n3A_211 : i32
      %select_n3A_222 = arith.select %and3A_220, %add3A_221, %rem3A_212 : i32
      %mul3A_223 = arith.constant 64 : i32
      %mul3A_224 = arith.muli %select_n3A_222, %mul3A_223 : i32
      %add3A_225 = arith.addi %mul3A_206, %mul3A_224 : i32
      "tpu.region"() ({
        %run_scoped3A = tpu.sem_alloc : memref<!tpu.dma_semaphore, #tpu.memory_space<semaphore_mem>>
        %dma_start3A_226 = arith.constant 0 : i32
        %dma_start3A_227 = tpu.memref_slice %arg4[%add3A_225, %dma_start3A_226] : memref<325104x128xf32, #tpu.memory_space<hbm>> -> memref<64x128xf32, #tpu.memory_space<hbm>>
        %dma_start3A_228 = arith.constant 0 : i32
        %dma_start3A_229 = tpu.memref_slice %arg4[%add3A_225, %dma_start3A_228] : memref<325104x128xf32, #tpu.memory_space<hbm>> -> memref<64x128xf32, #tpu.memory_space<hbm>>
        tpu.enqueue_dma source(%arg7 : memref<64x128xf32, #tpu.memory_space<vmem>>) target(%dma_start3A_229 : memref<64x128xf32, #tpu.memory_space<hbm>>) target_semaphore(%run_scoped3A : memref<!tpu.dma_semaphore, #tpu.memory_space<semaphore_mem>>)
        %dma_wait3A_230 = arith.constant 0 : i32
        %dma_wait3A_231 = tpu.memref_slice %arg4[%add3A_225, %dma_wait3A_230] : memref<325104x128xf32, #tpu.memory_space<hbm>> -> memref<64x128xf32, #tpu.memory_space<hbm>>
        %dma_wait3A_232 = arith.constant 0 : i32
        %dma_wait3A_233 = tpu.memref_slice %arg4[%add3A_225, %dma_wait3A_232] : memref<325104x128xf32, #tpu.memory_space<hbm>> -> memref<64x128xf32, #tpu.memory_space<hbm>>
        tpu.wait_dma2 semaphore(%run_scoped3A : memref<!tpu.dma_semaphore, #tpu.memory_space<semaphore_mem>>) src(%arg7 : memref<64x128xf32, #tpu.memory_space<vmem>>) dst(%dma_wait3A_233 : memref<64x128xf32, #tpu.memory_space<hbm>>)
        tpu.yield
      }) : () -> ()
    } else {
    }
    %lt3A_66 = arith.constant 26 : i32
    %lt3A_67 = arith.cmpi slt, %add3A, %lt3A_66 : i32
    %convert_element_type3A_68 = arith.extui %lt3A_67 : i1 to i32
    %cond3A_69 = arith.constant 0 : i32
    %cond3A_70 = arith.cmpi ne, %convert_element_type3A_68, %cond3A_69 : i32
    scf.if %cond3A_70 {
      %mul3A_71 = arith.constant 12504 : i32
      %mul3A_72 = arith.muli %add3A, %mul3A_71 : i32
      %add3A_73 = arith.constant 12480 : i32
      %add3A_74 = arith.addi %mul3A_72, %add3A_73 : i32
      "tpu.region"() ({
        %run_scoped3A = tpu.sem_alloc : memref<!tpu.dma_semaphore, #tpu.memory_space<semaphore_mem>>
        %dma_start3A_75 = arith.constant 0 : i32
        %dma_start3A_76 = tpu.memref_slice %arg4[%add3A_74, %dma_start3A_75] : memref<325104x128xf32, #tpu.memory_space<hbm>> -> memref<24x128xf32, #tpu.memory_space<hbm>>
        %dma_start3A_77 = arith.constant 0 : i32
        %dma_start3A_78 = arith.constant 0 : i32
        %dma_start3A_79 = tpu.memref_slice %arg3[%add3A, %dma_start3A_77, %dma_start3A_78] : memref<26x24x128xf32, #tpu.memory_space<hbm>> -> memref<1x24x128xf32, #tpu.memory_space<hbm>>
        %dma_start3A_80 = tpu.memref_squeeze %dma_start3A_79 : memref<1x24x128xf32, #tpu.memory_space<hbm>> -> memref<24x128xf32, #tpu.memory_space<hbm>>
        tpu.enqueue_dma source(%dma_start3A_80 : memref<24x128xf32, #tpu.memory_space<hbm>>) target(%dma_start3A_76 : memref<24x128xf32, #tpu.memory_space<hbm>>) target_semaphore(%run_scoped3A : memref<!tpu.dma_semaphore, #tpu.memory_space<semaphore_mem>>)
        %dma_wait3A_81 = arith.constant 0 : i32
        %dma_wait3A_82 = tpu.memref_slice %arg4[%add3A_74, %dma_wait3A_81] : memref<325104x128xf32, #tpu.memory_space<hbm>> -> memref<24x128xf32, #tpu.memory_space<hbm>>
        %dma_wait3A_83 = arith.constant 0 : i32
        %dma_wait3A_84 = arith.constant 0 : i32
        %dma_wait3A_85 = tpu.memref_slice %arg3[%add3A, %dma_wait3A_83, %dma_wait3A_84] : memref<26x24x128xf32, #tpu.memory_space<hbm>> -> memref<1x24x128xf32, #tpu.memory_space<hbm>>
        %dma_wait3A_86 = tpu.memref_squeeze %dma_wait3A_85 : memref<1x24x128xf32, #tpu.memory_space<hbm>> -> memref<24x128xf32, #tpu.memory_space<hbm>>
        tpu.wait_dma2 semaphore(%run_scoped3A : memref<!tpu.dma_semaphore, #tpu.memory_space<semaphore_mem>>) src(%dma_wait3A_86 : memref<24x128xf32, #tpu.memory_space<hbm>>) dst(%dma_wait3A_82 : memref<24x128xf32, #tpu.memory_space<hbm>>)
        tpu.yield
      }) : () -> ()
    } else {
    }
    return
  }
}

module attributes {stable_mosaic.version = 14 : i64} {
  func.func @_mlp_body(%arg0: i32, %arg1: memref<2048x416xf32, #tpu.memory_space<vmem>>, %arg2: memref<2048x13xf32, #tpu.memory_space<vmem>>, %arg3: memref<13x16xf32, #tpu.memory_space<vmem>>, %arg4: memref<1x16xf32, #tpu.memory_space<vmem>>, %arg5: memref<416x256xf32, #tpu.memory_space<vmem>>, %arg6: memref<16x256xf32, #tpu.memory_space<vmem>>, %arg7: memref<1x256xf32, #tpu.memory_space<vmem>>, %arg8: memref<256x128xf32, #tpu.memory_space<vmem>>, %arg9: memref<1x128xf32, #tpu.memory_space<vmem>>, %arg10: memref<128x64xf32, #tpu.memory_space<vmem>>, %arg11: memref<1x64xf32, #tpu.memory_space<vmem>>, %arg12: memref<64x1xf32, #tpu.memory_space<vmem>>, %arg13: memref<1x1xf32, #tpu.memory_space<vmem>>, %arg14: memref<2048x1xf32, #tpu.memory_space<vmem>>) attributes {dimension_semantics = [#tpu.dimension_semantics<arbitrary>], iteration_bounds = array<i64: 8>, scalar_prefetch = 0 : i64, scratch_operands = 0 : i64, tpu.core_type = #tpu.core_type<tc>, window_params = [{transform_indices = @transform_0, window_bounds = array<i64: 2048, 416>}, {transform_indices = @transform_1, window_bounds = array<i64: 2048, 13>}, {pipeline_mode = #tpu.pipeline_mode<synchronous>, transform_indices = @transform_2, window_bounds = array<i64: 13, 16>}, {pipeline_mode = #tpu.pipeline_mode<synchronous>, transform_indices = @transform_3, window_bounds = array<i64: 1, 16>}, {pipeline_mode = #tpu.pipeline_mode<synchronous>, transform_indices = @transform_4, window_bounds = array<i64: 416, 256>}, {pipeline_mode = #tpu.pipeline_mode<synchronous>, transform_indices = @transform_5, window_bounds = array<i64: 16, 256>}, {pipeline_mode = #tpu.pipeline_mode<synchronous>, transform_indices = @transform_6, window_bounds = array<i64: 1, 256>}, {pipeline_mode = #tpu.pipeline_mode<synchronous>, transform_indices = @transform_7, window_bounds = array<i64: 256, 128>}, {pipeline_mode = #tpu.pipeline_mode<synchronous>, transform_indices = @transform_8, window_bounds = array<i64: 1, 128>}, {pipeline_mode = #tpu.pipeline_mode<synchronous>, transform_indices = @transform_9, window_bounds = array<i64: 128, 64>}, {pipeline_mode = #tpu.pipeline_mode<synchronous>, transform_indices = @transform_10, window_bounds = array<i64: 1, 64>}, {pipeline_mode = #tpu.pipeline_mode<synchronous>, transform_indices = @transform_11, window_bounds = array<i64: 64, 1>}, {pipeline_mode = #tpu.pipeline_mode<synchronous>, transform_indices = @transform_12, window_bounds = array<i64: 1, 1>}, {transform_indices = @transform_13, window_bounds = array<i64: 2048, 1>}]} {
    %get3A = arith.constant 0 : index
    %get3A_0 = arith.constant 0 : index
    %get3A_1 = vector.load %arg2[%get3A, %get3A_0] : memref<2048x13xf32, #tpu.memory_space<vmem>>, vector<2048x13xf32>
    %get3A_2 = arith.constant 0 : index
    %get3A_3 = arith.constant 0 : index
    %get3A_4 = vector.load %arg3[%get3A_2, %get3A_3] : memref<13x16xf32, #tpu.memory_space<vmem>>, vector<13x16xf32>
    %dot_general3A = arith.constant dense<0.000000e+00> : vector<2048x16xf32>
    %dot_general3A_5 = tpu.matmul %get3A_1, %get3A_4, %dot_general3A {dimension_numbers = #tpu.dot_dimension_numbers<[1], [0], [0], [1], [0, 0, 1, 1], [], []>, transpose_lhs_hint = false} : vector<2048x13xf32>, vector<13x16xf32>, vector<2048x16xf32> -> vector<2048x16xf32>
    %get3A_6 = arith.constant 0 : index
    %get3A_7 = arith.constant 0 : index
    %get3A_8 = vector.load %arg4[%get3A_6, %get3A_7] : memref<1x16xf32, #tpu.memory_space<vmem>>, vector<1x16xf32>
    %add3A = vector.broadcast %get3A_8 : vector<1x16xf32> to vector<2048x16xf32>
    %add3A_9 = arith.addf %dot_general3A_5, %add3A : vector<2048x16xf32>
    %get3A_10 = arith.constant 0 : index
    %get3A_11 = arith.constant 0 : index
    %get3A_12 = vector.load %arg1[%get3A_10, %get3A_11] : memref<2048x416xf32, #tpu.memory_space<vmem>>, vector<2048x416xf32>
    %get3A_13 = arith.constant 0 : index
    %get3A_14 = arith.constant 0 : index
    %get3A_15 = vector.load %arg5[%get3A_13, %get3A_14] : memref<416x256xf32, #tpu.memory_space<vmem>>, vector<416x256xf32>
    %dot_general3A_16 = arith.constant dense<0.000000e+00> : vector<2048x256xf32>
    %dot_general3A_17 = tpu.matmul %get3A_12, %get3A_15, %dot_general3A_16 {dimension_numbers = #tpu.dot_dimension_numbers<[1], [0], [0], [1], [0, 0, 1, 1], [], []>, transpose_lhs_hint = false} : vector<2048x416xf32>, vector<416x256xf32>, vector<2048x256xf32> -> vector<2048x256xf32>
    %get3A_18 = arith.constant 0 : index
    %get3A_19 = arith.constant 0 : index
    %get3A_20 = vector.load %arg6[%get3A_18, %get3A_19] : memref<16x256xf32, #tpu.memory_space<vmem>>, vector<16x256xf32>
    %dot_general3A_21 = arith.constant dense<0.000000e+00> : vector<2048x256xf32>
    %dot_general3A_22 = tpu.matmul %add3A_9, %get3A_20, %dot_general3A_21 {dimension_numbers = #tpu.dot_dimension_numbers<[1], [0], [0], [1], [0, 0, 1, 1], [], []>, transpose_lhs_hint = false} : vector<2048x16xf32>, vector<16x256xf32>, vector<2048x256xf32> -> vector<2048x256xf32>
    %add3A_23 = arith.addf %dot_general3A_17, %dot_general3A_22 : vector<2048x256xf32>
    %get3A_24 = arith.constant 0 : index
    %get3A_25 = arith.constant 0 : index
    %get3A_26 = vector.load %arg7[%get3A_24, %get3A_25] : memref<1x256xf32, #tpu.memory_space<vmem>>, vector<1x256xf32>
    %add3A_27 = vector.broadcast %get3A_26 : vector<1x256xf32> to vector<2048x256xf32>
    %add3A_28 = arith.addf %add3A_23, %add3A_27 : vector<2048x256xf32>
    %max3A = arith.constant 0.000000e+00 : f32
    %max3A_29 = vector.broadcast %max3A : f32 to vector<2048x256xf32>
    %max3A_30 = arith.maximumf %add3A_28, %max3A_29 : vector<2048x256xf32>
    %get3A_31 = arith.constant 0 : index
    %get3A_32 = arith.constant 0 : index
    %get3A_33 = vector.load %arg8[%get3A_31, %get3A_32] : memref<256x128xf32, #tpu.memory_space<vmem>>, vector<256x128xf32>
    %dot_general3A_34 = arith.constant dense<0.000000e+00> : vector<2048x128xf32>
    %dot_general3A_35 = tpu.matmul %max3A_30, %get3A_33, %dot_general3A_34 {dimension_numbers = #tpu.dot_dimension_numbers<[1], [0], [0], [1], [0, 0, 1, 1], [], []>, transpose_lhs_hint = false} : vector<2048x256xf32>, vector<256x128xf32>, vector<2048x128xf32> -> vector<2048x128xf32>
    %get3A_36 = arith.constant 0 : index
    %get3A_37 = arith.constant 0 : index
    %get3A_38 = vector.load %arg9[%get3A_36, %get3A_37] : memref<1x128xf32, #tpu.memory_space<vmem>>, vector<1x128xf32>
    %add3A_39 = vector.broadcast %get3A_38 : vector<1x128xf32> to vector<2048x128xf32>
    %add3A_40 = arith.addf %dot_general3A_35, %add3A_39 : vector<2048x128xf32>
    %max3A_41 = arith.constant 0.000000e+00 : f32
    %max3A_42 = vector.broadcast %max3A_41 : f32 to vector<2048x128xf32>
    %max3A_43 = arith.maximumf %add3A_40, %max3A_42 : vector<2048x128xf32>
    %get3A_44 = arith.constant 0 : index
    %get3A_45 = arith.constant 0 : index
    %get3A_46 = vector.load %arg10[%get3A_44, %get3A_45] : memref<128x64xf32, #tpu.memory_space<vmem>>, vector<128x64xf32>
    %dot_general3A_47 = arith.constant dense<0.000000e+00> : vector<2048x64xf32>
    %dot_general3A_48 = tpu.matmul %max3A_43, %get3A_46, %dot_general3A_47 {dimension_numbers = #tpu.dot_dimension_numbers<[1], [0], [0], [1], [0, 0, 1, 1], [], []>, transpose_lhs_hint = false} : vector<2048x128xf32>, vector<128x64xf32>, vector<2048x64xf32> -> vector<2048x64xf32>
    %get3A_49 = arith.constant 0 : index
    %get3A_50 = arith.constant 0 : index
    %get3A_51 = vector.load %arg11[%get3A_49, %get3A_50] : memref<1x64xf32, #tpu.memory_space<vmem>>, vector<1x64xf32>
    %add3A_52 = vector.broadcast %get3A_51 : vector<1x64xf32> to vector<2048x64xf32>
    %add3A_53 = arith.addf %dot_general3A_48, %add3A_52 : vector<2048x64xf32>
    %max3A_54 = arith.constant 0.000000e+00 : f32
    %max3A_55 = vector.broadcast %max3A_54 : f32 to vector<2048x64xf32>
    %max3A_56 = arith.maximumf %add3A_53, %max3A_55 : vector<2048x64xf32>
    %get3A_57 = arith.constant 0 : index
    %get3A_58 = arith.constant 0 : index
    %get3A_59 = vector.load %arg12[%get3A_57, %get3A_58] : memref<64x1xf32, #tpu.memory_space<vmem>>, vector<64x1xf32>
    %dot_general3A_60 = arith.constant dense<0.000000e+00> : vector<2048x1xf32>
    %dot_general3A_61 = tpu.matmul %max3A_56, %get3A_59, %dot_general3A_60 {dimension_numbers = #tpu.dot_dimension_numbers<[1], [0], [0], [1], [0, 0, 1, 1], [], []>, transpose_lhs_hint = false} : vector<2048x64xf32>, vector<64x1xf32>, vector<2048x1xf32> -> vector<2048x1xf32>
    %get3A_62 = arith.constant 0 : index
    %get3A_63 = arith.constant 0 : index
    %get3A_64 = vector.load %arg13[%get3A_62, %get3A_63] : memref<1x1xf32, #tpu.memory_space<vmem>>, vector<1x1xf32>
    %add3A_65 = vector.broadcast %get3A_64 : vector<1x1xf32> to vector<2048x1xf32>
    %add3A_66 = arith.addf %dot_general3A_61, %add3A_65 : vector<2048x1xf32>
    %logistic3A = arith.negf %add3A_66 : vector<2048x1xf32>
    %logistic3A_67 = math.exp %logistic3A : vector<2048x1xf32>
    %logistic3A_68 = arith.constant 1.000000e+00 : f32
    %logistic3A_69 = vector.broadcast %logistic3A_68 : f32 to vector<2048x1xf32>
    %logistic3A_70 = arith.addf %logistic3A_69, %logistic3A_67 : vector<2048x1xf32>
    %logistic3A_71 = arith.divf %logistic3A_69, %logistic3A_70 : vector<2048x1xf32>
    %swap3A = arith.constant 0 : index
    %swap3A_72 = arith.constant 0 : index
    %swap3A_73 = vector.load %arg14[%swap3A, %swap3A_72] : memref<2048x1xf32, #tpu.memory_space<vmem>>, vector<2048x1xf32>
    tpu.vector_store %arg14[%swap3A, %swap3A_72], %logistic3A_71 {strides = array<i32>} : memref<2048x1xf32, #tpu.memory_space<vmem>>, vector<2048x1xf32>,
    return
  }
  func.func @transform_0(%arg0: i32) -> (i32, i32) {
    %c0_i32 = arith.constant 0 : i32
    %c0_i32_0 = arith.constant 0 : i32
    return %arg0, %c0_i32 : i32, i32
  }
  func.func @transform_1(%arg0: i32) -> (i32, i32) {
    %c0_i32 = arith.constant 0 : i32
    %c0_i32_0 = arith.constant 0 : i32
    return %arg0, %c0_i32 : i32, i32
  }
  func.func @transform_2(%arg0: i32) -> (i32, i32) {
    %c0_i32 = arith.constant 0 : i32
    %c0_i32_0 = arith.constant 0 : i32
    %c0_i32_1 = arith.constant 0 : i32
    return %c0_i32, %c0_i32_0 : i32, i32
  }
  func.func @transform_3(%arg0: i32) -> (i32, i32) {
    %c0_i32 = arith.constant 0 : i32
    %c0_i32_0 = arith.constant 0 : i32
    %c0_i32_1 = arith.constant 0 : i32
    return %c0_i32, %c0_i32_0 : i32, i32
  }
  func.func @transform_4(%arg0: i32) -> (i32, i32) {
    %c0_i32 = arith.constant 0 : i32
    %c0_i32_0 = arith.constant 0 : i32
    %c0_i32_1 = arith.constant 0 : i32
    return %c0_i32, %c0_i32_0 : i32, i32
  }
  func.func @transform_5(%arg0: i32) -> (i32, i32) {
    %c0_i32 = arith.constant 0 : i32
    %c0_i32_0 = arith.constant 0 : i32
    %c0_i32_1 = arith.constant 0 : i32
    return %c0_i32, %c0_i32_0 : i32, i32
  }
  func.func @transform_6(%arg0: i32) -> (i32, i32) {
    %c0_i32 = arith.constant 0 : i32
    %c0_i32_0 = arith.constant 0 : i32
    %c0_i32_1 = arith.constant 0 : i32
    return %c0_i32, %c0_i32_0 : i32, i32
  }
  func.func @transform_7(%arg0: i32) -> (i32, i32) {
    %c0_i32 = arith.constant 0 : i32
    %c0_i32_0 = arith.constant 0 : i32
    %c0_i32_1 = arith.constant 0 : i32
    return %c0_i32, %c0_i32_0 : i32, i32
  }
  func.func @transform_8(%arg0: i32) -> (i32, i32) {
    %c0_i32 = arith.constant 0 : i32
    %c0_i32_0 = arith.constant 0 : i32
    %c0_i32_1 = arith.constant 0 : i32
    return %c0_i32, %c0_i32_0 : i32, i32
  }
  func.func @transform_9(%arg0: i32) -> (i32, i32) {
    %c0_i32 = arith.constant 0 : i32
    %c0_i32_0 = arith.constant 0 : i32
    %c0_i32_1 = arith.constant 0 : i32
    return %c0_i32, %c0_i32_0 : i32, i32
  }
  func.func @transform_10(%arg0: i32) -> (i32, i32) {
    %c0_i32 = arith.constant 0 : i32
    %c0_i32_0 = arith.constant 0 : i32
    %c0_i32_1 = arith.constant 0 : i32
    return %c0_i32, %c0_i32_0 : i32, i32
  }
  func.func @transform_11(%arg0: i32) -> (i32, i32) {
    %c0_i32 = arith.constant 0 : i32
    %c0_i32_0 = arith.constant 0 : i32
    %c0_i32_1 = arith.constant 0 : i32
    return %c0_i32, %c0_i32_0 : i32, i32
  }
  func.func @transform_12(%arg0: i32) -> (i32, i32) {
    %c0_i32 = arith.constant 0 : i32
    %c0_i32_0 = arith.constant 0 : i32
    %c0_i32_1 = arith.constant 0 : i32
    return %c0_i32, %c0_i32_0 : i32, i32
  }
  func.func @transform_13(%arg0: i32) -> (i32, i32) {
    %c0_i32 = arith.constant 0 : i32
    %c0_i32_0 = arith.constant 0 : i32
    return %arg0, %c0_i32 : i32, i32
  }
}

</mosaic_0001>

<sc_bundles>
// kernel: kernel.5.cloned.1.call-start
scs
__scs_entry_jumppad:
0x0: {  	(pc) =	sbr.rel $0x88, $3  }
0x1: {  	(tag) =	ssettag $0x0;
	lr =	simm.s32 $0x1  }
0x2: {  	[smem:$0x3F94] =	sst lr;
	_ =	strace $0xD0000000  }
0x3: {  	_ = 	snop  }
0x4: {  	_ = 	snop  }
0x5: {  	_ = 	snop  }
0x6: {  	_ = 	snop  }
0x7: {  	_ = 	snop  }
__scs_overlays_trampoline_lowered:
0x8: {  	[smem:$0x3FA3] =	sst s0  }
0x9: {  	[smem:$0x3FA4] =	sst s1  }
0xa: {  	[smem:$0x3FA5] =	sst s2  }
0xb: {  	[smem:$0x3FA6] =	sst s3  }
0xc: {  	[smem:$0x3FA7] =	sst s4  }
0xd: {  	[smem:$0x3FA8] =	sst s5  }
0xe: {  	[smem:$0x3FA9] =	sst s6  }
0xf: {  	[smem:$0x3FAA] =	sst s7  }
0x10: {  	[smem:$0x3FAB] =	sst s8  }
0x11: {  	[smem:$0x3FAC] =	sst s9;
	s0 =	simm.s32 @!p0 $0x0  }
0x12: {  	s1 =	sld [smem:$0x3F92];
	s0 =	simm.s32 @p0 $0x1  }
0x13: {  	[smem:$0x3FAD] =	sst s0;
	s0 =	simm.s32 @!p1 $0x0  }
0x14: {  	s2 =	sld [smem:$0x3F91];
	s0 =	simm.s32 @p1 $0x1  }
0x15: {  	[smem:$0x3FAE] =	sst s0;
	s0 =	simm.s32 @!p2 $0x0  }
0x16: {  	s3 =	sld [smem:$0x3FDB];
	s0 =	simm.s32 @p2 $0x1  }
0x17: {  	s4 =	simm.s32 $0x1BF5;
	[smem:$0x3FB0] =	sst s0  }
0x18: {  	s0 =	sld [smem:$0x3F93];
	_ =	swait.ge [sflag:s4], $0x0  }
0x19: {  	s7 =	sld [smem:$0x3F94]  }
0x1a: {  	s8 =	sadd.s32 $0xFFFFE003, lr  }
0x1b: {  	s9 =	sadd.s32 $0xFFFFFEF7, lr;
	s5 =	simm.s32 $0xFFFFFFFF;
	p2 =	slt.u32 s8, $0xFFFFF086  }
0x1c: {  	p1 =	slt.u32 s9, $0xF7A;
	s5 =	simm.s32 @!p2 $0x0  }
0x1d: {  	s5 =	simm.s32 @p1 $0x1;
	p0 =	seq.s32 s7, s2  }
0x1e: {  	s7 =	smul.u32 @!p0 $0xF7A, s2;
	p2 =	seq.s32 @!p0 s5, $0x0  }
0x1f: {  	s9 =	smul.u32 $0xF7A, s1;
	s8 =	simm.s32 @!p0 $0x1BF5;
	p2 =	por !p2, p0  }
0x20: {  	[sflag:s8] =	ssyncset.s32 @!p0 $0xFFFFF086;
	s6 =	sadd.s32 @!p0 s3, s7;
	s7 =	simm.s32 @!p0 $0x108  }
0x21: {  	s3 =	sadd.s32 s3, s9;
	s6 =	sadd.s32 @!p0 $0x88, s6;
	s7 =	simm.s32 @p2 $0x1082  }
0x22: {  	[simem:s7], [sflag:s8] =	dma.local @!p0 [hbm:s6], $0xF7A  }
0x23: {  	s9 =	sor.u32 $0xD0000000, s2;
	s6 =	simm.s32 $0x108;
	_ =	swait.ge @!p0 [sflag:s8], $0x0  }
0x24: {  	s3 =	sadd.s32 $0x88, s3;
	s6 =	simm.s32 @!p1 $0x1082;
	[sflag:s4] =	ssyncset.s32 $0xFFFFF086  }
0x25: {  	[simem:s6], [sflag:s4] =	dma.local [hbm:s3], $0xF7A  }
0x26: {  	[smem:$0x3F94] =	sst s1;
	(tag) =	ssettag s2;
	_ =	strace s9  }
0x27: {  	s1 =	sld [smem:$0x3FA4]  }
0x28: {  	s2 =	sld [smem:$0x3FA5]  }
0x29: {  	s4 =	sld [smem:$0x3FA7]  }
0x2a: {  	p0 =	seq.s32 s5, $0x0;
	s5 =	sld [smem:$0x3FA8]  }
0x2b: {  	s6 =	sld [smem:$0x3FA9]  }
0x2c: {  	s7 =	sld [smem:$0x3FAA]  }
0x2d: {  	s3 =	simm.s32 $0x108;
	s8 =	sld [smem:$0x3FAB]  }
0x2e: {  	s3 =	simm.s32 @!p0 $0x1082;
	s9 =	sld [smem:$0x3FAC]  }
0x2f: {  	lr =	sadd.s32 s0, s3;
	s0 =	sld [smem:$0x3FA3]  }
0x30: {  	s3 =	sld [smem:$0x3FA6]  }
0x31: {  	[smem:$0x3FAF] =	sst s10  }
0x32: {  	s10 =	sld [smem:$0x3FAD];
	_ =	sdelay $0x3  }
0x33: {  	p0 =	seq.s32 s10, $0x1;
	s10 =	sld [smem:$0x3FAF];
	_ =	sdelay $0x3  }
0x34: {  	[smem:$0x3FAF] =	sst s10  }
0x35: {  	s10 =	sld [smem:$0x3FAE];
	_ =	sdelay $0x3  }
0x36: {  	p1 =	seq.s32 s10, $0x1;
	s10 =	sld [smem:$0x3FAF];
	_ =	sdelay $0x3  }
0x37: {  	[smem:$0x3FAF] =	sst s10  }
0x38: {  	s10 =	sld [smem:$0x3FB0]  }
0x39: {  	_ = 	snop;
	(pc) =	sbr.ind lr, $3  }
0x3a: {  	_ = 	snop  }
0x3b: {  	_ = 	snop  }
0x3c: {  	p2 =	seq.s32 s10, $0x1;
	s10 =	sld [smem:$0x3FAF]  }
0x3d: {  	_ =	shalt  }
0x3e: {  	_ =	shalt  }
0x3f: {  	_ =	shalt  }
0x40: {  	_ =	shalt  }
0x41: {  	_ =	shalt  }
0x42: {  	_ =	shalt  }
0x43: {  	_ =	shalt  }
0x44: {  	_ =	shalt  }
0x45: {  	_ =	shalt  }
0x46: {  	_ =	shalt  }
0x47: {  	_ =	shalt  }
0x48: {  	_ =	shalt  }
0x49: {  	_ =	shalt  }
0x4a: {  	_ =	shalt  }
0x4b: {  	_ =	shalt  }
0x4c: {  	_ =	shalt  }
0x4d: {  	_ =	shalt  }
0x4e: {  	_ =	shalt  }
0x4f: {  	_ =	shalt  }
0x50: {  	_ =	shalt  }
0x51: {  	_ =	shalt  }
0x52: {  	_ =	shalt  }
0x53: {  	_ =	shalt  }
0x54: {  	_ =	shalt  }
0x55: {  	_ =	shalt  }
0x56: {  	_ =	shalt  }
0x57: {  	_ =	shalt  }
0x58: {  	_ =	shalt  }
0x59: {  	_ =	shalt  }
0x5a: {  	_ =	shalt  }
0x5b: {  	_ =	shalt  }
0x5c: {  	_ =	shalt  }
0x5d: {  	_ =	shalt  }
0x5e: {  	_ =	shalt  }
0x5f: {  	_ =	shalt  }
0x60: {  	_ =	shalt  }
0x61: {  	_ =	shalt  }
0x62: {  	_ =	shalt  }
0x63: {  	_ =	shalt  }
0x64: {  	_ =	shalt  }
0x65: {  	_ =	shalt  }
0x66: {  	_ =	shalt  }
0x67: {  	_ =	shalt  }
0x68: {  	_ =	shalt  }
0x69: {  	_ =	shalt  }
0x6a: {  	_ =	shalt  }
0x6b: {  	_ =	shalt  }
0x6c: {  	_ =	shalt  }
0x6d: {  	_ =	shalt  }
0x6e: {  	_ =	shalt  }
0x6f: {  	_ =	shalt  }
0x70: {  	_ =	shalt  }
0x71: {  	_ =	shalt  }
0x72: {  	_ =	shalt  }
0x73: {  	_ =	shalt  }
0x74: {  	_ =	shalt  }
0x75: {  	_ =	shalt  }
0x76: {  	_ =	shalt  }
0x77: {  	_ =	shalt  }
0x78: {  	_ =	shalt  }
0x79: {  	_ =	shalt  }
0x7a: {  	_ =	shalt  }
0x7b: {  	_ =	shalt  }
0x7c: {  	_ =	shalt  }
0x7d: {  	_ =	shalt  }
0x7e: {  	_ =	shalt  }
0x7f: {  	_ =	shalt  }
0x80: {  	_ =	shalt  }
0x81: {  	_ =	shalt  }
0x82: {  	_ =	shalt  }
0x83: {  	_ =	shalt  }
0x84: {  	_ =	shalt  }
0x85: {  	_ =	shalt  }
0x86: {  	_ =	shalt  }
0x87: {  	_ =	shalt  }
.Lfunc_end0:
.L_simem_size_0:
called_computation_lowered:
.L_overlay_start_0:
0x88: {  	s2 =	sld [smem:$0x3FD9]  }
0x89: {  	s3 =	sld [smem:$0x3FFE];
	_ =	sdelay $0x1  }
0x8a: {  	s1 =	srdreg.scid  }
0x8b: {  	s0 =	sand.u32 $0x1, s1  }
0x8c: {  	s17 =	sshll.u32 s0, $0xA;
	s2 =	sadd.s32 s3, s2  }
0x8d: {  	s2 =	sadd.s32 s2, s17  }
0x8e: {  	[smem:$0x3FBB] =	sst s2  }
0x8f: {  	_ = 	snop  }
0x90: {  	s2 =	sld [smem:$0x3FC7];
	(tm) =	ssettm $0x1  }
0x91: {  	s18 =	sld [smem:$0x3FFB];
	_ =	sdelay $0x3  }
0x92: {  	_ =	strace s18  }
0x93: {  	s3 =	sld [smem:$0x3FFC];
	_ =	sdelay $0x3  }
0x94: {  	_ =	strace s3  }
0x95: {  	s3 =	sld [smem:$0x3FFD];
	_ =	sdelay $0x3  }
0x96: {  	_ =	strace s3  }
0x97: {  	_ =	strace $0x8FFFFFFF  }
0x98: {  	s19 =	sld [smem:$0x3FDB];
	_ =	sdelay $0x1  }
0x99: {  	s4 =	simm.s32 $_scs_section_size  }
0x9a: {  	s5 =	simm.s32 $_size__tile_overlayer_lowered;
	s6 =	simm.s32 $_tile_overlayer_lowered  }
0x9b: {  	s22 =	simm.s32 $0x1BFF;
	s21 =	sshll.u32 s6, $0x1;
	s3 =	sadd.s32 s4, s19  }
0x9c: {  	s7 =	simm.s32 $0x0;
	s20 =	sshll.u32 s5, $0x1;
	s5 =	sadd.s32 s21, s3  }
0x9d: {  	[timem:s7], [sflag:s22] =	dma.local [hbm:s5], s20  }
0x9e: {  	_ =	swait.ge [sflag:s22], s20  }
0x9f: {  	s4 =	ssub.s32 $0x0, s20;
	[sflag:s22] =	ssyncset.done $0x0  }
0xa0: {  	[sflag:s22] =	ssyncadd.s32 s4;
	_ =	sdelay $0x1  }
0xa1: {  	s23 =	simm.s32 $0x1B8B  }
0xa2: {  	_ =	swait.ge [sflag:s23], $0x1  }
0xa3: {  	[sflag:s23] =	ssyncset.done $0x0  }
0xa4: {  	s25 =	simm.s32 $0x1B8E;
	s24 =	sld [smem:$0x3FFE];
	[sflag:s23] =	ssyncadd.s32 $0xFFFFFFFF  }
0xa5: {  	s26 =	simm.s32 $execute0_lowered;
	[smem:$0x3FD2] =	sst s25  }
0xa6: {  	s5 =	sshll.u32 s26, $0x1;
	_ =	strace $0x80000046;
	[dreg:$0x1] =	wrdreg $0xFFFFFFFF  }
0xa7: {  	s28 =	simm.s32 $_size_execute0_lowered;
	s3 =	sadd.s32 s3, s5;
	[dreg:$0x0] =	wrdreg $0x0  }
0xa8: {  	s5 =	sshll.u32 s28, $0x1;
	[dreg:$0x2] =	wrdreg s3  }
0xa9: {  	[dreg:$0x3] =	wrdreg s5  }
0xaa: {  	[dreg:$0x4] =	wrdreg $0xC0  }
0xab: {  	_ =	task [dreg:s7], $0x5FFFF  }
0xac: {  	[dreg:$0x1] =	wrdreg $0xFFFFFFFF  }
0xad: {  	[dreg:$0x0] =	wrdreg $0x60  }
0xae: {  	[dreg:$0x2] =	wrdreg s2  }
0xaf: {  	[dreg:$0x3] =	wrdreg s24  }
0xb0: {  	[dreg:$0x4] =	wrdreg $0x9  }
0xb1: {  	_ =	task.clear_ibuf [dreg:s7], $0x5FFFF;
	_ =	strace $0x90000046  }
0xb2: {  	s29 =	simm.s32 $0x9;
	_ =	strace $0x80000048  }
0xb3: {  	_ =	swait.ge [sflag:s29], $0x1  }
0xb4: {  	[sflag:s29] =	ssyncadd.s32 $0xFFFFFFFF  }
0xb5: {  	_ =	strace $0x90000048  }
0xb6: {  	_ =	sfence  }
0xb7: {  	s30 =	sld [smem:$0x0];
	_ =	sdelay $0x2  }
0xb8: {  	s31 =	sshll.u32 s1, $0xD;
	s1 =	sshrl.u32 s1, $0x2  }
0xb9: {  	s3 =	sand.u32 $0x4000, s31;
	s1 =	sadd.s32 s1, s30  }
0xba: {  	s0 =	sor.u32 s3, s0;
	s1 =	sshll.u32 s1, $0x11  }
0xbb: {  	s0 =	sor.u32 s1, s0  }
0xbc: {  	s0 =	sadd.s32 $0x8F2B, s0  }
0xbd: {  	[sflag:s0] =	ssyncadd.remote.s32 $0x1  }
0xbe: {  	_ =	sfence.sel $0xFFFF  }
0xbf: {  	[dreg:$0x0] =	wrdreg $0xFFFFFFFF;
	(pc) =	sbr.abs _section_cstart, $3  }
0xc0: {  	[dreg:$0x1] =	wrdreg $0xFFFFFFFF  }
0xc1: {  	_ =	task.clear_ibuf [dreg:s7], $0x2FFFF;
	_ =	strace $0x9FFFFFFF  }
0xc2: {  	(tm) =	ssettm $0x7FFFFFFF  }
0xc3: {  	_ =	shalt  }
tec
execute0_lowered:
.L_overlay_start_1:
0x0: {  	(tag) =	ssettag $0x1  }
0x1: {  	v0 =	vimm.s32 $0x1780;
	vm14 =	vcmask $0x300  }
0x2: {  	v1 =	vimm.s32 $0x1781;
	vm13 =	vcmask $0x704;
	vm12 =	vcmask $0xB08  }
0x3: {  	vm11 =	vcmask $0xF0C;
	vm10 =	vcmask $0x1310;
	vm9 =	vcmask $0x1714  }
0x4: {  	vm8 =	vcmask $0x1B18;
	vm7 =	vcmask $0x1F1C;
	vm6 =	vcmask $0x2320  }
0x5: {  	vm5 =	vcmask $0x2724;
	vm4 =	vcmask $0x2B28;
	vm2 =	vcmask $0x2F2C  }
0x6: {  	vm3 =	vcmask $0x3330;
	vm1 =	vcmask $0x3734;
	vm0 =	vcmask $0x3B38  }
0x7: {  	v2 =	vimm.s32 $0x1782;
	v3 =	vimm.s32 $0x1783;
	v4 =	vimm.s32 $0x1784  }
0x8: {  	v5 =	vimm.s32 $0x1785;
	v6 =	vimm.s32 $0x1786;
	v7 =	vimm.s32 $0x1787  }
0x9: {  	v0 =	vsel vm14, $0x0, v0;
	v1 =	vsel vm14, $0x1, v1;
	v2 =	vsel vm14, $0x2, v2  }
0xa: {  	v3 =	vsel vm14, $0x3, v3;
	v4 =	vsel vm14, $0x4, v4;
	v5 =	vsel vm14, $0x5, v5  }
0xb: {  	v6 =	vsel vm14, $0x6, v6;
	v7 =	vsel vm14, $0x7, v7;
	v0 =	vsel vm13, $0x80, v0  }
0xc: {  	v1 =	vsel vm13, $0x81, v1;
	v2 =	vsel vm13, $0x82, v2;
	v3 =	vsel vm13, $0x83, v3  }
0xd: {  	v4 =	vsel vm13, $0x84, v4;
	v5 =	vsel vm13, $0x85, v5;
	v6 =	vsel vm13, $0x86, v6  }
0xe: {  	v7 =	vsel vm13, $0x87, v7;
	v0 =	vsel vm12, $0x100, v0;
	v1 =	vsel vm12, $0x101, v1  }
0xf: {  	v2 =	vsel vm12, $0x102, v2;
	v3 =	vsel vm12, $0x103, v3;
	v4 =	vsel vm12, $0x104, v4  }
0x10: {  	v5 =	vsel vm12, $0x105, v5;
	v6 =	vsel vm12, $0x106, v6;
	v7 =	vsel vm12, $0x107, v7  }
0x11: {  	v0 =	vsel vm11, $0x180, v0;
	v1 =	vsel vm11, $0x181, v1;
	v2 =	vsel vm11, $0x182, v2  }
0x12: {  	v3 =	vsel vm11, $0x183, v3;
	v4 =	vsel vm11, $0x184, v4;
	v5 =	vsel vm11, $0x185, v5  }
0x13: {  	v6 =	vsel vm11, $0x186, v6;
	v7 =	vsel vm11, $0x187, v7;
	v0 =	vsel vm10, $0x200, v0  }
0x14: {  	v1 =	vsel vm10, $0x201, v1;
	v2 =	vsel vm10, $0x202, v2;
	v3 =	vsel vm10, $0x203, v3  }
0x15: {  	v4 =	vsel vm10, $0x204, v4;
	v5 =	vsel vm10, $0x205, v5;
	v6 =	vsel vm10, $0x206, v6  }
0x16: {  	v7 =	vsel vm10, $0x207, v7;
	v0 =	vsel vm9, $0x280, v0;
	v1 =	vsel vm9, $0x281, v1  }
0x17: {  	v2 =	vsel vm9, $0x282, v2;
	v3 =	vsel vm9, $0x283, v3;
	v4 =	vsel vm9, $0x284, v4  }
0x18: {  	v5 =	vsel vm9, $0x285, v5;
	v6 =	vsel vm9, $0x286, v6;
	v7 =	vsel vm9, $0x287, v7  }
0x19: {  	v0 =	vsel vm8, $0x300, v0;
	v1 =	vsel vm8, $0x301, v1;
	v2 =	vsel vm8, $0x302, v2  }
0x1a: {  	v3 =	vsel vm8, $0x303, v3;
	v4 =	vsel vm8, $0x304, v4;
	v5 =	vsel vm8, $0x305, v5  }
0x1b: {  	v6 =	vsel vm8, $0x306, v6;
	v7 =	vsel vm8, $0x307, v7;
	v0 =	vsel vm7, $0x380, v0  }
0x1c: {  	v1 =	vsel vm7, $0x381, v1;
	v2 =	vsel vm7, $0x382, v2;
	v3 =	vsel vm7, $0x383, v3  }
0x1d: {  	v4 =	vsel vm7, $0x384, v4;
	v5 =	vsel vm7, $0x385, v5;
	v6 =	vsel vm7, $0x386, v6  }
0x1e: {  	v7 =	vsel vm7, $0x387, v7;
	v0 =	vsel vm6, $0x1400, v0;
	v1 =	vsel vm6, $0x1401, v1  }
0x1f: {  	s1 =	srdreg.scid;
	s2 =	rddreg [dreg:$0x0];
	v2 =	vsel vm6, $0x1402, v2;
	v3 =	vsel vm6, $0x1403, v3;
	v4 =	vsel vm6, $0x1404, v4  }
0x20: {  	s0 =	stileid.u32;
	s6 =	rddreg [dreg:$0x1];
	s13 =	simm.s32 $0x1400;
	v5 =	vsel vm6, $0x1405, v5;
	v6 =	vsel vm6, $0x1406, v6;
	v7 =	vsel vm6, $0x1407, v7  }
0x21: {  	s14 =	simm.s32 $0x2800;
	s15 =	simm.s32 $0x3C00;
	s16 =	simm.s32 $0x1;
	v0 =	vsel vm5, $0x1480, v0;
	v1 =	vsel vm5, $0x1481, v1;
	v2 =	vsel vm5, $0x1482, v2  }
0x22: {  	s17 =	simm.s32 $0x5000;
	s3 =	sand.u32 $0x1, s1;
	s20 =	sshll.u32 s0, $0x1;
	v3 =	vsel vm5, $0x1483, v3;
	v4 =	vsel vm5, $0x1484, v4;
	v5 =	vsel vm5, $0x1485, v5  }
0x23: {  	s18 =	simm.s32 $0x2;
	s19 =	simm.s32 $0x4;
	s1 =	sor.u32 s3, s20;
	v6 =	vsel vm5, $0x1486, v6;
	v7 =	vsel vm5, $0x1487, v7;
	v0 =	vsel vm4, $0x1500, v0  }
0x24: {  	p0 =	sgt.u32 s0, $0x6;
	p1 =	sgt.u32 s0, $0xC;
	s7 =	smul.u32 $0x180, s1;
	v1 =	vsel vm4, $0x1501, v1;
	v2 =	vsel vm4, $0x1502, v2;
	v3 =	vsel vm4, $0x1503, v3  }
0x25: {  	s3 =	ssub.s32 $0x2, s3;
	s5 =	sor.u32 $0x13C0, s1;
	s10 =	smul.u32 $0x186C00, s1;
	v4 =	vsel vm4, $0x1504, v4;
	v5 =	vsel vm4, $0x1505, v5;
	v6 =	vsel vm4, $0x1506, v6  }
0x26: {  	s20 =	simm.s32 $0x7000;
	s23 =	sshrl.u32 s3, $0x1;
	s4 =	smul.u32 $0x2A03, s5;
	v7 =	vsel vm4, $0x1507, v7;
	v0 =	vsel vm2, $0x1580, v0;
	v1 =	vsel vm2, $0x1581, v1  }
0x27: {  	s30 =	sshll.u32 s1, $0x9;
	s3 =	ssub.s32 s3, s23;
	s23 =	simm.s32 $0x0;
	v2 =	vsel vm2, $0x1582, v2;
	v3 =	vsel vm2, $0x1583, v3;
	v4 =	vsel vm2, $0x1584, v4  }
0x28: {  	s9 =	sadd.s32 s7, s6;
	s8 =	sshrl.u32 s4, $0x15;
	s4 =	simm.s32 $0x0;
	v5 =	vsel vm2, $0x1585, v5;
	v6 =	vsel vm2, $0x1586, v6;
	v7 =	vsel vm2, $0x1587, v7  }
0x29: {  	s31 =	sadd.s32 $0x1A00, s9;
	s8 =	smul.u32 $0xC3, s8;
	[smem:$0x7FF] =	sst s4;
	v0 =	vsel vm3, $0x1600, v0;
	v1 =	vsel vm3, $0x1601, v1;
	v2 =	vsel vm3, $0x1602, v2  }
0x2a: {  	s29 =	sshrl.u32 s10, $0x3;
	_ =	strace $0x80000047;
	[dreg:$0x4] =	wrdreg s31;
	v3 =	vsel vm3, $0x1603, v3;
	v4 =	vsel vm3, $0x1604, v4;
	v5 =	vsel vm3, $0x1605, v5  }
0x2b: {  	s21 =	ssub.s32 s5, s8;
	s5 =	sadd.s32 $0x4200, s6;
	s8 =	sadd.s32 s2, s30;
	v6 =	vsel vm3, $0x1606, v6;
	v7 =	vsel vm3, $0x1607, v7;
	v0 =	vsel vm1, $0x1680, v0  }
.Ltmp0:
0x2c: {  	s22 =	sand.u32 $0xFFFF, s21;
	s11 =	sadd.s32 s5, s29;
	v1 =	vsel vm1, $0x1681, v1;
	v2 =	vsel vm1, $0x1682, v2;
	v3 =	vsel vm1, $0x1683, v3;
	(pc) =	sbr.rel .LBB2_1-.Ltmp0, $4  }
0x2d: {  	s12 =	sadd.s32 $0x18700, s8;
	s21 =	simm.s32 $0x3;
	s26 =	sshll.u32 s22, $0xA;
	v4 =	vsel vm1, $0x1684, v4;
	v5 =	vsel vm1, $0x1685, v5;
	v6 =	vsel vm1, $0x1686, v6  }
0x2e: {  	s24 =	sshll.u32 s22, $0x9;
	s10 =	sadd.s32 $0x30C00, s11;
	s28 =	sadd.s32 s26, s5;
	v7 =	vsel vm1, $0x1687, v7;
	v0 =	vsel vm0, $0x1700, v0;
	v1 =	vsel vm0, $0x1701, v1  }
0x2f: {  	s11 =	smax.u32 s3, $0x1;
	s25 =	sadd.s32 s24, s2;
	s7 =	sadd.s32 $0x4C5180, s28;
	v2 =	vsel vm0, $0x1702, v2;
	v3 =	vsel vm0, $0x1703, v3;
	v4 =	vsel vm0, $0x1704, v4  }
0x30: {  	s22 =	simm.s32 $0x5;
	s6 =	sadd.s32 $0x4C5E00, s25;
	[dreg:$0x3] =	wrdreg s7;
	v5 =	vsel vm0, $0x1705, v5;
	v6 =	vsel vm0, $0x1706, v6;
	v7 =	vsel vm0, $0x1707, v7  }
.LBB2_16:
0x31: {  	s0 =	stileid.u32  }
0x32: {  	s0 =	sshll.u32 s0, $0x6  }
0x33: {  	s3 =	rddreg [dreg:$0x4];
	s0 =	sor.u32 $0x1C05, s0  }
0x34: {  	[hbm:s10], [sflag:s0] =	dma.local [hbm:s3], $0x180  }
0x35: {  	_ =	swait.ge [sflag:s22], $0x180  }
0x36: {  	[sflag:s22] =	ssyncset.done $0x0  }
0x37: {  	[sflag:s22] =	ssyncadd.s32 $0xFFFFFE80  }
.LBB2_17:
0x38: {  	s23 =	sadd.s32 $0x1, s23  }
0x39: {  	p2 =	sne.s32 s23, s11  }
.Ltmp1:
0x3a: {  	_ = 	snop;
	(pc) =	sbr.rel @!p2 .LBB2_18-.Ltmp1, $1  }
0x3b: {  	_ =	sdelay $0x3  }
.LBB2_1:
0x3c: {  	[tilespmem:s4], [sflag:$0x1] =	stream.linear.gather [hbm4b:s8+s4], $0x1000, $0x38;
	[tilespmem:$0x9000] =	vst v63  }
0x3d: {  	s24 =	simm.s32 $0x0  }
0x3e: {  	[tilespmem:s13], [sflag:$0x1] =	stream.linear.gather [hbm4b:s12+s4], $0x1000, $0x38;
	[tilespmem:$0x9000] =	vst v63  }
.LBB2_2:
0x3f: {  	s3 =	sshll.u32 s24, $0x6  }
0x40: {  	s28 =	sor.u32 s1, s3  }
0x41: {  	s3 =	sor.u32 $0x20, s28  }
0x42: {  	s25 =	smulhi.u32 $0xA80A80A9, s3;
	_ =	sdelay $0x1  }
0x43: {  	s25 =	sshrl.u32 s25, $0x7  }
0x44: {  	s26 =	smul.u32 $0xC3, s25;
	_ =	sdelay $0x1  }
0x45: {  	s9 =	smul.u32 $0x187000, s25;
	s26 =	ssub.s32 s3, s26  }
0x46: {  	s29 =	sshll.u32 s26, $0xC  }
0x47: {  	s3 =	sadd.s32 s29, s9  }
0x48: {  	s3 =	sshrl.u32 s3, $0x3  }
0x49: {  	s0 =	simm.s32 $0xF;
	s3 =	sadd.s32 s2, s3  }
0x4a: {  	[tilespmem:s14], [sflag:$0x2] =	stream.linear.gather [hbm4b:s3+s4], $0x1000, $0x38;
	[tilespmem:$0x9000] =	vst v63  }
0x4b: {  	s7 =	simm.s32 $0x8;
	s30 =	simm.s32 $0xA;
	s3 =	sadd.s32 $0x18700, s3  }
0x4c: {  	[tilespmem:s15], [sflag:$0x2] =	stream.linear.gather [hbm4b:s3+s4], $0x1000, $0x38;
	[tilespmem:$0x9000] =	vst v63  }
0x4d: {  	v8 =	vmov s0;
	v10 =	vmov s7;
	v12 =	vmov s30;
	s30 =	simm.s32 $0xD;
	_ =	swait.ge [sflag:s16], $0x2000  }
0x4e: {  	p2 =	seq.s32 s24, $0x0;
	s0 =	simm.s32 $0xE;
	v9 =	vand.u32 $0x7F, v8;
	v8 =	vshll.u32 v8, $0x3;
	v15 =	vmov s30;
	[sflag:s16] =	ssyncset.done $0x0  }
0x4f: {  	s31 =	simm.s32 @!p2 $0x3;
	v16 =	vand.u32 $0x78, v10;
	v18 =	vmov s0;
	v19 =	vand.u32 $0x7A, v12;
	[sflag:s16] =	ssyncadd.s32 $0xFFFFE000  }
0x50: {  	v10 =	vshll.u32 v10, $0x3;
	v12 =	vshll.u32 v12, $0x3;
	v22 =	vand.u32 $0x7D, v15;
	_ =	swait.ge @!p2 [sflag:s31], $0x2000  }
0x51: {  	v23 =	vand.u32 $0x7E, v18;
	v8 =	vand.u32 $0xC00, v8;
	v15 =	vshll.u32 v15, $0x3;
	[sflag:s31] =	ssyncset.done @!p2 $0x0  }
0x52: {  	v10 =	vand.u32 $0xC00, v10;
	v18 =	vshll.u32 v18, $0x3;
	v8 =	vor.u32 v9, v8;
	s29 =	simm.s32 $0x9;
	[sflag:s31] =	ssyncadd.s32 @!p2 $0xFFFFE000  }
0x53: {  	v9 =	vor.u32 v16, v10;
	v8 =	vadd.s32 v0, v8;
	s9 =	simm.s32 $0xB;
	v11 =	vmov s29;
	s29 =	simm.s32 $0xC;
	v24 =	vld.idx.msk [tilespmem:v0+s4+$0x0], $0xffff  }
0x54: {  	v9 =	vadd.s32 v0, v9;
	v13 =	vmov s9;
	v14 =	vmov s29;
	v25 =	vld.idx.msk [tilespmem:v1+s4+$0x0], $0xffff  }
0x55: {  	v17 =	vand.u32 $0x79, v11;
	v20 =	vand.u32 $0x7B, v13;
	v11 =	vshll.u32 v11, $0x3;
	v26 =	vld.idx.msk [tilespmem:v2+s4+$0x0], $0xffff  }
0x56: {  	v13 =	vshll.u32 v13, $0x3;
	v21 =	vand.u32 $0x7C, v14;
	v10 =	vand.u32 $0xC00, v11;
	v27 =	vld.idx.msk [tilespmem:v3+s4+$0x0], $0xffff  }
0x57: {  	v14 =	vshll.u32 v14, $0x3;
	v11 =	vand.u32 $0xC00, v12;
	v10 =	vor.u32 v17, v10;
	v28 =	vld.idx.msk [tilespmem:v4+s4+$0x0], $0xffff  }
0x58: {  	v13 =	vand.u32 $0xC00, v13;
	v12 =	vor.u32 v19, v11;
	v10 =	vadd.s32 v0, v10;
	v29 =	vld.idx.msk [tilespmem:v5+s4+$0x0], $0xffff  }
0x59: {  	v13 =	vor.u32 v20, v13;
	v14 =	vand.u32 $0xC00, v14;
	v12 =	vadd.s32 v0, v12;
	v11 =	vld.idx.msk [tilespmem:v6+s4+$0x0], $0xffff  }
0x5a: {  	v15 =	vand.u32 $0xC00, v15;
	v13 =	vadd.s32 v0, v13;
	v14 =	vor.u32 v21, v14;
	v30 =	vld.idx.msk [tilespmem:v7+s4+$0x0], $0xffff  }
0x5b: {  	s30 =	simm.s32 $0x12;
	v16 =	vand.u32 $0xC00, v18;
	v15 =	vor.u32 v22, v15;
	v14 =	vadd.s32 v0, v14;
	v8 =	vld.idx.msk [tilespmem:v8+s4+$0x0], $0xffff  }
0x5c: {  	s0 =	simm.s32 $0x13;
	v32 =	vmov s30;
	s30 =	simm.s32 $0x15;
	v16 =	vor.u32 v23, v16;
	v15 =	vadd.s32 v0, v15;
	v9 =	vld.idx.msk [tilespmem:v9+s4+$0x0], $0xffff  }
0x5d: {  	v33 =	vmov s0;
	v35 =	vmov s30;
	v16 =	vadd.s32 v0, v16;
	s9 =	simm.s32 $0x10;
	v10 =	vld.idx.msk [tilespmem:v10+s4+$0x0], $0xffff  }
0x5e: {  	v39 =	vand.u32 $0x7A, v32;
	v32 =	vshll.u32 v32, $0x3;
	s29 =	simm.s32 $0x11;
	v22 =	vmov s9;
	v12 =	vld.idx.msk [tilespmem:v12+s4+$0x0], $0xffff  }
0x5f: {  	s7 =	simm.s32 $0x17;
	v18 =	vand.u32 $0x7D, v35;
	v23 =	vmov s29;
	s29 =	simm.s32 $0x14;
	v36 =	vand.u32 $0x78, v22;
	v13 =	vld.idx.msk [tilespmem:v13+s4+$0x0], $0xffff  }
0x60: {  	v22 =	vshll.u32 v22, $0x3;
	v17 =	vmov s7;
	v34 =	vmov s29;
	v14 =	vld.idx.msk [tilespmem:v14+s4+$0x0], $0xffff  }
0x61: {  	s7 =	simm.s32 $0x16;
	v37 =	vand.u32 $0x79, v23;
	s29 =	simm.s32 $0x5040;
	v20 =	vand.u32 $0x7B, v33;
	v33 =	vshll.u32 v33, $0x3;
	v15 =	vld.idx.msk [tilespmem:v15+s4+$0x0], $0xffff  }
0x62: {  	v31 =	vand.u32 $0x7F, v17;
	v21 =	vshll.u32 v17, $0x3;
	v38 =	vmov s7;
	v16 =	vld.idx.msk [tilespmem:v16+s4+$0x0], $0xffff;
	[tilespmem:s29+$0x30] =	vst v30  }
0x63: {  	s9 =	smulhi.u32 $0xA80A80A9, s28;
	v19 =	vand.u32 $0x7C, v34;
	v17 =	vand.u32 $0x7E, v38;
	v40 =	vand.u32 $0xC00, v21;
	[tilespmem:s29+$0xFFFFFFC0] =	vst v24  }
0x64: {  	v21 =	vshll.u32 v35, $0x3;
	v30 =	vshll.u32 v23, $0x3;
	v23 =	vshll.u32 v34, $0x3;
	[tilespmem:s29+$0xFFFFFFD0] =	vst v25  }
0x65: {  	s30 =	sshrl.u32 s9, $0x7;
	v24 =	vand.u32 $0xC00, v22;
	v22 =	vshll.u32 v38, $0x3;
	v25 =	vor.u32 v31, v40;
	[tilespmem:s29+$0xFFFFFFE0] =	vst v26  }
0x66: {  	s3 =	smul.u32 $0xC3, s30;
	[tilespmem:s29+$0xFFFFFFF0] =	vst v27;
	v26 =	vor.u32 v36, v24;
	v30 =	vand.u32 $0xC00, v30;
	v24 =	vadd.s32 v0, v25  }
0x67: {  	v27 =	vand.u32 $0xC00, v32;
	[tilespmem:s29+$0x0] =	vst v28;
	v26 =	vadd.s32 v0, v26;
	v25 =	vor.u32 v37, v30  }
0x68: {  	s31 =	ssub.s32 s28, s3;
	s3 =	simm.s32 $0x1F;
	v28 =	vand.u32 $0xC00, v33;
	[tilespmem:s29+$0x10] =	vst v29;
	v27 =	vor.u32 v39, v27;
	v25 =	vadd.s32 v0, v25  }
.LBB2_3:
0x69: {  	p3 =	sne.s32 s3, $0x1FF;
	v27 =	vadd.s32 v0, v27;
	v20 =	vor.u32 v20, v28;
	v23 =	vand.u32 $0xC00, v23;
	[tilespmem:s29+$0x20] =	vst v11;
	v11 =	vmovc v16  }
0x6a: {  	v16 =	vadd.s32 v0, v20;
	v19 =	vor.u32 v19, v23;
	v20 =	vand.u32 $0xC00, v21  }
0x6b: {  	v19 =	vadd.s32 v0, v19;
	v18 =	vor.u32 v18, v20;
	v20 =	vand.u32 $0xC00, v22;
	v21 =	vld.idx.msk [tilespmem:v24+s4+$0x0], $0xffff  }
0x6c: {  	v22 =	vmov s3;
	v23 =	vld.idx.msk [tilespmem:v26+s4+$0x0], $0xffff;
	v18 =	vadd.s32 v0, v18;
	v17 =	vor.u32 v17, v20  }
0x6d: {  	s0 =	sadd.s32 $0xFFFFFFF9, s3;
	s7 =	sadd.s32 $0xFFFFFFFA, s3;
	s9 =	sadd.s32 $0xFFFFFFFB, s3;
	v24 =	vand.u32 $0x7F, v22;
	v22 =	vshll.u32 v22, $0x3;
	v25 =	vld.idx.msk [tilespmem:v25+s4+$0x0], $0xffff;
	v26 =	vadd.s32 v0, v17  }
0x6e: {  	v28 =	vmov s0;
	v29 =	vmov s7;
	v30 =	vmov s9;
	s0 =	sadd.s32 $0xFFFFFFFC, s3;
	s7 =	sadd.s32 $0xFFFFFFFD, s3;
	s9 =	sadd.s32 $0xFFFFFFFE, s3;
	v27 =	vld.idx.msk [tilespmem:v27+s4+$0x0], $0xffff  }
0x6f: {  	v31 =	vmov s0;
	v32 =	vmov s7;
	v33 =	vmov s9;
	s0 =	sadd.s32 $0xFFFFFFFF, s3;
	v34 =	vld.idx.msk [tilespmem:v16+s4+$0x0], $0xffff  }
0x70: {  	v35 =	vand.u32 $0x78, v28;
	v36 =	vand.u32 $0x79, v29;
	v37 =	vmov s0;
	v38 =	vld.idx.msk [tilespmem:v19+s4+$0x0], $0xffff  }
0x71: {  	s29 =	sadd.s32 $0x80, s29;
	v39 =	vand.u32 $0x7A, v30;
	v20 =	vand.u32 $0x7B, v31;
	v19 =	vand.u32 $0x7C, v32;
	v40 =	vld.idx.msk [tilespmem:v18+s4+$0x0], $0xffff  }
0x72: {  	v17 =	vand.u32 $0x7E, v37;
	v41 =	vand.u32 $0xC00, v22;
	v18 =	vand.u32 $0x7D, v33;
	v16 =	vld.idx.msk [tilespmem:v26+s4+$0x0], $0xffff;
	[tilespmem:s29+$0x30] =	vst v8;
	v8 =	vmovc v21  }
0x73: {  	v22 =	vshll.u32 v28, $0x3;
	v28 =	vshll.u32 v30, $0x3;
	v26 =	vshll.u32 v29, $0x3;
	[tilespmem:s29+$0xFFFFFFC0] =	vst v9;
	v9 =	vmovc v23  }
.Ltmp2:
0x74: {  	v29 =	vshll.u32 v31, $0x3;
	v21 =	vshll.u32 v33, $0x3;
	v23 =	vshll.u32 v32, $0x3;
	[tilespmem:s29+$0xFFFFFFD0] =	vst v10;
	v10 =	vmovc v25;
	(pc) =	sbr.rel @p3 .LBB2_3-.Ltmp2, $4  }
0x75: {  	v24 =	vor.u32 v24, v41;
	v25 =	vand.u32 $0xC00, v22;
	v22 =	vshll.u32 v37, $0x3;
	[tilespmem:s29+$0xFFFFFFE0] =	vst v12;
	v12 =	vmovc v27  }
0x76: {  	v24 =	vadd.s32 v0, v24;
	v25 =	vor.u32 v35, v25;
	v27 =	vand.u32 $0xC00, v26;
	[tilespmem:s29+$0xFFFFFFF0] =	vst v13;
	v13 =	vmovc v34  }
0x77: {  	v26 =	vadd.s32 v0, v25;
	v25 =	vor.u32 v36, v27;
	v27 =	vand.u32 $0xC00, v28;
	[tilespmem:s29+$0x0] =	vst v14;
	v14 =	vmovc v38  }
0x78: {  	s3 =	sadd.s32 $0x8, s3;
	v28 =	vand.u32 $0xC00, v29;
	v25 =	vadd.s32 v0, v25;
	v27 =	vor.u32 v39, v27;
	[tilespmem:s29+$0x10] =	vst v15;
	v15 =	vmovc v40  }
0x79: {  	_ =	sdelay $0x1  }
0x7a: {  	v27 =	vadd.s32 v0, v27;
	v20 =	vor.u32 v20, v28;
	v23 =	vand.u32 $0xC00, v23  }
0x7b: {  	[tilespmem:s29+$0x20] =	vst v11;
	v58 =	vand.u32 $0xC00, v21;
	v57 =	vadd.s32 v0, v20;
	v19 =	vor.u32 v19, v23  }
0x7c: {  	v59 =	vand.u32 $0xC00, v22;
	v18 =	vor.u32 v18, v58;
	v60 =	vld.idx.msk [tilespmem:v24+s4+$0x0], $0xffff;
	v19 =	vadd.s32 v0, v19  }
0x7d: {  	v61 =	vld.idx.msk [tilespmem:v26+s4+$0x0], $0xffff;
	v17 =	vor.u32 v17, v59;
	v18 =	vadd.s32 v0, v18  }
0x7e: {  	v62 =	vld.idx.msk [tilespmem:v25+s4+$0x0], $0xffff;
	v17 =	vadd.s32 v0, v17  }
0x7f: {  	v63 =	vld.idx.msk [tilespmem:v27+s4+$0x0], $0xffff  }
0x80: {  	v11 =	vld.idx.msk [tilespmem:v57+s4+$0x0], $0xffff  }
0x81: {  	v19 =	vld.idx.msk [tilespmem:v19+s4+$0x0], $0xffff  }
0x82: {  	s0 =	sadd.s32 $0x80, s29;
	v18 =	vld.idx.msk [tilespmem:v18+s4+$0x0], $0xffff  }
0x83: {  	v17 =	vld.idx.msk [tilespmem:v17+s4+$0x0], $0xffff;
	[tilespmem:s0+$0x30] =	vst v8  }
0x84: {  	[tilespmem:s0+$0xFFFFFFC0] =	vst v9  }
0x85: {  	[tilespmem:s0+$0xFFFFFFD0] =	vst v10  }
0x86: {  	[tilespmem:s0+$0xFFFFFFE0] =	vst v12  }
0x87: {  	[tilespmem:s0+$0xFFFFFFF0] =	vst v13  }
0x88: {  	[tilespmem:s0+$0x0] =	vst v14  }
0x89: {  	[tilespmem:s0+$0x10] =	vst v15  }
0x8a: {  	[tilespmem:s0+$0x20] =	vst v16  }
0x8b: {  	[tilespmem:$0x6F80] =	vst v61  }
0x8c: {  	[tilespmem:$0x6F90] =	vst v62  }
0x8d: {  	[tilespmem:$0x6FF0] =	vst v60  }
0x8e: {  	s30 =	smul.u32 $0x30D80, s30;
	p3 =	sne.s32 s24, $0x4E;
	[tilespmem:$0x6FA0] =	vst v63  }
.Ltmp3:
0x8f: {  	[tilespmem:$0x6FB0] =	vst v11;
	(pc) =	sbr.rel @p3 .LBB2_6-.Ltmp3, $4  }
0x90: {  	[tilespmem:$0x6FC0] =	vst v19  }
0x91: {  	s3 =	sshll.u32 s31, $0xA;
	s0 =	sadd.s32 s5, s30;
	[tilespmem:$0x6FD0] =	vst v18  }
0x92: {  	s0 =	sadd.s32 s3, s0;
	[tilespmem:$0x6FE0] =	vst v17  }
0x93: {  	[hbm4b:s0+s4] =	stream.linear.scatter [tilespmem:s17], [sflag:$0x3], $0x2000, $0x38;
	[tilespmem:$0x9000] =	vst v63  }
.Ltmp4:
0x94: {  	(pc) =	sbr.rel .LBB2_7-.Ltmp4, $4  }
0x95: {  	_ = 	snop  }
0x96: {  	_ =	swait.ge [sflag:s18], $0x2000  }
0x97: {  	[sflag:s18] =	ssyncset.done $0x0  }
0x98: {  	[sflag:s18] =	ssyncadd.s32 $0xFFFFE000  }
.LBB2_6:
0x99: {  	s0 =	sadd.s32 $0x40, s28  }
0x9a: {  	s3 =	smulhi.u32 $0xA80A80A9, s0;
	_ =	sdelay $0x1  }
0x9b: {  	s3 =	sshrl.u32 s3, $0x7  }
0x9c: {  	s7 =	smul.u32 $0xC3, s3;
	_ =	sdelay $0x1  }
0x9d: {  	s3 =	smul.u32 $0x187000, s3;
	s0 =	ssub.s32 s0, s7  }
0x9e: {  	s0 =	sshll.u32 s0, $0xC  }
0x9f: {  	s0 =	sadd.s32 s0, s3  }
0xa0: {  	s0 =	sshrl.u32 s0, $0x3  }
0xa1: {  	s0 =	sadd.s32 s2, s0  }
0xa2: {  	[tilespmem:s4], [sflag:$0x1] =	stream.linear.gather [hbm4b:s0+s4], $0x1000, $0x38;
	[tilespmem:$0x9000] =	vst v63  }
.Ltmp5:
0xa3: {  	s0 =	sadd.s32 $0x18700, s0;
	(pc) =	sbr.rel @p2 .LBB2_8-.Ltmp5, $4  }
0xa4: {  	[tilespmem:s13], [sflag:$0x1] =	stream.linear.gather [hbm4b:s0+s4], $0x1000, $0x38;
	[tilespmem:$0x9000] =	vst v63  }
0xa5: {  	_ =	swait.ge [sflag:s18], $0x2000  }
0xa6: {  	[sflag:s18] =	ssyncset.done $0x0  }
0xa7: {  	[sflag:s18] =	ssyncadd.s32 $0xFFFFE000  }
.LBB2_7:
0xa8: {  	_ =	swait.ge [sflag:s19], $0x2000  }
0xa9: {  	[sflag:s19] =	ssyncset.done $0x0  }
0xaa: {  	[sflag:s19] =	ssyncadd.s32 $0xFFFFE000  }
.LBB2_8:
0xab: {  	s0 =	simm.s32 $0xF  }
0xac: {  	s9 =	simm.s32 $0x8;
	s3 =	simm.s32 $0x9;
	s7 =	simm.s32 $0xA;
	v8 =	vmov s0  }
0xad: {  	s29 =	simm.s32 $0xB;
	s30 =	simm.s32 $0xC;
	s31 =	simm.s32 $0xD;
	v10 =	vmov s9;
	v11 =	vmov s3;
	v12 =	vmov s7  }
0xae: {  	v13 =	vmov s29;
	v14 =	vmov s30;
	v15 =	vmov s31  }
0xaf: {  	s7 =	simm.s32 $0xE;
	v9 =	vand.u32 $0x7F, v8;
	v8 =	vshll.u32 v8, $0x3;
	v16 =	vand.u32 $0x78, v10  }
0xb0: {  	v17 =	vand.u32 $0x79, v11;
	v18 =	vmov s7;
	v19 =	vand.u32 $0x7A, v12  }
0xb1: {  	v20 =	vand.u32 $0x7B, v13;
	v21 =	vand.u32 $0x7C, v14;
	v22 =	vand.u32 $0x7D, v15  }
0xb2: {  	v10 =	vshll.u32 v10, $0x3;
	v11 =	vshll.u32 v11, $0x3;
	v12 =	vshll.u32 v12, $0x3  }
0xb3: {  	v24 =	vld.idx.msk [tilespmem:v0+s14+$0x0], $0xffff;
	v13 =	vshll.u32 v13, $0x3;
	v14 =	vshll.u32 v14, $0x3;
	v15 =	vshll.u32 v15, $0x3  }
0xb4: {  	v25 =	vld.idx.msk [tilespmem:v1+s14+$0x0], $0xffff;
	v23 =	vand.u32 $0x7E, v18;
	v8 =	vand.u32 $0xC00, v8;
	v10 =	vand.u32 $0xC00, v10  }
0xb5: {  	v26 =	vld.idx.msk [tilespmem:v2+s14+$0x0], $0xffff;
	v18 =	vshll.u32 v18, $0x3;
	v13 =	vand.u32 $0xC00, v13;
	v8 =	vor.u32 v9, v8  }
0xb6: {  	v27 =	vld.idx.msk [tilespmem:v3+s14+$0x0], $0xffff;
	v14 =	vand.u32 $0xC00, v14;
	v9 =	vor.u32 v16, v10;
	v8 =	vadd.s32 v0, v8  }
0xb7: {  	v28 =	vld.idx.msk [tilespmem:v4+s14+$0x0], $0xffff;
	v15 =	vand.u32 $0xC00, v15;
	v13 =	vor.u32 v20, v13;
	v9 =	vadd.s32 v0, v9  }
0xb8: {  	v29 =	vld.idx.msk [tilespmem:v5+s14+$0x0], $0xffff;
	v10 =	vand.u32 $0xC00, v11;
	v14 =	vor.u32 v21, v14;
	v13 =	vadd.s32 v0, v13  }
0xb9: {  	v30 =	vld.idx.msk [tilespmem:v7+s14+$0x0], $0xffff;
	v11 =	vand.u32 $0xC00, v12;
	v15 =	vor.u32 v22, v15;
	v14 =	vadd.s32 v0, v14  }
0xba: {  	v10 =	vor.u32 v17, v10;
	v12 =	vor.u32 v19, v11;
	v11 =	vld.idx.msk [tilespmem:v6+s14+$0x0], $0xffff;
	v15 =	vadd.s32 v0, v15  }
0xbb: {  	s31 =	simm.s32 $0x12;
	v16 =	vand.u32 $0xC00, v18;
	v10 =	vadd.s32 v0, v10;
	v8 =	vld.idx.msk [tilespmem:v8+s14+$0x0], $0xffff  }
0xbc: {  	v32 =	vmov s31;
	s31 =	simm.s32 $0x16;
	v16 =	vor.u32 v23, v16;
	v12 =	vadd.s32 v0, v12;
	v9 =	vld.idx.msk [tilespmem:v9+s14+$0x0], $0xffff  }
0xbd: {  	s9 =	simm.s32 $0x17;
	s29 =	simm.s32 $0x10;
	v38 =	vmov s31;
	v39 =	vand.u32 $0x7A, v32;
	v16 =	vadd.s32 v0, v16;
	v13 =	vld.idx.msk [tilespmem:v13+s14+$0x0], $0xffff  }
0xbe: {  	s30 =	simm.s32 $0x11;
	v32 =	vshll.u32 v32, $0x3;
	v22 =	vmov s29;
	s29 =	simm.s32 $0x14;
	v17 =	vmov s9;
	v14 =	vld.idx.msk [tilespmem:v14+s14+$0x0], $0xffff  }
0xbf: {  	v23 =	vmov s30;
	v34 =	vmov s29;
	v36 =	vand.u32 $0x78, v22;
	v15 =	vld.idx.msk [tilespmem:v15+s14+$0x0], $0xffff  }
0xc0: {  	s9 =	simm.s32 $0x13;
	s30 =	simm.s32 $0x15;
	v22 =	vshll.u32 v22, $0x3;
	v31 =	vand.u32 $0x7F, v17;
	v21 =	vshll.u32 v17, $0x3;
	v10 =	vld.idx.msk [tilespmem:v10+s14+$0x0], $0xffff  }
0xc1: {  	s28 =	simm.s32 $0x7040;
	v33 =	vmov s9;
	v35 =	vmov s30;
	v37 =	vand.u32 $0x79, v23;
	v12 =	vld.idx.msk [tilespmem:v12+s14+$0x0], $0xffff  }
0xc2: {  	v19 =	vand.u32 $0x7C, v34;
	v17 =	vand.u32 $0x7E, v38;
	v20 =	vand.u32 $0x7B, v33;
	v16 =	vld.idx.msk [tilespmem:v16+s14+$0x0], $0xffff;
	[tilespmem:s28+$0x30] =	vst v30  }
0xc3: {  	v18 =	vand.u32 $0x7D, v35;
	v40 =	vand.u32 $0xC00, v21;
	v33 =	vshll.u32 v33, $0x3;
	[tilespmem:s28+$0xFFFFFFC0] =	vst v24  }
0xc4: {  	v21 =	vshll.u32 v35, $0x3;
	v30 =	vshll.u32 v23, $0x3;
	v23 =	vshll.u32 v34, $0x3;
	[tilespmem:s28+$0xFFFFFFD0] =	vst v25  }
0xc5: {  	v24 =	vand.u32 $0xC00, v22;
	v22 =	vshll.u32 v38, $0x3;
	v25 =	vor.u32 v31, v40;
	[tilespmem:s28+$0xFFFFFFE0] =	vst v26  }
0xc6: {  	[tilespmem:s28+$0xFFFFFFF0] =	vst v27;
	v26 =	vor.u32 v36, v24;
	v30 =	vand.u32 $0xC00, v30;
	v24 =	vadd.s32 v0, v25  }
0xc7: {  	v27 =	vand.u32 $0xC00, v32;
	[tilespmem:s28+$0x0] =	vst v28;
	v26 =	vadd.s32 v0, v26;
	v25 =	vor.u32 v37, v30  }
0xc8: {  	s3 =	simm.s32 $0x1F;
	v28 =	vand.u32 $0xC00, v33;
	[tilespmem:s28+$0x10] =	vst v29;
	v27 =	vor.u32 v39, v27;
	v25 =	vadd.s32 v0, v25  }
.LBB2_9:
0xc9: {  	p2 =	sne.s32 s3, $0x1FF;
	v27 =	vadd.s32 v0, v27;
	v20 =	vor.u32 v20, v28;
	v23 =	vand.u32 $0xC00, v23;
	[tilespmem:s28+$0x20] =	vst v11;
	v11 =	vmovc v16  }
0xca: {  	v16 =	vadd.s32 v0, v20;
	v19 =	vor.u32 v19, v23;
	v20 =	vand.u32 $0xC00, v21  }
0xcb: {  	v19 =	vadd.s32 v0, v19;
	v18 =	vor.u32 v18, v20;
	v20 =	vand.u32 $0xC00, v22;
	v21 =	vld.idx.msk [tilespmem:v24+s14+$0x0], $0xffff  }
0xcc: {  	v22 =	vmov s3;
	v23 =	vld.idx.msk [tilespmem:v26+s14+$0x0], $0xffff;
	v18 =	vadd.s32 v0, v18;
	v17 =	vor.u32 v17, v20  }
0xcd: {  	s0 =	sadd.s32 $0xFFFFFFF9, s3;
	s7 =	sadd.s32 $0xFFFFFFFA, s3;
	s9 =	sadd.s32 $0xFFFFFFFB, s3;
	v24 =	vand.u32 $0x7F, v22;
	v22 =	vshll.u32 v22, $0x3;
	v25 =	vld.idx.msk [tilespmem:v25+s14+$0x0], $0xffff;
	v26 =	vadd.s32 v0, v17  }
0xce: {  	v28 =	vmov s0;
	v29 =	vmov s7;
	v30 =	vmov s9;
	s0 =	sadd.s32 $0xFFFFFFFC, s3;
	s7 =	sadd.s32 $0xFFFFFFFD, s3;
	s9 =	sadd.s32 $0xFFFFFFFE, s3;
	v27 =	vld.idx.msk [tilespmem:v27+s14+$0x0], $0xffff  }
0xcf: {  	v31 =	vmov s0;
	v32 =	vmov s7;
	v33 =	vmov s9;
	s0 =	sadd.s32 $0xFFFFFFFF, s3;
	v34 =	vld.idx.msk [tilespmem:v16+s14+$0x0], $0xffff  }
0xd0: {  	v35 =	vand.u32 $0x78, v28;
	v36 =	vand.u32 $0x79, v29;
	v37 =	vmov s0;
	v38 =	vld.idx.msk [tilespmem:v19+s14+$0x0], $0xffff  }
0xd1: {  	s28 =	sadd.s32 $0x80, s28;
	v39 =	vand.u32 $0x7A, v30;
	v20 =	vand.u32 $0x7B, v31;
	v19 =	vand.u32 $0x7C, v32;
	v40 =	vld.idx.msk [tilespmem:v18+s14+$0x0], $0xffff  }
0xd2: {  	v17 =	vand.u32 $0x7E, v37;
	v41 =	vand.u32 $0xC00, v22;
	v18 =	vand.u32 $0x7D, v33;
	v16 =	vld.idx.msk [tilespmem:v26+s14+$0x0], $0xffff;
	[tilespmem:s28+$0x30] =	vst v8;
	v8 =	vmovc v21  }
0xd3: {  	v22 =	vshll.u32 v28, $0x3;
	v28 =	vshll.u32 v30, $0x3;
	v26 =	vshll.u32 v29, $0x3;
	[tilespmem:s28+$0xFFFFFFC0] =	vst v9;
	v9 =	vmovc v23  }
.Ltmp6:
0xd4: {  	v29 =	vshll.u32 v31, $0x3;
	v21 =	vshll.u32 v33, $0x3;
	v23 =	vshll.u32 v32, $0x3;
	[tilespmem:s28+$0xFFFFFFD0] =	vst v10;
	v10 =	vmovc v25;
	(pc) =	sbr.rel @p2 .LBB2_9-.Ltmp6, $4  }
0xd5: {  	v24 =	vor.u32 v24, v41;
	v25 =	vand.u32 $0xC00, v22;
	v22 =	vshll.u32 v37, $0x3;
	[tilespmem:s28+$0xFFFFFFE0] =	vst v12;
	v12 =	vmovc v27  }
0xd6: {  	v24 =	vadd.s32 v0, v24;
	v25 =	vor.u32 v35, v25;
	v27 =	vand.u32 $0xC00, v26;
	[tilespmem:s28+$0xFFFFFFF0] =	vst v13;
	v13 =	vmovc v34  }
0xd7: {  	v26 =	vadd.s32 v0, v25;
	v25 =	vor.u32 v36, v27;
	v27 =	vand.u32 $0xC00, v28;
	[tilespmem:s28+$0x0] =	vst v14;
	v14 =	vmovc v38  }
0xd8: {  	s3 =	sadd.s32 $0x8, s3;
	v28 =	vand.u32 $0xC00, v29;
	v25 =	vadd.s32 v0, v25;
	v27 =	vor.u32 v39, v27;
	[tilespmem:s28+$0x10] =	vst v15;
	v15 =	vmovc v40  }
0xd9: {  	_ =	sdelay $0x1  }
0xda: {  	v27 =	vadd.s32 v0, v27;
	v20 =	vor.u32 v20, v28;
	v23 =	vand.u32 $0xC00, v23  }
0xdb: {  	[tilespmem:s28+$0x20] =	vst v11;
	v58 =	vand.u32 $0xC00, v21;
	v57 =	vadd.s32 v0, v20;
	v19 =	vor.u32 v19, v23  }
0xdc: {  	v59 =	vand.u32 $0xC00, v22;
	v18 =	vor.u32 v18, v58;
	v60 =	vld.idx.msk [tilespmem:v24+s14+$0x0], $0xffff;
	v19 =	vadd.s32 v0, v19  }
0xdd: {  	v61 =	vld.idx.msk [tilespmem:v26+s14+$0x0], $0xffff;
	v17 =	vor.u32 v17, v59;
	v18 =	vadd.s32 v0, v18  }
0xde: {  	v62 =	vld.idx.msk [tilespmem:v25+s14+$0x0], $0xffff;
	v17 =	vadd.s32 v0, v17  }
0xdf: {  	v63 =	vld.idx.msk [tilespmem:v27+s14+$0x0], $0xffff  }
0xe0: {  	v11 =	vld.idx.msk [tilespmem:v57+s14+$0x0], $0xffff  }
0xe1: {  	v19 =	vld.idx.msk [tilespmem:v19+s14+$0x0], $0xffff  }
0xe2: {  	s0 =	sadd.s32 $0x80, s28;
	v18 =	vld.idx.msk [tilespmem:v18+s14+$0x0], $0xffff  }
0xe3: {  	v17 =	vld.idx.msk [tilespmem:v17+s14+$0x0], $0xffff;
	[tilespmem:s0+$0x30] =	vst v8  }
0xe4: {  	[tilespmem:s0+$0xFFFFFFC0] =	vst v9  }
0xe5: {  	[tilespmem:s0+$0xFFFFFFD0] =	vst v10  }
0xe6: {  	[tilespmem:s0+$0xFFFFFFE0] =	vst v12  }
0xe7: {  	[tilespmem:s0+$0xFFFFFFF0] =	vst v13  }
0xe8: {  	[tilespmem:s0+$0x0] =	vst v14  }
0xe9: {  	[tilespmem:s0+$0x10] =	vst v15  }
0xea: {  	[tilespmem:s0+$0x20] =	vst v16  }
0xeb: {  	[tilespmem:$0x8F80] =	vst v61  }
0xec: {  	[tilespmem:$0x8F90] =	vst v62  }
0xed: {  	s24 =	sadd.s32 $0x1, s24;
	[tilespmem:$0x8FF0] =	vst v60  }
0xee: {  	s31 =	smul.u32 $0x186C00, s25;
	p2 =	sne.s32 s24, $0x4F;
	[tilespmem:$0x8FA0] =	vst v63  }
.Ltmp7:
0xef: {  	s3 =	sshll.u32 s26, $0xD;
	[tilespmem:$0x8FB0] =	vst v11;
	(pc) =	sbr.rel @p2 .LBB2_2-.Ltmp7, $4  }
0xf0: {  	s0 =	sadd.s32 s31, s3;
	[tilespmem:$0x8FC0] =	vst v19  }
0xf1: {  	s0 =	sshrl.u32 s0, $0x3;
	[tilespmem:$0x8FD0] =	vst v18  }
0xf2: {  	s0 =	sadd.s32 s5, s0;
	[tilespmem:$0x8FE0] =	vst v17  }
0xf3: {  	[hbm4b:s0+s4] =	stream.linear.scatter [tilespmem:s20], [sflag:$0x4], $0x2000, $0x38;
	[tilespmem:$0x9000] =	vst v63  }
0xf4: {  	_ =	swait.ge [sflag:s21], $0x2000  }
.Ltmp8:
0xf5: {  	[sflag:s21] =	ssyncset.done $0x0;
	(pc) =	sbr.rel @p0 .LBB2_15-.Ltmp8, $4  }
0xf6: {  	[sflag:s21] =	ssyncadd.s32 $0xFFFFE000  }
0xf7: {  	_ =	swait.ge [sflag:s19], $0x2000  }
0xf8: {  	[sflag:s19] =	ssyncset.done $0x0  }
0xf9: {  	[sflag:s19] =	ssyncadd.s32 $0xFFFFE000  }
0xfa: {  	[tilespmem:s4], [sflag:$0x5] =	stream.linear.gather [hbm4b:s6+s4], $0x1000, $0x38;
	[tilespmem:$0x9000] =	vst v63  }
0xfb: {  	s3 =	simm.s32 $0xF  }
0xfc: {  	s26 =	simm.s32 $0x8;
	s28 =	simm.s32 $0x9;
	s7 =	simm.s32 $0xA;
	v8 =	vmov s3  }
0xfd: {  	s29 =	simm.s32 $0xB;
	s30 =	simm.s32 $0xC;
	s31 =	simm.s32 $0xD;
	v10 =	vmov s26;
	v11 =	vmov s28;
	v12 =	vmov s7  }
0xfe: {  	s0 =	sadd.s32 $0x18700, s6;
	v13 =	vmov s29;
	v14 =	vmov s30;
	v15 =	vmov s31;
	s7 =	simm.s32 $0xE  }
0xff: {  	[tilespmem:s13], [sflag:$0x5] =	stream.linear.gather [hbm4b:s0+s4], $0x1000, $0x38;
	v9 =	vand.u32 $0x7F, v8;
	v8 =	vshll.u32 v8, $0x3;
	v16 =	vand.u32 $0x78, v10;
	[tilespmem:$0x9000] =	vst v63  }
0x100: {  	v17 =	vand.u32 $0x79, v11;
	v18 =	vmov s7;
	v19 =	vand.u32 $0x7A, v12;
	_ =	swait.ge [sflag:s22], $0x2000  }
0x101: {  	v20 =	vand.u32 $0x7B, v13;
	v21 =	vand.u32 $0x7C, v14;
	v22 =	vand.u32 $0x7D, v15;
	[sflag:s22] =	ssyncset.done $0x0  }
0x102: {  	v10 =	vshll.u32 v10, $0x3;
	v11 =	vshll.u32 v11, $0x3;
	v12 =	vshll.u32 v12, $0x3;
	[sflag:s22] =	ssyncadd.s32 $0xFFFFE000  }
0x103: {  	v13 =	vshll.u32 v13, $0x3;
	v14 =	vshll.u32 v14, $0x3;
	v15 =	vshll.u32 v15, $0x3;
	v24 =	vld.idx.msk [tilespmem:v0+s4+$0x0], $0xffff  }
0x104: {  	v23 =	vand.u32 $0x7E, v18;
	v8 =	vand.u32 $0xC00, v8;
	v10 =	vand.u32 $0xC00, v10;
	v25 =	vld.idx.msk [tilespmem:v1+s4+$0x0], $0xffff  }
0x105: {  	v13 =	vand.u32 $0xC00, v13;
	v14 =	vand.u32 $0xC00, v14;
	v8 =	vor.u32 v9, v8;
	v26 =	vld.idx.msk [tilespmem:v2+s4+$0x0], $0xffff  }
0x106: {  	v15 =	vand.u32 $0xC00, v15;
	v9 =	vor.u32 v16, v10;
	v8 =	vadd.s32 v0, v8;
	v27 =	vld.idx.msk [tilespmem:v3+s4+$0x0], $0xffff  }
0x107: {  	v10 =	vand.u32 $0xC00, v11;
	v13 =	vor.u32 v20, v13;
	v9 =	vadd.s32 v0, v9;
	v28 =	vld.idx.msk [tilespmem:v4+s4+$0x0], $0xffff  }
0x108: {  	v11 =	vand.u32 $0xC00, v12;
	v14 =	vor.u32 v21, v14;
	v13 =	vadd.s32 v0, v13;
	v29 =	vld.idx.msk [tilespmem:v5+s4+$0x0], $0xffff  }
0x109: {  	v15 =	vor.u32 v22, v15;
	v12 =	vor.u32 v19, v11;
	v14 =	vadd.s32 v0, v14;
	v11 =	vld.idx.msk [tilespmem:v6+s4+$0x0], $0xffff  }
0x10a: {  	v18 =	vshll.u32 v18, $0x3;
	v10 =	vor.u32 v17, v10;
	v15 =	vadd.s32 v0, v15;
	v30 =	vld.idx.msk [tilespmem:v7+s4+$0x0], $0xffff  }
0x10b: {  	s26 =	simm.s32 $0x12;
	v16 =	vand.u32 $0xC00, v18;
	v10 =	vadd.s32 v0, v10;
	v8 =	vld.idx.msk [tilespmem:v8+s4+$0x0], $0xffff  }
0x10c: {  	s28 =	simm.s32 $0x13;
	s29 =	simm.s32 $0x14;
	v32 =	vmov s26;
	v16 =	vor.u32 v23, v16;
	v12 =	vadd.s32 v0, v12;
	v9 =	vld.idx.msk [tilespmem:v9+s4+$0x0], $0xffff  }
0x10d: {  	s30 =	simm.s32 $0x15;
	s31 =	simm.s32 $0x16;
	v33 =	vmov s28;
	v34 =	vmov s29;
	v16 =	vadd.s32 v0, v16;
	v13 =	vld.idx.msk [tilespmem:v13+s4+$0x0], $0xffff  }
0x10e: {  	s24 =	simm.s32 $0x10;
	v35 =	vmov s30;
	v38 =	vmov s31;
	v39 =	vand.u32 $0x7A, v32;
	v14 =	vld.idx.msk [tilespmem:v14+s4+$0x0], $0xffff  }
0x10f: {  	s9 =	simm.s32 $0x17;
	v32 =	vshll.u32 v32, $0x3;
	v22 =	vmov s24;
	v20 =	vand.u32 $0x7B, v33;
	v15 =	vld.idx.msk [tilespmem:v15+s4+$0x0], $0xffff  }
0x110: {  	s25 =	simm.s32 $0x11;
	v18 =	vand.u32 $0x7D, v35;
	v33 =	vshll.u32 v33, $0x3;
	v17 =	vmov s9;
	v10 =	vld.idx.msk [tilespmem:v10+s4+$0x0], $0xffff  }
0x111: {  	s24 =	simm.s32 $0x5040;
	v23 =	vmov s25;
	v36 =	vand.u32 $0x78, v22;
	v19 =	vand.u32 $0x7C, v34;
	v12 =	vld.idx.msk [tilespmem:v12+s4+$0x0], $0xffff  }
0x112: {  	v22 =	vshll.u32 v22, $0x3;
	v31 =	vand.u32 $0x7F, v17;
	v21 =	vshll.u32 v17, $0x3;
	v16 =	vld.idx.msk [tilespmem:v16+s4+$0x0], $0xffff;
	[tilespmem:s24+$0x30] =	vst v30  }
0x113: {  	v37 =	vand.u32 $0x79, v23;
	v17 =	vand.u32 $0x7E, v38;
	v40 =	vand.u32 $0xC00, v21;
	[tilespmem:s24+$0xFFFFFFC0] =	vst v24  }
0x114: {  	v21 =	vshll.u32 v35, $0x3;
	v30 =	vshll.u32 v23, $0x3;
	v23 =	vshll.u32 v34, $0x3;
	[tilespmem:s24+$0xFFFFFFD0] =	vst v25  }
0x115: {  	v24 =	vand.u32 $0xC00, v22;
	v22 =	vshll.u32 v38, $0x3;
	v25 =	vor.u32 v31, v40;
	[tilespmem:s24+$0xFFFFFFE0] =	vst v26  }
0x116: {  	[tilespmem:s24+$0xFFFFFFF0] =	vst v27;
	v26 =	vor.u32 v36, v24;
	v30 =	vand.u32 $0xC00, v30;
	v24 =	vadd.s32 v0, v25  }
0x117: {  	v27 =	vand.u32 $0xC00, v32;
	[tilespmem:s24+$0x0] =	vst v28;
	v26 =	vadd.s32 v0, v26;
	v25 =	vor.u32 v37, v30  }
0x118: {  	s3 =	simm.s32 $0x1F;
	v28 =	vand.u32 $0xC00, v33;
	[tilespmem:s24+$0x10] =	vst v29;
	v27 =	vor.u32 v39, v27;
	v25 =	vadd.s32 v0, v25  }
.LBB2_13:
0x119: {  	p2 =	sne.s32 s3, $0x1FF;
	v27 =	vadd.s32 v0, v27;
	v20 =	vor.u32 v20, v28;
	v23 =	vand.u32 $0xC00, v23;
	[tilespmem:s24+$0x20] =	vst v11;
	v11 =	vmovc v16  }
0x11a: {  	v16 =	vadd.s32 v0, v20;
	v19 =	vor.u32 v19, v23;
	v20 =	vand.u32 $0xC00, v21  }
0x11b: {  	v19 =	vadd.s32 v0, v19;
	v18 =	vor.u32 v18, v20;
	v20 =	vand.u32 $0xC00, v22;
	v21 =	vld.idx.msk [tilespmem:v24+s4+$0x0], $0xffff  }
0x11c: {  	v22 =	vmov s3;
	v23 =	vld.idx.msk [tilespmem:v26+s4+$0x0], $0xffff;
	v18 =	vadd.s32 v0, v18;
	v17 =	vor.u32 v17, v20  }
0x11d: {  	s0 =	sadd.s32 $0xFFFFFFF9, s3;
	s7 =	sadd.s32 $0xFFFFFFFA, s3;
	s9 =	sadd.s32 $0xFFFFFFFB, s3;
	v24 =	vand.u32 $0x7F, v22;
	v22 =	vshll.u32 v22, $0x3;
	v25 =	vld.idx.msk [tilespmem:v25+s4+$0x0], $0xffff;
	v26 =	vadd.s32 v0, v17  }
0x11e: {  	v28 =	vmov s0;
	v29 =	vmov s7;
	v30 =	vmov s9;
	s0 =	sadd.s32 $0xFFFFFFFC, s3;
	s7 =	sadd.s32 $0xFFFFFFFD, s3;
	s9 =	sadd.s32 $0xFFFFFFFE, s3;
	v27 =	vld.idx.msk [tilespmem:v27+s4+$0x0], $0xffff  }
0x11f: {  	v31 =	vmov s0;
	v32 =	vmov s7;
	v33 =	vmov s9;
	s0 =	sadd.s32 $0xFFFFFFFF, s3;
	v34 =	vld.idx.msk [tilespmem:v16+s4+$0x0], $0xffff  }
0x120: {  	v35 =	vand.u32 $0x78, v28;
	v36 =	vand.u32 $0x79, v29;
	v37 =	vmov s0;
	v38 =	vld.idx.msk [tilespmem:v19+s4+$0x0], $0xffff  }
0x121: {  	s24 =	sadd.s32 $0x80, s24;
	v39 =	vand.u32 $0x7A, v30;
	v20 =	vand.u32 $0x7B, v31;
	v19 =	vand.u32 $0x7C, v32;
	v40 =	vld.idx.msk [tilespmem:v18+s4+$0x0], $0xffff  }
0x122: {  	v17 =	vand.u32 $0x7E, v37;
	v41 =	vand.u32 $0xC00, v22;
	v18 =	vand.u32 $0x7D, v33;
	v16 =	vld.idx.msk [tilespmem:v26+s4+$0x0], $0xffff;
	[tilespmem:s24+$0x30] =	vst v8;
	v8 =	vmovc v21  }
0x123: {  	v22 =	vshll.u32 v28, $0x3;
	v28 =	vshll.u32 v30, $0x3;
	v26 =	vshll.u32 v29, $0x3;
	[tilespmem:s24+$0xFFFFFFC0] =	vst v9;
	v9 =	vmovc v23  }
.Ltmp9:
0x124: {  	v29 =	vshll.u32 v31, $0x3;
	v21 =	vshll.u32 v33, $0x3;
	v23 =	vshll.u32 v32, $0x3;
	[tilespmem:s24+$0xFFFFFFD0] =	vst v10;
	v10 =	vmovc v25;
	(pc) =	sbr.rel @p2 .LBB2_13-.Ltmp9, $4  }
0x125: {  	v24 =	vor.u32 v24, v41;
	v25 =	vand.u32 $0xC00, v22;
	v22 =	vshll.u32 v37, $0x3;
	[tilespmem:s24+$0xFFFFFFE0] =	vst v12;
	v12 =	vmovc v27  }
0x126: {  	v24 =	vadd.s32 v0, v24;
	v25 =	vor.u32 v35, v25;
	v27 =	vand.u32 $0xC00, v26;
	[tilespmem:s24+$0xFFFFFFF0] =	vst v13;
	v13 =	vmovc v34  }
0x127: {  	v26 =	vadd.s32 v0, v25;
	v25 =	vor.u32 v36, v27;
	v27 =	vand.u32 $0xC00, v28;
	[tilespmem:s24+$0x0] =	vst v14;
	v14 =	vmovc v38  }
0x128: {  	s3 =	sadd.s32 $0x8, s3;
	v28 =	vand.u32 $0xC00, v29;
	v25 =	vadd.s32 v0, v25;
	v27 =	vor.u32 v39, v27;
	[tilespmem:s24+$0x10] =	vst v15;
	v15 =	vmovc v40  }
0x129: {  	_ =	sdelay $0x1  }
0x12a: {  	v27 =	vadd.s32 v0, v27;
	v20 =	vor.u32 v20, v28;
	v23 =	vand.u32 $0xC00, v23  }
0x12b: {  	[tilespmem:s24+$0x20] =	vst v11;
	v58 =	vand.u32 $0xC00, v21;
	v57 =	vadd.s32 v0, v20;
	v19 =	vor.u32 v19, v23  }
0x12c: {  	v59 =	vand.u32 $0xC00, v22;
	v18 =	vor.u32 v18, v58;
	v60 =	vld.idx.msk [tilespmem:v24+s4+$0x0], $0xffff;
	v19 =	vadd.s32 v0, v19  }
0x12d: {  	v61 =	vld.idx.msk [tilespmem:v26+s4+$0x0], $0xffff;
	v17 =	vor.u32 v17, v59;
	v18 =	vadd.s32 v0, v18  }
0x12e: {  	v62 =	vld.idx.msk [tilespmem:v25+s4+$0x0], $0xffff;
	v17 =	vadd.s32 v0, v17  }
0x12f: {  	v63 =	vld.idx.msk [tilespmem:v27+s4+$0x0], $0xffff  }
0x130: {  	v11 =	vld.idx.msk [tilespmem:v57+s4+$0x0], $0xffff  }
0x131: {  	v19 =	vld.idx.msk [tilespmem:v19+s4+$0x0], $0xffff  }
0x132: {  	s0 =	sadd.s32 $0x80, s24;
	v18 =	vld.idx.msk [tilespmem:v18+s4+$0x0], $0xffff  }
0x133: {  	v17 =	vld.idx.msk [tilespmem:v17+s4+$0x0], $0xffff;
	[tilespmem:s0+$0x30] =	vst v8  }
0x134: {  	[tilespmem:s0+$0xFFFFFFC0] =	vst v9  }
0x135: {  	[tilespmem:s0+$0xFFFFFFD0] =	vst v10  }
0x136: {  	[tilespmem:s0+$0xFFFFFFE0] =	vst v12  }
0x137: {  	[tilespmem:s0+$0xFFFFFFF0] =	vst v13  }
0x138: {  	[tilespmem:s0+$0x0] =	vst v14  }
0x139: {  	[tilespmem:s0+$0x10] =	vst v15  }
0x13a: {  	[tilespmem:s0+$0x20] =	vst v16  }
0x13b: {  	[tilespmem:$0x6F80] =	vst v61  }
0x13c: {  	[tilespmem:$0x6F90] =	vst v62  }
0x13d: {  	[tilespmem:$0x6FF0] =	vst v60  }
0x13e: {  	[tilespmem:$0x6FA0] =	vst v63  }
0x13f: {  	[tilespmem:$0x6FB0] =	vst v11  }
0x140: {  	[tilespmem:$0x6FC0] =	vst v19  }
0x141: {  	[tilespmem:$0x6FD0] =	vst v18  }
.Ltmp10:
0x142: {  	s31 =	rddreg [dreg:$0x3];
	[tilespmem:$0x6FE0] =	vst v17;
	(pc) =	sbr.rel .LBB2_16-.Ltmp10, $4  }
0x143: {  	[hbm4b:s31+s4] =	stream.linear.scatter [tilespmem:s17], [sflag:$0x5], $0x2000, $0x38;
	[tilespmem:$0x9000] =	vst v63  }
0x144: {  	_ =	swait.ge [sflag:s22], $0x2000  }
0x145: {  	[sflag:s22] =	ssyncset.done $0x0  }
0x146: {  	[sflag:s22] =	ssyncadd.s32 $0xFFFFE000  }
.LBB2_15:
.Ltmp11:
0x147: {  	(pc) =	sbr.rel @p1 .LBB2_17-.Ltmp11, $4  }
.Ltmp12:
0x148: {  	(pc) =	sbr.rel @!p1 .LBB2_16-.Ltmp12, $4  }
0x149: {  	_ = 	snop  }
0x14a: {  	_ = 	snop  }
0x14b: {  	_ = 	snop  }
0x14c: {  	_ = 	snop  }
.LBB2_18:
0x14d: {  	_ =	sfence.sel $0x180000  }
0x14e: {  	[bflag:$0x0] =	sbarrier.arrive $0xFFFF  }
0x14f: {  	_ =	strace $0x90000047  }
0x150: {  	s0 =	stileid.u32;
	[bflag:$0x2] =	sbarrier.arrive $0xFFFF  }
0x151: {  	p0 =	sne.s32 s0, $0x0;
	s0 =	rddreg [dreg:$0x2]  }
0x152: {  	s0 =	sadd.s32 @!p0 $0x100000, s0  }
0x153: {  	[sflag:s0] =	ssyncadd.tile.s32 @!p0 $0x1;
	_ =	shalt  }
.Lfunc_end2:
_tile_overlayer_lowered:
.L_overlay_start_2:
0x154: {  	(tag) =	ssettag $0x2  }
0x155: {  	s0 =	rddreg [dreg:$0x0];
	s2 =	stileid.u32  }
0x156: {  	s1 =	rddreg [dreg:$0x1];
	p0 =	sne.s32 s2, $0x0  }
0x157: {  	s3 =	rddreg [dreg:$0x2];
	[bflag:$0x3] =	sbarrier.arrive $0xFFFF;
	s2 =	simm.s32 @!p0 $0x1C05  }
0x158: {  	[timem:s3], [sflag:s2] =	dma.local @!p0 [hbm:s0], s1  }
0x159: {  	s0 =	simm.s32 @!p0 $0x5  }
0x15a: {  	_ =	swait.ge @!p0 [sflag:s0], s1  }
0x15b: {  	s1 =	ssub.s32 @!p0 $0x0, s1;
	[sflag:s0] =	ssyncset.done @!p0 $0x0  }
0x15c: {  	[sflag:s0] =	ssyncadd.s32 @!p0 s1  }
0x15d: {  	[bflag:$0x3] =	sbarrier.arrive $0xFFFF  }
0x15e: {  	_ =	shalt  }

// kernel: kernel.8.cloned.1.call-start
scs
__scs_entry_jumppad:
0x0: {  	(pc) =	sbr.rel $0x88, $3  }
0x1: {  	(tag) =	ssettag $0x0;
	lr =	simm.s32 $0x1  }
0x2: {  	[smem:$0x3F94] =	sst lr;
	_ =	strace $0xD0000000  }
0x3: {  	_ = 	snop  }
0x4: {  	_ = 	snop  }
0x5: {  	_ = 	snop  }
0x6: {  	_ = 	snop  }
0x7: {  	_ = 	snop  }
__scs_overlays_trampoline_lowered:
0x8: {  	[smem:$0x3FA3] =	sst s0  }
0x9: {  	[smem:$0x3FA4] =	sst s1  }
0xa: {  	[smem:$0x3FA5] =	sst s2  }
0xb: {  	[smem:$0x3FA6] =	sst s3  }
0xc: {  	[smem:$0x3FA7] =	sst s4  }
0xd: {  	[smem:$0x3FA8] =	sst s5  }
0xe: {  	[smem:$0x3FA9] =	sst s6  }
0xf: {  	[smem:$0x3FAA] =	sst s7  }
0x10: {  	[smem:$0x3FAB] =	sst s8  }
0x11: {  	[smem:$0x3FAC] =	sst s9;
	s0 =	simm.s32 @!p0 $0x0  }
0x12: {  	s1 =	sld [smem:$0x3F92];
	s0 =	simm.s32 @p0 $0x1  }
0x13: {  	[smem:$0x3FAD] =	sst s0;
	s0 =	simm.s32 @!p1 $0x0  }
0x14: {  	s2 =	sld [smem:$0x3F91];
	s0 =	simm.s32 @p1 $0x1  }
0x15: {  	[smem:$0x3FAE] =	sst s0;
	s0 =	simm.s32 @!p2 $0x0  }
0x16: {  	s3 =	sld [smem:$0x3FDB];
	s0 =	simm.s32 @p2 $0x1  }
0x17: {  	s4 =	simm.s32 $0x1BF5;
	[smem:$0x3FB0] =	sst s0  }
0x18: {  	s0 =	sld [smem:$0x3F93];
	_ =	swait.ge [sflag:s4], $0x0  }
0x19: {  	s7 =	sld [smem:$0x3F94]  }
0x1a: {  	s8 =	sadd.s32 $0xFFFFE003, lr  }
0x1b: {  	s9 =	sadd.s32 $0xFFFFFEF7, lr;
	s5 =	simm.s32 $0xFFFFFFFF;
	p2 =	slt.u32 s8, $0xFFFFF086  }
0x1c: {  	p1 =	slt.u32 s9, $0xF7A;
	s5 =	simm.s32 @!p2 $0x0  }
0x1d: {  	s5 =	simm.s32 @p1 $0x1;
	p0 =	seq.s32 s7, s2  }
0x1e: {  	s7 =	smul.u32 @!p0 $0xF7A, s2;
	p2 =	seq.s32 @!p0 s5, $0x0  }
0x1f: {  	s9 =	smul.u32 $0xF7A, s1;
	s8 =	simm.s32 @!p0 $0x1BF5;
	p2 =	por !p2, p0  }
0x20: {  	[sflag:s8] =	ssyncset.s32 @!p0 $0xFFFFF086;
	s6 =	sadd.s32 @!p0 s3, s7;
	s7 =	simm.s32 @!p0 $0x108  }
0x21: {  	s3 =	sadd.s32 s3, s9;
	s6 =	sadd.s32 @!p0 $0x88, s6;
	s7 =	simm.s32 @p2 $0x1082  }
0x22: {  	[simem:s7], [sflag:s8] =	dma.local @!p0 [hbm:s6], $0xF7A  }
0x23: {  	s9 =	sor.u32 $0xD0000000, s2;
	s6 =	simm.s32 $0x108;
	_ =	swait.ge @!p0 [sflag:s8], $0x0  }
0x24: {  	s3 =	sadd.s32 $0x88, s3;
	s6 =	simm.s32 @!p1 $0x1082;
	[sflag:s4] =	ssyncset.s32 $0xFFFFF086  }
0x25: {  	[simem:s6], [sflag:s4] =	dma.local [hbm:s3], $0xF7A  }
0x26: {  	[smem:$0x3F94] =	sst s1;
	(tag) =	ssettag s2;
	_ =	strace s9  }
0x27: {  	s1 =	sld [smem:$0x3FA4]  }
0x28: {  	s2 =	sld [smem:$0x3FA5]  }
0x29: {  	s4 =	sld [smem:$0x3FA7]  }
0x2a: {  	p0 =	seq.s32 s5, $0x0;
	s5 =	sld [smem:$0x3FA8]  }
0x2b: {  	s6 =	sld [smem:$0x3FA9]  }
0x2c: {  	s7 =	sld [smem:$0x3FAA]  }
0x2d: {  	s3 =	simm.s32 $0x108;
	s8 =	sld [smem:$0x3FAB]  }
0x2e: {  	s3 =	simm.s32 @!p0 $0x1082;
	s9 =	sld [smem:$0x3FAC]  }
0x2f: {  	lr =	sadd.s32 s0, s3;
	s0 =	sld [smem:$0x3FA3]  }
0x30: {  	s3 =	sld [smem:$0x3FA6]  }
0x31: {  	[smem:$0x3FAF] =	sst s10  }
0x32: {  	s10 =	sld [smem:$0x3FAD];
	_ =	sdelay $0x3  }
0x33: {  	p0 =	seq.s32 s10, $0x1;
	s10 =	sld [smem:$0x3FAF];
	_ =	sdelay $0x3  }
0x34: {  	[smem:$0x3FAF] =	sst s10  }
0x35: {  	s10 =	sld [smem:$0x3FAE];
	_ =	sdelay $0x3  }
0x36: {  	p1 =	seq.s32 s10, $0x1;
	s10 =	sld [smem:$0x3FAF];
	_ =	sdelay $0x3  }
0x37: {  	[smem:$0x3FAF] =	sst s10  }
0x38: {  	s10 =	sld [smem:$0x3FB0]  }
0x39: {  	_ = 	snop;
	(pc) =	sbr.ind lr, $3  }
0x3a: {  	_ = 	snop  }
0x3b: {  	_ = 	snop  }
0x3c: {  	p2 =	seq.s32 s10, $0x1;
	s10 =	sld [smem:$0x3FAF]  }
0x3d: {  	_ =	shalt  }
0x3e: {  	_ =	shalt  }
0x3f: {  	_ =	shalt  }
0x40: {  	_ =	shalt  }
0x41: {  	_ =	shalt  }
0x42: {  	_ =	shalt  }
0x43: {  	_ =	shalt  }
0x44: {  	_ =	shalt  }
0x45: {  	_ =	shalt  }
0x46: {  	_ =	shalt  }
0x47: {  	_ =	shalt  }
0x48: {  	_ =	shalt  }
0x49: {  	_ =	shalt  }
0x4a: {  	_ =	shalt  }
0x4b: {  	_ =	shalt  }
0x4c: {  	_ =	shalt  }
0x4d: {  	_ =	shalt  }
0x4e: {  	_ =	shalt  }
0x4f: {  	_ =	shalt  }
0x50: {  	_ =	shalt  }
0x51: {  	_ =	shalt  }
0x52: {  	_ =	shalt  }
0x53: {  	_ =	shalt  }
0x54: {  	_ =	shalt  }
0x55: {  	_ =	shalt  }
0x56: {  	_ =	shalt  }
0x57: {  	_ =	shalt  }
0x58: {  	_ =	shalt  }
0x59: {  	_ =	shalt  }
0x5a: {  	_ =	shalt  }
0x5b: {  	_ =	shalt  }
0x5c: {  	_ =	shalt  }
0x5d: {  	_ =	shalt  }
0x5e: {  	_ =	shalt  }
0x5f: {  	_ =	shalt  }
0x60: {  	_ =	shalt  }
0x61: {  	_ =	shalt  }
0x62: {  	_ =	shalt  }
0x63: {  	_ =	shalt  }
0x64: {  	_ =	shalt  }
0x65: {  	_ =	shalt  }
0x66: {  	_ =	shalt  }
0x67: {  	_ =	shalt  }
0x68: {  	_ =	shalt  }
0x69: {  	_ =	shalt  }
0x6a: {  	_ =	shalt  }
0x6b: {  	_ =	shalt  }
0x6c: {  	_ =	shalt  }
0x6d: {  	_ =	shalt  }
0x6e: {  	_ =	shalt  }
0x6f: {  	_ =	shalt  }
0x70: {  	_ =	shalt  }
0x71: {  	_ =	shalt  }
0x72: {  	_ =	shalt  }
0x73: {  	_ =	shalt  }
0x74: {  	_ =	shalt  }
0x75: {  	_ =	shalt  }
0x76: {  	_ =	shalt  }
0x77: {  	_ =	shalt  }
0x78: {  	_ =	shalt  }
0x79: {  	_ =	shalt  }
0x7a: {  	_ =	shalt  }
0x7b: {  	_ =	shalt  }
0x7c: {  	_ =	shalt  }
0x7d: {  	_ =	shalt  }
0x7e: {  	_ =	shalt  }
0x7f: {  	_ =	shalt  }
0x80: {  	_ =	shalt  }
0x81: {  	_ =	shalt  }
0x82: {  	_ =	shalt  }
0x83: {  	_ =	shalt  }
0x84: {  	_ =	shalt  }
0x85: {  	_ =	shalt  }
0x86: {  	_ =	shalt  }
0x87: {  	_ =	shalt  }
.Lfunc_end0:
.L_simem_size_0:
called_computation.1_lowered:
.L_overlay_start_0:
0x88: {  	s2 =	sld [smem:$0x3FD9]  }
0x89: {  	s3 =	sld [smem:$0x3FFE];
	_ =	sdelay $0x1  }
0x8a: {  	s1 =	srdreg.scid  }
0x8b: {  	s0 =	sand.u32 $0x1, s1  }
0x8c: {  	s16 =	sshll.u32 s0, $0xA;
	s2 =	sadd.s32 s3, s2  }
0x8d: {  	s2 =	sadd.s32 s2, s16  }
0x8e: {  	[smem:$0x3FBB] =	sst s2  }
0x8f: {  	_ = 	snop  }
0x90: {  	(tm) =	ssettm $0x1  }
0x91: {  	s17 =	sld [smem:$0x3FFB];
	_ =	sdelay $0x3  }
0x92: {  	_ =	strace s17  }
0x93: {  	s2 =	sld [smem:$0x3FFC];
	_ =	sdelay $0x3  }
0x94: {  	_ =	strace s2  }
0x95: {  	s2 =	sld [smem:$0x3FFD];
	_ =	sdelay $0x3  }
0x96: {  	_ =	strace s2  }
0x97: {  	_ =	strace $0x8FFFFFFF  }
0x98: {  	s18 =	sld [smem:$0x3FDB];
	_ =	sdelay $0x1  }
0x99: {  	s19 =	simm.s32 $_scs_section_size  }
0x9a: {  	s4 =	simm.s32 $_size__tile_overlayer_lowered;
	s5 =	simm.s32 $_tile_overlayer_lowered  }
0x9b: {  	s22 =	simm.s32 $0x1BFF;
	s21 =	sshll.u32 s5, $0x1;
	s2 =	sadd.s32 s19, s18  }
0x9c: {  	s6 =	simm.s32 $0x0;
	s20 =	sshll.u32 s4, $0x1;
	s4 =	sadd.s32 s21, s2  }
0x9d: {  	[timem:s6], [sflag:s22] =	dma.local [hbm:s4], s20  }
0x9e: {  	_ =	swait.ge [sflag:s22], s20  }
0x9f: {  	s3 =	ssub.s32 $0x0, s20;
	[sflag:s22] =	ssyncset.done $0x0  }
0xa0: {  	[sflag:s22] =	ssyncadd.s32 s3;
	_ =	sdelay $0x1  }
0xa1: {  	s23 =	simm.s32 $0x1B8B  }
0xa2: {  	_ =	swait.ge [sflag:s23], $0x1  }
0xa3: {  	[sflag:s23] =	ssyncset.done $0x0  }
0xa4: {  	s25 =	simm.s32 $0x1B8E;
	s24 =	sld [smem:$0x3FFE];
	[sflag:s23] =	ssyncadd.s32 $0xFFFFFFFF  }
0xa5: {  	s26 =	simm.s32 $execute0_lowered;
	[smem:$0x3FD2] =	sst s25  }
0xa6: {  	s4 =	sshll.u32 s26, $0x1;
	_ =	strace $0x80000049;
	[dreg:$0x1] =	wrdreg $0xFFFFFFFF  }
0xa7: {  	s28 =	simm.s32 $_size_execute0_lowered;
	s2 =	sadd.s32 s2, s4;
	[dreg:$0x0] =	wrdreg $0x0  }
0xa8: {  	s4 =	sshll.u32 s28, $0x1;
	[dreg:$0x2] =	wrdreg s2  }
0xa9: {  	[dreg:$0x3] =	wrdreg s4  }
0xaa: {  	[dreg:$0x4] =	wrdreg $0xC0  }
0xab: {  	_ =	task [dreg:s6], $0x5FFFF  }
0xac: {  	[dreg:$0x1] =	wrdreg $0xFFFFFFFF  }
0xad: {  	[dreg:$0x0] =	wrdreg $0x60  }
0xae: {  	[dreg:$0x2] =	wrdreg s24  }
0xaf: {  	[dreg:$0x3] =	wrdreg $0x9  }
0xb0: {  	_ =	task.clear_ibuf [dreg:s6], $0x4FFFF;
	_ =	strace $0x90000049  }
0xb1: {  	s29 =	simm.s32 $0x9;
	_ =	strace $0x8000004B  }
0xb2: {  	_ =	swait.ge [sflag:s29], $0x1  }
0xb3: {  	[sflag:s29] =	ssyncadd.s32 $0xFFFFFFFF  }
0xb4: {  	_ =	strace $0x9000004B  }
0xb5: {  	_ =	sfence  }
0xb6: {  	s30 =	sld [smem:$0x0];
	_ =	sdelay $0x2  }
0xb7: {  	s31 =	sshll.u32 s1, $0xD;
	s1 =	sshrl.u32 s1, $0x2  }
0xb8: {  	s3 =	sand.u32 $0x4000, s31;
	s1 =	sadd.s32 s1, s30  }
0xb9: {  	s0 =	sor.u32 s3, s0;
	s1 =	sshll.u32 s1, $0x11  }
0xba: {  	s0 =	sor.u32 s1, s0  }
0xbb: {  	s0 =	sadd.s32 $0x8F2B, s0  }
0xbc: {  	[sflag:s0] =	ssyncadd.remote.s32 $0x1  }
0xbd: {  	_ =	sfence.sel $0xFFFF  }
0xbe: {  	[dreg:$0x0] =	wrdreg $0xFFFFFFFF;
	(pc) =	sbr.abs _section_cstart, $3  }
0xbf: {  	[dreg:$0x1] =	wrdreg $0xFFFFFFFF  }
0xc0: {  	_ =	task.clear_ibuf [dreg:s6], $0x2FFFF;
	_ =	strace $0x9FFFFFFF  }
0xc1: {  	(tm) =	ssettm $0x7FFFFFFF  }
tec
execute0_lowered:
.L_overlay_start_1:
0x0: {  	(tag) =	ssettag $0x1  }
0x1: {  	s4 =	rddreg [dreg:$0x0]  }
0x2: {  	s0 =	rddreg [dreg:$0x1];
	s2 =	simm.s32 $0x0;
	s3 =	srdreg.scid  }
0x3: {  	s1 =	stileid.u32;
	s10 =	simm.s32 $0x80;
	s11 =	simm.s32 $0x3400  }
0x4: {  	s12 =	simm.s32 $0x3C00;
	s13 =	simm.s32 $0x4400;
	s14 =	simm.s32 $0x4C00  }
0x5: {  	s15 =	simm.s32 $0x1;
	s16 =	simm.s32 $0x10;
	s17 =	simm.s32 $0x1A0  }
0x6: {  	s18 =	simm.s32 $0x0;
	[smem:$0x7FF] =	sst s2;
	s5 =	sand.u32 $0x1, s3  }
0x7: {  	s6 =	smul.u32 $0x68000, s1;
	s3 =	sadd.s32 $0x4200, s4;
	s8 =	sshll.u32 s1, $0xA  }
0x8: {  	s7 =	smul.u32 $0x34000, s5;
	s9 =	sshll.u32 s5, $0x9;
	s5 =	ssub.s32 $0x2, s5  }
0x9: {  	_ =	strace $0x8000004A;
	s8 =	sor.u32 s9, s8;
	s31 =	sshrl.u32 s5, $0x1  }
0xa: {  	s9 =	simm.s32 $0x2;
	s6 =	sadd.s32 s7, s6;
	s30 =	sshrl.u32 s8, $0x3  }
0xb: {  	s5 =	ssub.s32 s5, s31;
	s6 =	sshrl.u32 s6, $0x3;
	s7 =	sadd.s32 s30, s4  }
0xc: {  	s8 =	simm.s32 $0x4000;
	s6 =	sadd.s32 s6, s4;
	s4 =	sadd.s32 $0x4FA200, s7  }
0xd: {  	s5 =	smax.u32 s5, $0x1;
	s7 =	simm.s32 $0x200;
	s6 =	sadd.s32 $0x507200, s6  }
.LBB2_1:
0xe: {  	[tilespmem:s2], [sflag:$0x2] =	stream.strided.gather [hbm4b:s4+s7], $0x3400, s8, s7, $0x38;
	[tilespmem:$0x5400] =	vst v63  }
0xf: {  	_ =	swait.ge [sflag:s9], $0x3400  }
0x10: {  	[sflag:s9] =	ssyncset.done $0x0  }
0x11: {  	s19 =	simm.s32 $0x0;
	[sflag:s9] =	ssyncadd.s32 $0xFFFFCC00  }
0x12: {  	[tilespmem:s11], [sflag:$0x1] =	stream.indirect.gather [hbm4b:s3+s10], $0x10, s19, s10, $0xb8;
	[tilespmem:$0x5400] =	vst v63  }
0x13: {  	s29 =	simm.s32 $0x80  }
0x14: {  	[tilespmem:s12], [sflag:$0x1] =	stream.indirect.gather [hbm4b:s3+s10], $0x10, s29, s10, $0xb8;
	[tilespmem:$0x5400] =	vst v63  }
0x15: {  	s30 =	simm.s32 $0x100  }
0x16: {  	[tilespmem:s13], [sflag:$0x1] =	stream.indirect.gather [hbm4b:s3+s10], $0x10, s30, s10, $0xb8;
	[tilespmem:$0x5400] =	vst v63  }
0x17: {  	s31 =	simm.s32 $0x180  }
0x18: {  	[tilespmem:s14], [sflag:$0x1] =	stream.indirect.gather [hbm4b:s3+s10], $0x10, s31, s10, $0xb8;
	[tilespmem:$0x5400] =	vst v63  }
0x19: {  	_ =	swait.ge [sflag:s15], $0x800  }
0x1a: {  	[sflag:s15] =	ssyncset.done $0x0  }
0x1b: {  	[sflag:s15] =	ssyncadd.s32 $0xFFFFF800  }
0x1c: {  	_ =	swait.ge [sflag:s15], $0x800  }
0x1d: {  	[sflag:s15] =	ssyncset.done $0x0  }
0x1e: {  	[sflag:s15] =	ssyncadd.s32 $0xFFFFF800  }
0x1f: {  	_ =	swait.ge [sflag:s15], $0x800  }
0x20: {  	[sflag:s15] =	ssyncset.done $0x0  }
0x21: {  	[sflag:s15] =	ssyncadd.s32 $0xFFFFF800  }
0x22: {  	_ =	swait.ge [sflag:s15], $0x800  }
0x23: {  	[sflag:s15] =	ssyncset.done $0x0  }
0x24: {  	[sflag:s15] =	ssyncadd.s32 $0xFFFFF800  }
0x25: {  	[hbm4b:s6+s16] =	stream.strided.scatter [tilespmem:s11], [sflag:$0x2], $0x2000, s17, s16, $0x38;
	[tilespmem:$0x5400] =	vst v63  }
0x26: {  	s21 =	simm.s32 $0x800;
	s22 =	simm.s32 $0x1000;
	_ =	swait.ge [sflag:s9], $0x2000  }
0x27: {  	s20 =	sadd.s32 $0x30D80, s3;
	s19 =	sadd.s32 $0x2, s6;
	[sflag:s9] =	ssyncset.done $0x0  }
.LBB2_2:
0x28: {  	s23 =	sshra.s32 s21, $0x2  }
0x29: {  	[sflag:s9] =	ssyncadd.s32 $0xFFFFE000;
	s21 =	smov.u32 s22;
	s24 =	sadd.s32 $0x800, s22  }
0x2a: {  	[tilespmem:s11], [sflag:$0x1] =	stream.indirect.gather [hbm4b:s20+s10], $0x10, s23, s10, $0xb8;
	[tilespmem:$0x5400] =	vst v63  }
0x2b: {  	p0 =	sne.s32 s22, $0xC800;
	s22 =	sadd.s32 $0x80, s23  }
0x2c: {  	[tilespmem:s12], [sflag:$0x1] =	stream.indirect.gather [hbm4b:s20+s10], $0x10, s22, s10, $0xb8;
	[tilespmem:$0x5400] =	vst v63  }
0x2d: {  	s22 =	sadd.s32 $0x100, s23  }
0x2e: {  	[tilespmem:s13], [sflag:$0x1] =	stream.indirect.gather [hbm4b:s20+s10], $0x10, s22, s10, $0xb8;
	[tilespmem:$0x5400] =	vst v63  }
0x2f: {  	s22 =	sadd.s32 $0x180, s23  }
0x30: {  	[tilespmem:s14], [sflag:$0x1] =	stream.indirect.gather [hbm4b:s20+s10], $0x10, s22, s10, $0xb8;
	[tilespmem:$0x5400] =	vst v63  }
0x31: {  	_ =	swait.ge [sflag:s15], $0x800  }
0x32: {  	[sflag:s15] =	ssyncset.done $0x0  }
0x33: {  	[sflag:s15] =	ssyncadd.s32 $0xFFFFF800  }
0x34: {  	_ =	swait.ge [sflag:s15], $0x800  }
0x35: {  	[sflag:s15] =	ssyncset.done $0x0  }
0x36: {  	[sflag:s15] =	ssyncadd.s32 $0xFFFFF800  }
0x37: {  	_ =	swait.ge [sflag:s15], $0x800  }
0x38: {  	[sflag:s15] =	ssyncset.done $0x0  }
0x39: {  	[sflag:s15] =	ssyncadd.s32 $0xFFFFF800  }
0x3a: {  	_ =	swait.ge [sflag:s15], $0x800  }
.Ltmp0:
0x3b: {  	[sflag:s15] =	ssyncset.done $0x0;
	(pc) =	sbr.rel @p0 .LBB2_2-.Ltmp0, $4  }
0x3c: {  	[sflag:s15] =	ssyncadd.s32 $0xFFFFF800  }
0x3d: {  	[hbm4b:s19+s16] =	stream.strided.scatter [tilespmem:s11], [sflag:$0x2], $0x2000, s17, s16, $0x38;
	[tilespmem:$0x5400] =	vst v63  }
0x3e: {  	s20 =	sadd.s32 $0x30D80, s20;
	_ =	swait.ge [sflag:s9], $0x2000  }
0x3f: {  	s22 =	smov.u32 s24;
	s19 =	sadd.s32 $0x2, s19;
	[sflag:s9] =	ssyncset.done $0x0  }
0x40: {  	s21 =	sshra.s32 s21, $0x2;
	[sflag:s9] =	ssyncadd.s32 $0xFFFFE000  }
0x41: {  	[tilespmem:s11], [sflag:$0x1] =	stream.indirect.gather [hbm4b:s20+s10], $0x10, s21, s10, $0xb8;
	[tilespmem:$0x5400] =	vst v63  }
0x42: {  	s22 =	sadd.s32 $0x80, s21  }
0x43: {  	[tilespmem:s12], [sflag:$0x1] =	stream.indirect.gather [hbm4b:s20+s10], $0x10, s22, s10, $0xb8;
	[tilespmem:$0x5400] =	vst v63  }
0x44: {  	s31 =	sadd.s32 $0x100, s21  }
0x45: {  	[tilespmem:s13], [sflag:$0x1] =	stream.indirect.gather [hbm4b:s20+s10], $0x10, s31, s10, $0xb8;
	[tilespmem:$0x5400] =	vst v63  }
0x46: {  	s21 =	sadd.s32 $0x180, s21  }
0x47: {  	[tilespmem:s14], [sflag:$0x1] =	stream.indirect.gather [hbm4b:s20+s10], $0x10, s21, s10, $0xb8;
	[tilespmem:$0x5400] =	vst v63  }
0x48: {  	_ =	swait.ge [sflag:s15], $0x800  }
0x49: {  	[sflag:s15] =	ssyncset.done $0x0  }
0x4a: {  	[sflag:s15] =	ssyncadd.s32 $0xFFFFF800  }
0x4b: {  	_ =	swait.ge [sflag:s15], $0x800  }
0x4c: {  	[sflag:s15] =	ssyncset.done $0x0  }
0x4d: {  	[sflag:s15] =	ssyncadd.s32 $0xFFFFF800  }
0x4e: {  	_ =	swait.ge [sflag:s15], $0x800  }
0x4f: {  	[sflag:s15] =	ssyncset.done $0x0  }
0x50: {  	[sflag:s15] =	ssyncadd.s32 $0xFFFFF800  }
0x51: {  	s18 =	sadd.s32 $0x1, s18;
	_ =	swait.ge [sflag:s15], $0x800  }
0x52: {  	p0 =	sne.s32 s18, s5;
	[sflag:s15] =	ssyncset.done $0x0  }
.Ltmp1:
0x53: {  	[sflag:s15] =	ssyncadd.s32 $0xFFFFF800;
	(pc) =	sbr.rel @p0 .LBB2_1-.Ltmp1, $4  }
0x54: {  	[hbm4b:s19+s16] =	stream.strided.scatter [tilespmem:s11], [sflag:$0x2], $0x2000, s17, s16, $0x38;
	[tilespmem:$0x5400] =	vst v63  }
0x55: {  	_ =	swait.ge [sflag:s9], $0x2000  }
0x56: {  	[sflag:s9] =	ssyncset.done $0x0  }
0x57: {  	[sflag:s9] =	ssyncadd.s32 $0xFFFFE000  }
0x58: {  	_ =	sfence.sel $0x180000  }
0x59: {  	[bflag:$0x0] =	sbarrier.arrive $0xFFFF  }
0x5a: {  	p0 =	sne.s32 s1, $0x0;
	_ =	strace $0x9000004A  }
0x5b: {  	s0 =	sadd.s32 @!p0 $0x100000, s0;
	[bflag:$0x2] =	sbarrier.arrive $0xFFFF  }
0x5c: {  	[sflag:s0] =	ssyncadd.tile.s32 @!p0 $0x1;
	_ =	shalt  }
.Lfunc_end2:
_tile_overlayer_lowered:
.L_overlay_start_2:
0x5d: {  	(tag) =	ssettag $0x2  }
0x5e: {  	s0 =	rddreg [dreg:$0x0];
	s2 =	stileid.u32  }
0x5f: {  	s1 =	rddreg [dreg:$0x1];
	p0 =	sne.s32 s2, $0x0  }
0x60: {  	s3 =	rddreg [dreg:$0x2];
	[bflag:$0x3] =	sbarrier.arrive $0xFFFF;
	s2 =	simm.s32 @!p0 $0x1C02  }
0x61: {  	[timem:s3], [sflag:s2] =	dma.local @!p0 [hbm:s0], s1  }
0x62: {  	s0 =	simm.s32 @!p0 $0x2  }
0x63: {  	_ =	swait.ge @!p0 [sflag:s0], s1  }
0x64: {  	s1 =	ssub.s32 @!p0 $0x0, s1;
	[sflag:s0] =	ssyncset.done @!p0 $0x0  }
0x65: {  	[sflag:s0] =	ssyncadd.s32 @!p0 s1  }
0x66: {  	[bflag:$0x3] =	sbarrier.arrive $0xFFFF  }
0x67: {  	_ =	shalt  }

</sc_bundles>
